<compile_context>
chip_gen: v7x
topology: tpu7x:2x2x1
jax: 0.10.2.dev20260603
libtpu: 0.0.44.dev20260713+nightly
codegen_flags: <defaults>
</compile_context>

<pallas_src>
import functools

import jax
import jax.numpy as jnp
from jax import lax
from jax.experimental import pallas as pl
from jax.experimental.pallas import tpu as pltpu
from jax.experimental.pallas import tpu_sc as plsc

N = 10000
E = 320000
F = 128
HID2 = 127
CF = 64
OF = 16
SLOPE = (1.0 / 8.0 + 1.0 / 3.0) / 2.0

NC = 2
NS = 16
NW = NC * NS
EPW = E // NW
K = 40
NCHUNK = EPW // K
U = 5
NP = 10240
RPT = NP // NS

_mesh = plsc.VectorSubcoreMesh(core_axis_name="c", subcore_axis_name="s")


@functools.partial(
    pl.kernel,
    out_type=jax.ShapeDtypeStruct((NC, NP, F), jnp.float32),
    mesh=_mesh,
    scratch_types=[
        pltpu.VMEM((EPW,), jnp.int32),
        pltpu.VMEM((K, F), jnp.float32),
        pltpu.VMEM_SHARED((NP, F), jnp.float32),
    ]
    + [pltpu.SemaphoreType.DMA] * U,
)
def _deg_kernel(dst_hbm, ones_hbm, zeros_hbm, out_hbm, dst_v, ones_v, acc,
                *sems):
    c = lax.axis_index("c")
    s = lax.axis_index("s")
    w = c * NS + s
    pltpu.sync_copy(dst_hbm.at[w], dst_v)
    pltpu.sync_copy(ones_hbm, ones_v)
    pltpu.sync_copy(zeros_hbm.at[pl.ds(s * RPT, RPT)], acc.at[pl.ds(s * RPT, RPT)])
    plsc.subcore_barrier()

    for b in range(U):
        pltpu.async_copy(ones_v, acc.at[dst_v.at[pl.ds(b * K, K)]], sems[b],
                         add=True)

    def body(gi, carry):
        g = gi * U
        for b in range(U):
            j = g + b
            pltpu.make_async_copy(ones_v, acc.at[dst_v.at[pl.ds(j * K, K)]],
                                  sems[b]).wait()
            pltpu.async_copy(ones_v,
                             acc.at[dst_v.at[pl.ds((j + U) * K, K)]],
                             sems[b], add=True)
        return carry

    lax.fori_loop(0, NCHUNK // U - 1, body, 0)
    for b in range(U):
        j = NCHUNK - U + b
        pltpu.make_async_copy(ones_v, acc.at[dst_v.at[pl.ds(j * K, K)]],
                              sems[b]).wait()
    plsc.subcore_barrier()
    pltpu.sync_copy(acc.at[pl.ds(s * RPT, RPT)], out_hbm.at[c, pl.ds(s * RPT, RPT)])


@functools.partial(
    pl.kernel,
    out_type=jax.ShapeDtypeStruct((NC, NP, F), jnp.float32),
    mesh=_mesh,
    scratch_types=[
        pltpu.VMEM((EPW,), jnp.int32),
        pltpu.VMEM((EPW,), jnp.int32),
        pltpu.VMEM((U, K, F), jnp.float32),
        pltpu.VMEM_SHARED((NP, F), jnp.float32),
    ]
    + [pltpu.SemaphoreType.DMA] * (2 * U),
)
def _agg_kernel(x_hbm, src_hbm, dst_hbm, zeros_hbm, out_hbm,
                src_v, dst_v, rows_v, acc, *sems):
    c = lax.axis_index("c")
    s = lax.axis_index("s")
    w = c * NS + s
    pltpu.sync_copy(src_hbm.at[w], src_v)
    pltpu.sync_copy(dst_hbm.at[w], dst_v)
    pltpu.sync_copy(zeros_hbm.at[pl.ds(s * RPT, RPT)], acc.at[pl.ds(s * RPT, RPT)])
    plsc.subcore_barrier()

    gsem = sems[:U]
    ssem = sems[U:]
    for b in range(U):
        pltpu.async_copy(x_hbm.at[src_v.at[pl.ds(b * K, K)]], rows_v.at[b],
                         gsem[b])

    def body(gi, carry):
        g = gi * U
        for b in range(U):
            j = g + b
            pltpu.make_async_copy(x_hbm.at[src_v.at[pl.ds(j * K, K)]],
                                  rows_v.at[b], gsem[b]).wait()
            pltpu.async_copy(rows_v.at[b], acc.at[dst_v.at[pl.ds(j * K, K)]],
                             ssem[b], add=True)
        for b in range(U):
            j = g + b
            pltpu.make_async_copy(rows_v.at[b],
                                  acc.at[dst_v.at[pl.ds(j * K, K)]],
                                  ssem[b]).wait()
            pltpu.async_copy(x_hbm.at[src_v.at[pl.ds((j + U) * K, K)]],
                             rows_v.at[b], gsem[b])
        return carry

    lax.fori_loop(0, NCHUNK // U - 1, body, 0)
    for b in range(U):
        j = NCHUNK - U + b
        pltpu.make_async_copy(x_hbm.at[src_v.at[pl.ds(j * K, K)]],
                              rows_v.at[b], gsem[b]).wait()
        pltpu.async_copy(rows_v.at[b], acc.at[dst_v.at[pl.ds(j * K, K)]],
                         ssem[b], add=True)
    for b in range(U):
        j = NCHUNK - U + b
        pltpu.make_async_copy(rows_v.at[b],
                              acc.at[dst_v.at[pl.ds(j * K, K)]], ssem[b]).wait()
    plsc.subcore_barrier()
    pltpu.sync_copy(acc.at[pl.ds(s * RPT, RPT)], out_hbm.at[c, pl.ds(s * RPT, RPT)])


def _gru(x, Wih, Whh, bih, bhh, d):
    gi = jnp.dot(x, Wih, preferred_element_type=jnp.float32) + bih
    gh = jnp.dot(x, Whh, preferred_element_type=jnp.float32) + bhh
    i_r, i_z, i_n = gi[:, :d], gi[:, d:2 * d], gi[:, 2 * d:]
    h_r, h_z, h_n = gh[:, :d], gh[:, d:2 * d], gh[:, 2 * d:]
    r = jax.nn.sigmoid(i_r + h_r)
    z = jax.nn.sigmoid(i_z + h_z)
    n = jnp.tanh(i_n + r * h_n)
    return (1.0 - z) * n + z * x


def _evolve_body(ns_ref, W1_ref, W2_ref, Wih1_ref, Whh1_ref, bih1_ref, bhh1_ref,
                 Wih2_ref, Whh2_ref, bih2_ref, bhh2_ref, Wm1_ref,
                 W1f_ref, Wc_ref):
    ns = ns_ref[0]

    def body(t, carry):
        W1, W2 = carry
        W1 = _gru(W1, Wih1_ref[...], Whh1_ref[...], bih1_ref[...], bhh1_ref[...], F)
        W2 = _gru(W2, Wih2_ref[...], Whh2_ref[...], bih2_ref[...], bhh2_ref[...], HID2)
        return (W1, W2)

    W1f, W2f = lax.fori_loop(0, ns, body, (W1_ref[...], W2_ref[...]))
    W1f_ref[...] = W1f
    Wc_ref[...] = jnp.dot(W2f, Wm1_ref[...], preferred_element_type=jnp.float32)


def _prep_body(d0_ref, d1_ref, x_ref, xp_ref, dinv_ref):
    deg = d0_ref[:, 0:1] + d1_ref[:, 0:1]
    dinv = lax.rsqrt(jnp.maximum(deg, 1.0))
    dinv_ref[...] = dinv
    xp_ref[...] = x_ref[...] * dinv


def _mid_body(z0_ref, z1_ref, dinv_ref, W1f_ref, hp_ref):
    dinv = dinv_ref[...]
    z = (z0_ref[...] + z1_ref[...]) * dinv
    h = jnp.dot(z, W1f_ref[...], preferred_element_type=jnp.float32)
    h = jnp.where(h >= 0.0, h, SLOPE * h)
    hp_ref[...] = h * dinv


def _final_body(u0_ref, u1_ref, dinv_ref, Wc_ref, bm1_ref, Wm2_ref, bm2_ref, out_ref):
    u = (u0_ref[...] + u1_ref[...]) * dinv_ref[...]
    t = jnp.dot(u, Wc_ref[...], preferred_element_type=jnp.float32) + bm1_ref[...]
    t = jnp.maximum(t, 0.0)
    out_ref[...] = jnp.dot(t, Wm2_ref[...], preferred_element_type=jnp.float32) + bm2_ref[...]


def kernel(feat_list, edge_index, n_step, W1, W2, Wih1, Whh1, bih1, bhh1,
           Wih2, Whh2, bih2, bhh2, Wm1, bm1, Wm2, bm2):
    src = edge_index[0].reshape(NW, EPW)
    dst = edge_index[1].reshape(NW, EPW)
    x_last = lax.dynamic_index_in_dim(feat_list, n_step - 1, 0, keepdims=False)
    x_last = jnp.pad(x_last, ((0, NP - N), (0, 0)))

    ones_d = jnp.ones((K, F), jnp.float32)
    zeros_f = jnp.zeros((NP, F), jnp.float32)

    deg_parts = _deg_kernel(dst, ones_d, zeros_f)

    W1f, Wc = pl.pallas_call(
        _evolve_body,
        out_shape=[
            jax.ShapeDtypeStruct((F, F), jnp.float32),
            jax.ShapeDtypeStruct((F, CF), jnp.float32),
        ],
        in_specs=[pl.BlockSpec(memory_space=pltpu.SMEM)] + [pl.BlockSpec()] * 11,
    )(jnp.asarray(n_step, jnp.int32).reshape(1), W1, W2,
      Wih1, Whh1, bih1.reshape(1, -1), bhh1.reshape(1, -1),
      Wih2, Whh2, bih2.reshape(1, -1), bhh2.reshape(1, -1), Wm1)

    xp, dinv = pl.pallas_call(
        _prep_body,
        out_shape=[
            jax.ShapeDtypeStruct((NP, F), jnp.float32),
            jax.ShapeDtypeStruct((NP, 1), jnp.float32),
        ],
    )(deg_parts[0], deg_parts[1], x_last)

    z_parts = _agg_kernel(xp, src, dst, zeros_f)

    hp = pl.pallas_call(
        _mid_body,
        out_shape=jax.ShapeDtypeStruct((NP, F), jnp.float32),
    )(z_parts[0], z_parts[1], dinv, W1f)

    u_parts = _agg_kernel(hp, src, dst, zeros_f)

    out = pl.pallas_call(
        _final_body,
        out_shape=jax.ShapeDtypeStruct((NP, OF), jnp.float32),
    )(u_parts[0], u_parts[1], dinv, Wc, bm1.reshape(1, -1), Wm2, bm2.reshape(1, -1))
    return out[:N]

# --- scband reference (transcript-rebuilt; emitter-appended) ---
"""Pipeline reference for scband-evolve-gcn-87892210746082 (READ-ONLY COPY).

The authoritative reference and input builder live on the scoring server;
editing this copy changes nothing except your own understanding.
"""

import jax, jax.numpy as jnp
import numpy as np

N = 10000
E = 320000
T = 3
IN_FEAT = 128
HID = 128
HID2 = 127  # hidden_feat - 1
CLASS_FEAT = 64
OUT_FEAT = 16
SLOPE = (1.0 / 8.0 + 1.0 / 3.0) / 2.0  # RReLU eval-mode slope


def _xavier(key, shape):
    fan_in, fan_out = shape[0], shape[1]
    a = np.sqrt(6.0 / (fan_in + fan_out))
    return jax.random.uniform(key, shape, jnp.float32, -a, a)


def setup_inputs(seed: int = 0) -> dict:
    key = jax.random.key(seed)
    ks = jax.random.split(key, 20)
    inp = {}
    inp['feat_list'] = jax.random.normal(ks[0], (T, N, IN_FEAT), jnp.float32)
    inp['edge_index'] = jax.random.randint(ks[1], (2, E), 0, N, jnp.int32)
    inp['n_step'] = T
    # evolving GCN weights (xavier init, as in reset_parameters)
    inp['W1'] = _xavier(ks[2], (IN_FEAT, HID))
    inp['W2'] = _xavier(ks[3], (HID, HID2))
    # GRU cell 1 (evolves W1; EvolveGCN-O: input == hidden == W1 rows, dim HID)
    s1 = 1.0 / np.sqrt(HID)
    inp['Wih1'] = jax.random.uniform(ks[4], (HID, 3 * HID), jnp.float32, -s1, s1)
    inp['Whh1'] = jax.random.uniform(ks[5], (HID, 3 * HID), jnp.float32, -s1, s1)
    inp['bih1'] = jax.random.uniform(ks[6], (3 * HID,), jnp.float32, -s1, s1)
    inp['bhh1'] = jax.random.uniform(ks[7], (3 * HID,), jnp.float32, -s1, s1)
    # GRU cell 2 (evolves W2, dim HID2)
    s2 = 1.0 / np.sqrt(HID2)
    inp['Wih2'] = jax.random.uniform(ks[8], (HID2, 3 * HID2), jnp.float32, -s2, s2)
    inp['Whh2'] = jax.random.uniform(ks[9], (HID2, 3 * HID2), jnp.float32, -s2, s2)
    inp['bih2'] = jax.random.uniform(ks[10], (3 * HID2,), jnp.float32, -s2, s2)
    inp['bhh2'] = jax.random.uniform(ks[11], (3 * HID2,), jnp.float32, -s2, s2)
    # MLP head: Linear(HID2, CLASS_FEAT) -> ReLU -> Linear(CLASS_FEAT, OUT_FEAT)
    sm1 = 1.0 / np.sqrt(HID2)
    inp['Wm1'] = jax.random.uniform(ks[12], (HID2, CLASS_FEAT), jnp.float32, -sm1, sm1)
    inp['bm1'] = jax.random.uniform(ks[13], (CLASS_FEAT,), jnp.float32, -sm1, sm1)
    sm2 = 1.0 / np.sqrt(CLASS_FEAT)
    inp['Wm2'] = jax.random.uniform(ks[14], (CLASS_FEAT, OUT_FEAT), jnp.float32, -sm2, sm2)
    inp['bm2'] = jax.random.uniform(ks[15], (OUT_FEAT,), jnp.float32, -sm2, sm2)
    return inp


def _gru_cell(x, h, Wih, Whh, bih, bhh):
    gi = x @ Wih + bih
    gh = h @ Whh + bhh
    d = h.shape[-1]
    i_r, i_z, i_n = gi[:, :d], gi[:, d:2 * d], gi[:, 2 * d:]
    h_r, h_z, h_n = gh[:, :d], gh[:, d:2 * d], gh[:, 2 * d:]
    r = jax.nn.sigmoid(i_r + h_r)
    z = jax.nn.sigmoid(i_z + h_z)
    n = jnp.tanh(i_n + r * h_n)
    return (1.0 - z) * n + z * h


def _gcn_agg(x, W, src, dst, norm):
    xw = x @ W
    msg = xw[src] * norm[:, None]
    return jax.ops.segment_sum(msg, dst, num_segments=N)


def reference(feat_list, edge_index, n_step, W1, W2, Wih1, Whh1, bih1, bhh1, Wih2, Whh2, bih2, bhh2, Wm1, bm1, Wm2, bm2):
    src = edge_index[0]
    dst = edge_index[1]
    deg = jax.ops.segment_sum(jnp.ones((E,), jnp.float32), dst, num_segments=N)
    dinv = jax.lax.rsqrt(jnp.maximum(deg, 1.0))
    norm = dinv[src] * dinv[dst]

    def body(t, carry):
        W1, W2, h = carry
        # evolve the GCN weights with the GRU cells (EvolveGCN-O)
        W1 = _gru_cell(W1, W1, Wih1, Whh1, bih1, bhh1)
        W2 = _gru_cell(W2, W2, Wih2, Whh2, bih2, bhh2)
        # two-layer GCN on snapshot t with the evolved weights
        h = _gcn_agg(feat_list[t], W1, src, dst, norm)
        h = jnp.where(h >= 0.0, h, SLOPE * h)  # RReLU (eval mode)
        h = _gcn_agg(h, W2, src, dst, norm)
        return (W1, W2, h)

    h0 = jnp.zeros((N, HID2), jnp.float32)
    W1, W2, h = jax.lax.fori_loop(0, n_step, body, (W1, W2, h0))
    out = jax.nn.relu(h @ Wm1 + bm1) @ Wm2 + bm2
    return out

if __name__ == "__main__":
    import jax
    _d = setup_inputs()
    print(jax.jit(kernel)(*tuple(_d.values())))

</pallas_src>

<mosaic_0001>
#map = affine_map<(d0, d1) -> (0, 0)>
#map1 = affine_map<(d0, d1) -> (0, 0, 0)>
module attributes {stable_mosaic.version = 14 : i64} {
  func.func @_agg_kernel(%arg0: i32, %arg1: i32, %arg2: memref<10240x128xf32, #tpu.memory_space<hbm>>, %arg3: memref<32x10000xi32, #tpu.memory_space<hbm>>, %arg4: memref<32x10000xi32, #tpu.memory_space<hbm>>, %arg5: memref<10240x128xf32, #tpu.memory_space<hbm>>, %arg6: memref<2x10240x128xf32, #tpu.memory_space<hbm>>, %arg7: memref<10000xi32, #tpu.memory_space<vmem>>, %arg8: memref<10000xi32, #tpu.memory_space<vmem>>, %arg9: memref<5x40x128xf32, #tpu.memory_space<vmem>>, %arg10: memref<10240x128xf32, #tpu.memory_space<vmem_shared>>, %arg11: memref<!tpu.dma_semaphore, #tpu.memory_space<semaphore_mem>>, %arg12: memref<!tpu.dma_semaphore, #tpu.memory_space<semaphore_mem>>, %arg13: memref<!tpu.dma_semaphore, #tpu.memory_space<semaphore_mem>>, %arg14: memref<!tpu.dma_semaphore, #tpu.memory_space<semaphore_mem>>, %arg15: memref<!tpu.dma_semaphore, #tpu.memory_space<semaphore_mem>>, %arg16: memref<!tpu.dma_semaphore, #tpu.memory_space<semaphore_mem>>, %arg17: memref<!tpu.dma_semaphore, #tpu.memory_space<semaphore_mem>>, %arg18: memref<!tpu.dma_semaphore, #tpu.memory_space<semaphore_mem>>, %arg19: memref<!tpu.dma_semaphore, #tpu.memory_space<semaphore_mem>>, %arg20: memref<!tpu.dma_semaphore, #tpu.memory_space<semaphore_mem>>) attributes {dimension_semantics = [#tpu.dimension_semantics<core_parallel>, #tpu.dimension_semantics<subcore_parallel>], iteration_bounds = array<i64: 2, 16>, scalar_prefetch = 0 : i64, scratch_operands = 14 : i64, tpu.core_type = #tpu.core_type<sc_vector_subcore>, window_params = [{transform_indices = #map}, {transform_indices = #map}, {transform_indices = #map}, {transform_indices = #map}, {transform_indices = #map1}]} {
    %mul3A = arith.constant 16 : i32
    %mul3A_0 = arith.muli %arg0, %mul3A : i32
    %add3A = arith.addi %mul3A_0, %arg1 : i32
    "tpu.region"() ({
      %run_scoped3A = tpu.sem_alloc : memref<!tpu.dma_semaphore, #tpu.memory_space<semaphore_mem>>
      %dma_start3A_213 = arith.constant 0 : i32
      %dma_start3A_214 = tpu.memref_slice %arg3[%add3A, %dma_start3A_213] : memref<32x10000xi32, #tpu.memory_space<hbm>> -> memref<1x10000xi32, #tpu.memory_space<hbm>>
      %dma_start3A_215 = tpu.memref_squeeze %dma_start3A_214 : memref<1x10000xi32, #tpu.memory_space<hbm>> -> memref<10000xi32, #tpu.memory_space<hbm>>
      %dma_start3A_216 = arith.constant 0 : i32
      %dma_start3A_217 = tpu.memref_slice %arg3[%add3A, %dma_start3A_216] : memref<32x10000xi32, #tpu.memory_space<hbm>> -> memref<1x10000xi32, #tpu.memory_space<hbm>>
      %dma_start3A_218 = tpu.memref_squeeze %dma_start3A_217 : memref<1x10000xi32, #tpu.memory_space<hbm>> -> memref<10000xi32, #tpu.memory_space<hbm>>
      tpu.enqueue_dma source(%dma_start3A_218 : memref<10000xi32, #tpu.memory_space<hbm>>) target(%arg7 : memref<10000xi32, #tpu.memory_space<vmem>>) target_semaphore(%run_scoped3A : memref<!tpu.dma_semaphore, #tpu.memory_space<semaphore_mem>>)
      %dma_wait3A_219 = arith.constant 0 : i32
      %dma_wait3A_220 = tpu.memref_slice %arg3[%add3A, %dma_wait3A_219] : memref<32x10000xi32, #tpu.memory_space<hbm>> -> memref<1x10000xi32, #tpu.memory_space<hbm>>
      %dma_wait3A_221 = tpu.memref_squeeze %dma_wait3A_220 : memref<1x10000xi32, #tpu.memory_space<hbm>> -> memref<10000xi32, #tpu.memory_space<hbm>>
      %dma_wait3A_222 = arith.constant 0 : i32
      %dma_wait3A_223 = tpu.memref_slice %arg3[%add3A, %dma_wait3A_222] : memref<32x10000xi32, #tpu.memory_space<hbm>> -> memref<1x10000xi32, #tpu.memory_space<hbm>>
      %dma_wait3A_224 = tpu.memref_squeeze %dma_wait3A_223 : memref<1x10000xi32, #tpu.memory_space<hbm>> -> memref<10000xi32, #tpu.memory_space<hbm>>
      tpu.wait_dma2 semaphore(%run_scoped3A : memref<!tpu.dma_semaphore, #tpu.memory_space<semaphore_mem>>) src(%dma_wait3A_224 : memref<10000xi32, #tpu.memory_space<hbm>>) dst(%arg7 : memref<10000xi32, #tpu.memory_space<vmem>>)
      tpu.yield
    }) : () -> ()
    "tpu.region"() ({
      %run_scoped3A = tpu.sem_alloc : memref<!tpu.dma_semaphore, #tpu.memory_space<semaphore_mem>>
      %dma_start3A_213 = arith.constant 0 : i32
      %dma_start3A_214 = tpu.memref_slice %arg4[%add3A, %dma_start3A_213] : memref<32x10000xi32, #tpu.memory_space<hbm>> -> memref<1x10000xi32, #tpu.memory_space<hbm>>
      %dma_start3A_215 = tpu.memref_squeeze %dma_start3A_214 : memref<1x10000xi32, #tpu.memory_space<hbm>> -> memref<10000xi32, #tpu.memory_space<hbm>>
      %dma_start3A_216 = arith.constant 0 : i32
      %dma_start3A_217 = tpu.memref_slice %arg4[%add3A, %dma_start3A_216] : memref<32x10000xi32, #tpu.memory_space<hbm>> -> memref<1x10000xi32, #tpu.memory_space<hbm>>
      %dma_start3A_218 = tpu.memref_squeeze %dma_start3A_217 : memref<1x10000xi32, #tpu.memory_space<hbm>> -> memref<10000xi32, #tpu.memory_space<hbm>>
      tpu.enqueue_dma source(%dma_start3A_218 : memref<10000xi32, #tpu.memory_space<hbm>>) target(%arg8 : memref<10000xi32, #tpu.memory_space<vmem>>) target_semaphore(%run_scoped3A : memref<!tpu.dma_semaphore, #tpu.memory_space<semaphore_mem>>)
      %dma_wait3A_219 = arith.constant 0 : i32
      %dma_wait3A_220 = tpu.memref_slice %arg4[%add3A, %dma_wait3A_219] : memref<32x10000xi32, #tpu.memory_space<hbm>> -> memref<1x10000xi32, #tpu.memory_space<hbm>>
      %dma_wait3A_221 = tpu.memref_squeeze %dma_wait3A_220 : memref<1x10000xi32, #tpu.memory_space<hbm>> -> memref<10000xi32, #tpu.memory_space<hbm>>
      %dma_wait3A_222 = arith.constant 0 : i32
      %dma_wait3A_223 = tpu.memref_slice %arg4[%add3A, %dma_wait3A_222] : memref<32x10000xi32, #tpu.memory_space<hbm>> -> memref<1x10000xi32, #tpu.memory_space<hbm>>
      %dma_wait3A_224 = tpu.memref_squeeze %dma_wait3A_223 : memref<1x10000xi32, #tpu.memory_space<hbm>> -> memref<10000xi32, #tpu.memory_space<hbm>>
      tpu.wait_dma2 semaphore(%run_scoped3A : memref<!tpu.dma_semaphore, #tpu.memory_space<semaphore_mem>>) src(%dma_wait3A_224 : memref<10000xi32, #tpu.memory_space<hbm>>) dst(%arg8 : memref<10000xi32, #tpu.memory_space<vmem>>)
      tpu.yield
    }) : () -> ()
    %mul3A_1 = arith.constant 640 : i32
    %mul3A_2 = arith.muli %arg1, %mul3A_1 : i32
    %mul3A_3 = arith.constant 640 : i32
    %mul3A_4 = arith.muli %arg1, %mul3A_3 : i32
    "tpu.region"() ({
      %run_scoped3A = tpu.sem_alloc : memref<!tpu.dma_semaphore, #tpu.memory_space<semaphore_mem>>
      %dma_start3A_213 = arith.constant 0 : i32
      %dma_start3A_214 = tpu.memref_slice %arg10[%mul3A_4, %dma_start3A_213] : memref<10240x128xf32, #tpu.memory_space<vmem_shared>> -> memref<640x128xf32, #tpu.memory_space<vmem_shared>>
      %dma_start3A_215 = arith.constant 0 : i32
      %dma_start3A_216 = tpu.memref_slice %arg5[%mul3A_2, %dma_start3A_215] : memref<10240x128xf32, #tpu.memory_space<hbm>> -> memref<640x128xf32, #tpu.memory_space<hbm>>
      tpu.enqueue_dma source(%dma_start3A_216 : memref<640x128xf32, #tpu.memory_space<hbm>>) target(%dma_start3A_214 : memref<640x128xf32, #tpu.memory_space<vmem_shared>>) target_semaphore(%run_scoped3A : memref<!tpu.dma_semaphore, #tpu.memory_space<semaphore_mem>>)
      %dma_wait3A_217 = arith.constant 0 : i32
      %dma_wait3A_218 = tpu.memref_slice %arg10[%mul3A_4, %dma_wait3A_217] : memref<10240x128xf32, #tpu.memory_space<vmem_shared>> -> memref<640x128xf32, #tpu.memory_space<vmem_shared>>
      %dma_wait3A_219 = arith.constant 0 : i32
      %dma_wait3A_220 = tpu.memref_slice %arg5[%mul3A_2, %dma_wait3A_219] : memref<10240x128xf32, #tpu.memory_space<hbm>> -> memref<640x128xf32, #tpu.memory_space<hbm>>
      tpu.wait_dma2 semaphore(%run_scoped3A : memref<!tpu.dma_semaphore, #tpu.memory_space<semaphore_mem>>) src(%dma_wait3A_220 : memref<640x128xf32, #tpu.memory_space<hbm>>) dst(%dma_wait3A_218 : memref<640x128xf32, #tpu.memory_space<vmem_shared>>)
      tpu.yield
    }) : () -> ()
    %barrier3A = arith.constant 0 : index
    tpu.barrier barrier_id(%barrier3A)
    %dma_start3A = arith.constant 0 : i32
    %dma_start3A_5 = arith.constant 0 : i32
    %dma_start3A_6 = arith.constant 0 : i32
    %dma_start3A_7 = tpu.memref_slice %arg9[%dma_start3A, %dma_start3A_5, %dma_start3A_6] : memref<5x40x128xf32, #tpu.memory_space<vmem>> -> memref<1x40x128xf32, #tpu.memory_space<vmem>>
    %dma_start3A_8 = tpu.memref_squeeze %dma_start3A_7 : memref<1x40x128xf32, #tpu.memory_space<vmem>> -> memref<40x128xf32, #tpu.memory_space<vmem>>
    %dma_start3A_9 = arith.constant 0 : i32
    %dma_start3A_10 = tpu.memref_slice %arg7[%dma_start3A_9] : memref<10000xi32, #tpu.memory_space<vmem>> -> memref<40xi32, #tpu.memory_space<vmem>>
    %dma_start3A_11 = arith.constant 0 : i32
    %dma_start3A_12 = arith.constant 0 : i32
    %dma_start3A_13 = tpu.memref_slice %arg2[%dma_start3A_11, %dma_start3A_12] : memref<10240x128xf32, #tpu.memory_space<hbm>> -> memref<10240x128xf32, #tpu.memory_space<hbm>>
    tpu.enqueue_indirect_dma source(%dma_start3A_13 : memref<10240x128xf32, #tpu.memory_space<hbm>>) target(%dma_start3A_8 : memref<40x128xf32, #tpu.memory_space<vmem>>) offsets(%dma_start3A_10 : memref<40xi32, #tpu.memory_space<vmem>>) semaphore(%arg11 : memref<!tpu.dma_semaphore, #tpu.memory_space<semaphore_mem>>)
    %dma_start3A_14 = arith.constant 1 : i32
    %dma_start3A_15 = arith.constant 0 : i32
    %dma_start3A_16 = arith.constant 0 : i32
    %dma_start3A_17 = tpu.memref_slice %arg9[%dma_start3A_14, %dma_start3A_15, %dma_start3A_16] : memref<5x40x128xf32, #tpu.memory_space<vmem>> -> memref<1x40x128xf32, #tpu.memory_space<vmem>>
    %dma_start3A_18 = tpu.memref_squeeze %dma_start3A_17 : memref<1x40x128xf32, #tpu.memory_space<vmem>> -> memref<40x128xf32, #tpu.memory_space<vmem>>
    %dma_start3A_19 = arith.constant 40 : i32
    %dma_start3A_20 = tpu.memref_slice %arg7[%dma_start3A_19] : memref<10000xi32, #tpu.memory_space<vmem>> -> memref<40xi32, #tpu.memory_space<vmem>>
    %dma_start3A_21 = arith.constant 0 : i32
    %dma_start3A_22 = arith.constant 0 : i32
    %dma_start3A_23 = tpu.memref_slice %arg2[%dma_start3A_21, %dma_start3A_22] : memref<10240x128xf32, #tpu.memory_space<hbm>> -> memref<10240x128xf32, #tpu.memory_space<hbm>>
    tpu.enqueue_indirect_dma source(%dma_start3A_23 : memref<10240x128xf32, #tpu.memory_space<hbm>>) target(%dma_start3A_18 : memref<40x128xf32, #tpu.memory_space<vmem>>) offsets(%dma_start3A_20 : memref<40xi32, #tpu.memory_space<vmem>>) semaphore(%arg12 : memref<!tpu.dma_semaphore, #tpu.memory_space<semaphore_mem>>)
    %dma_start3A_24 = arith.constant 2 : i32
    %dma_start3A_25 = arith.constant 0 : i32
    %dma_start3A_26 = arith.constant 0 : i32
    %dma_start3A_27 = tpu.memref_slice %arg9[%dma_start3A_24, %dma_start3A_25, %dma_start3A_26] : memref<5x40x128xf32, #tpu.memory_space<vmem>> -> memref<1x40x128xf32, #tpu.memory_space<vmem>>
    %dma_start3A_28 = tpu.memref_squeeze %dma_start3A_27 : memref<1x40x128xf32, #tpu.memory_space<vmem>> -> memref<40x128xf32, #tpu.memory_space<vmem>>
    %dma_start3A_29 = arith.constant 80 : i32
    %dma_start3A_30 = tpu.memref_slice %arg7[%dma_start3A_29] : memref<10000xi32, #tpu.memory_space<vmem>> -> memref<40xi32, #tpu.memory_space<vmem>>
    %dma_start3A_31 = arith.constant 0 : i32
    %dma_start3A_32 = arith.constant 0 : i32
    %dma_start3A_33 = tpu.memref_slice %arg2[%dma_start3A_31, %dma_start3A_32] : memref<10240x128xf32, #tpu.memory_space<hbm>> -> memref<10240x128xf32, #tpu.memory_space<hbm>>
    tpu.enqueue_indirect_dma source(%dma_start3A_33 : memref<10240x128xf32, #tpu.memory_space<hbm>>) target(%dma_start3A_28 : memref<40x128xf32, #tpu.memory_space<vmem>>) offsets(%dma_start3A_30 : memref<40xi32, #tpu.memory_space<vmem>>) semaphore(%arg13 : memref<!tpu.dma_semaphore, #tpu.memory_space<semaphore_mem>>)
    %dma_start3A_34 = arith.constant 3 : i32
    %dma_start3A_35 = arith.constant 0 : i32
    %dma_start3A_36 = arith.constant 0 : i32
    %dma_start3A_37 = tpu.memref_slice %arg9[%dma_start3A_34, %dma_start3A_35, %dma_start3A_36] : memref<5x40x128xf32, #tpu.memory_space<vmem>> -> memref<1x40x128xf32, #tpu.memory_space<vmem>>
    %dma_start3A_38 = tpu.memref_squeeze %dma_start3A_37 : memref<1x40x128xf32, #tpu.memory_space<vmem>> -> memref<40x128xf32, #tpu.memory_space<vmem>>
    %dma_start3A_39 = arith.constant 120 : i32
    %dma_start3A_40 = tpu.memref_slice %arg7[%dma_start3A_39] : memref<10000xi32, #tpu.memory_space<vmem>> -> memref<40xi32, #tpu.memory_space<vmem>>
    %dma_start3A_41 = arith.constant 0 : i32
    %dma_start3A_42 = arith.constant 0 : i32
    %dma_start3A_43 = tpu.memref_slice %arg2[%dma_start3A_41, %dma_start3A_42] : memref<10240x128xf32, #tpu.memory_space<hbm>> -> memref<10240x128xf32, #tpu.memory_space<hbm>>
    tpu.enqueue_indirect_dma source(%dma_start3A_43 : memref<10240x128xf32, #tpu.memory_space<hbm>>) target(%dma_start3A_38 : memref<40x128xf32, #tpu.memory_space<vmem>>) offsets(%dma_start3A_40 : memref<40xi32, #tpu.memory_space<vmem>>) semaphore(%arg14 : memref<!tpu.dma_semaphore, #tpu.memory_space<semaphore_mem>>)
    %dma_start3A_44 = arith.constant 4 : i32
    %dma_start3A_45 = arith.constant 0 : i32
    %dma_start3A_46 = arith.constant 0 : i32
    %dma_start3A_47 = tpu.memref_slice %arg9[%dma_start3A_44, %dma_start3A_45, %dma_start3A_46] : memref<5x40x128xf32, #tpu.memory_space<vmem>> -> memref<1x40x128xf32, #tpu.memory_space<vmem>>
    %dma_start3A_48 = tpu.memref_squeeze %dma_start3A_47 : memref<1x40x128xf32, #tpu.memory_space<vmem>> -> memref<40x128xf32, #tpu.memory_space<vmem>>
    %dma_start3A_49 = arith.constant 160 : i32
    %dma_start3A_50 = tpu.memref_slice %arg7[%dma_start3A_49] : memref<10000xi32, #tpu.memory_space<vmem>> -> memref<40xi32, #tpu.memory_space<vmem>>
    %dma_start3A_51 = arith.constant 0 : i32
    %dma_start3A_52 = arith.constant 0 : i32
    %dma_start3A_53 = tpu.memref_slice %arg2[%dma_start3A_51, %dma_start3A_52] : memref<10240x128xf32, #tpu.memory_space<hbm>> -> memref<10240x128xf32, #tpu.memory_space<hbm>>
    tpu.enqueue_indirect_dma source(%dma_start3A_53 : memref<10240x128xf32, #tpu.memory_space<hbm>>) target(%dma_start3A_48 : memref<40x128xf32, #tpu.memory_space<vmem>>) offsets(%dma_start3A_50 : memref<40xi32, #tpu.memory_space<vmem>>) semaphore(%arg15 : memref<!tpu.dma_semaphore, #tpu.memory_space<semaphore_mem>>)
    %scan3A = arith.constant 0 : i32
    %scan3A_54 = arith.constant 0 : i32
    %scan3A_55 = arith.constant 49 : i32
    %scan3A_56 = arith.addi %scan3A_54, %scan3A_55 : i32
    %scan3A_57 = arith.constant 1 : i32
    scf.for %scan3A_213 = %scan3A_54 to %scan3A_56 step %scan3A_57  : i32 {
      %mul3A_214 = arith.constant 5 : i32
      %mul3A_215 = arith.muli %scan3A_213, %mul3A_214 : i32
      %add3A_216 = arith.constant 0 : i32
      %add3A_217 = arith.addi %mul3A_215, %add3A_216 : i32
      %mul3A_218 = arith.constant 40 : i32
      %mul3A_219 = arith.muli %add3A_217, %mul3A_218 : i32
      %dma_wait3A_220 = arith.constant 0 : i32
      %dma_wait3A_221 = arith.constant 0 : i32
      %dma_wait3A_222 = arith.constant 0 : i32
      %dma_wait3A_223 = tpu.memref_slice %arg9[%dma_wait3A_220, %dma_wait3A_221, %dma_wait3A_222] : memref<5x40x128xf32, #tpu.memory_space<vmem>> -> memref<1x40x128xf32, #tpu.memory_space<vmem>>
      %dma_wait3A_224 = tpu.memref_squeeze %dma_wait3A_223 : memref<1x40x128xf32, #tpu.memory_space<vmem>> -> memref<40x128xf32, #tpu.memory_space<vmem>>
      %dma_wait3A_225 = tpu.memref_slice %arg7[%mul3A_219] : memref<10000xi32, #tpu.memory_space<vmem>> -> memref<40xi32, #tpu.memory_space<vmem>>
      %dma_wait3A_226 = arith.constant 0 : i32
      %dma_wait3A_227 = arith.constant 0 : i32
      %dma_wait3A_228 = tpu.memref_slice %arg2[%dma_wait3A_226, %dma_wait3A_227] : memref<10240x128xf32, #tpu.memory_space<hbm>> -> memref<10240x128xf32, #tpu.memory_space<hbm>>
      tpu.wait_indirect_dma semaphore(%arg11 : memref<!tpu.dma_semaphore, #tpu.memory_space<semaphore_mem>>) src(%dma_wait3A_228 : memref<10240x128xf32, #tpu.memory_space<hbm>>) dst(%dma_wait3A_224 : memref<40x128xf32, #tpu.memory_space<vmem>>)
      %mul3A_229 = arith.constant 40 : i32
      %mul3A_230 = arith.muli %add3A_217, %mul3A_229 : i32
      %dma_start3A_231 = arith.constant 0 : i32
      %dma_start3A_232 = arith.constant 0 : i32
      %dma_start3A_233 = arith.constant 0 : i32
      %dma_start3A_234 = tpu.memref_slice %arg9[%dma_start3A_231, %dma_start3A_232, %dma_start3A_233] : memref<5x40x128xf32, #tpu.memory_space<vmem>> -> memref<1x40x128xf32, #tpu.memory_space<vmem>>
      %dma_start3A_235 = tpu.memref_squeeze %dma_start3A_234 : memref<1x40x128xf32, #tpu.memory_space<vmem>> -> memref<40x128xf32, #tpu.memory_space<vmem>>
      %dma_start3A_236 = tpu.memref_slice %arg8[%mul3A_230] : memref<10000xi32, #tpu.memory_space<vmem>> -> memref<40xi32, #tpu.memory_space<vmem>>
      %dma_start3A_237 = arith.constant 0 : i32
      %dma_start3A_238 = arith.constant 0 : i32
      %dma_start3A_239 = tpu.memref_slice %arg10[%dma_start3A_237, %dma_start3A_238] : memref<10240x128xf32, #tpu.memory_space<vmem_shared>> -> memref<10240x128xf32, #tpu.memory_space<vmem_shared>>
      tpu.enqueue_indirect_dma source(%dma_start3A_235 : memref<40x128xf32, #tpu.memory_space<vmem>>) target(%dma_start3A_239 : memref<10240x128xf32, #tpu.memory_space<vmem_shared>>) offsets(%dma_start3A_236 : memref<40xi32, #tpu.memory_space<vmem>>) semaphore(%arg16 : memref<!tpu.dma_semaphore, #tpu.memory_space<semaphore_mem>>) {add = true}
      %add3A_240 = arith.constant 1 : i32
      %add3A_241 = arith.addi %mul3A_215, %add3A_240 : i32
      %mul3A_242 = arith.constant 40 : i32
      %mul3A_243 = arith.muli %add3A_241, %mul3A_242 : i32
      %dma_wait3A_244 = arith.constant 1 : i32
      %dma_wait3A_245 = arith.constant 0 : i32
      %dma_wait3A_246 = arith.constant 0 : i32
      %dma_wait3A_247 = tpu.memref_slice %arg9[%dma_wait3A_244, %dma_wait3A_245, %dma_wait3A_246] : memref<5x40x128xf32, #tpu.memory_space<vmem>> -> memref<1x40x128xf32, #tpu.memory_space<vmem>>
      %dma_wait3A_248 = tpu.memref_squeeze %dma_wait3A_247 : memref<1x40x128xf32, #tpu.memory_space<vmem>> -> memref<40x128xf32, #tpu.memory_space<vmem>>
      %dma_wait3A_249 = tpu.memref_slice %arg7[%mul3A_243] : memref<10000xi32, #tpu.memory_space<vmem>> -> memref<40xi32, #tpu.memory_space<vmem>>
      %dma_wait3A_250 = arith.constant 0 : i32
      %dma_wait3A_251 = arith.constant 0 : i32
      %dma_wait3A_252 = tpu.memref_slice %arg2[%dma_wait3A_250, %dma_wait3A_251] : memref<10240x128xf32, #tpu.memory_space<hbm>> -> memref<10240x128xf32, #tpu.memory_space<hbm>>
      tpu.wait_indirect_dma semaphore(%arg12 : memref<!tpu.dma_semaphore, #tpu.memory_space<semaphore_mem>>) src(%dma_wait3A_252 : memref<10240x128xf32, #tpu.memory_space<hbm>>) dst(%dma_wait3A_248 : memref<40x128xf32, #tpu.memory_space<vmem>>)
      %mul3A_253 = arith.constant 40 : i32
      %mul3A_254 = arith.muli %add3A_241, %mul3A_253 : i32
      %dma_start3A_255 = arith.constant 1 : i32
      %dma_start3A_256 = arith.constant 0 : i32
      %dma_start3A_257 = arith.constant 0 : i32
      %dma_start3A_258 = tpu.memref_slice %arg9[%dma_start3A_255, %dma_start3A_256, %dma_start3A_257] : memref<5x40x128xf32, #tpu.memory_space<vmem>> -> memref<1x40x128xf32, #tpu.memory_space<vmem>>
      %dma_start3A_259 = tpu.memref_squeeze %dma_start3A_258 : memref<1x40x128xf32, #tpu.memory_space<vmem>> -> memref<40x128xf32, #tpu.memory_space<vmem>>
      %dma_start3A_260 = tpu.memref_slice %arg8[%mul3A_254] : memref<10000xi32, #tpu.memory_space<vmem>> -> memref<40xi32, #tpu.memory_space<vmem>>
      %dma_start3A_261 = arith.constant 0 : i32
      %dma_start3A_262 = arith.constant 0 : i32
      %dma_start3A_263 = tpu.memref_slice %arg10[%dma_start3A_261, %dma_start3A_262] : memref<10240x128xf32, #tpu.memory_space<vmem_shared>> -> memref<10240x128xf32, #tpu.memory_space<vmem_shared>>
      tpu.enqueue_indirect_dma source(%dma_start3A_259 : memref<40x128xf32, #tpu.memory_space<vmem>>) target(%dma_start3A_263 : memref<10240x128xf32, #tpu.memory_space<vmem_shared>>) offsets(%dma_start3A_260 : memref<40xi32, #tpu.memory_space<vmem>>) semaphore(%arg17 : memref<!tpu.dma_semaphore, #tpu.memory_space<semaphore_mem>>) {add = true}
      %add3A_264 = arith.constant 2 : i32
      %add3A_265 = arith.addi %mul3A_215, %add3A_264 : i32
      %mul3A_266 = arith.constant 40 : i32
      %mul3A_267 = arith.muli %add3A_265, %mul3A_266 : i32
      %dma_wait3A_268 = arith.constant 2 : i32
      %dma_wait3A_269 = arith.constant 0 : i32
      %dma_wait3A_270 = arith.constant 0 : i32
      %dma_wait3A_271 = tpu.memref_slice %arg9[%dma_wait3A_268, %dma_wait3A_269, %dma_wait3A_270] : memref<5x40x128xf32, #tpu.memory_space<vmem>> -> memref<1x40x128xf32, #tpu.memory_space<vmem>>
      %dma_wait3A_272 = tpu.memref_squeeze %dma_wait3A_271 : memref<1x40x128xf32, #tpu.memory_space<vmem>> -> memref<40x128xf32, #tpu.memory_space<vmem>>
      %dma_wait3A_273 = tpu.memref_slice %arg7[%mul3A_267] : memref<10000xi32, #tpu.memory_space<vmem>> -> memref<40xi32, #tpu.memory_space<vmem>>
      %dma_wait3A_274 = arith.constant 0 : i32
      %dma_wait3A_275 = arith.constant 0 : i32
      %dma_wait3A_276 = tpu.memref_slice %arg2[%dma_wait3A_274, %dma_wait3A_275] : memref<10240x128xf32, #tpu.memory_space<hbm>> -> memref<10240x128xf32, #tpu.memory_space<hbm>>
      tpu.wait_indirect_dma semaphore(%arg13 : memref<!tpu.dma_semaphore, #tpu.memory_space<semaphore_mem>>) src(%dma_wait3A_276 : memref<10240x128xf32, #tpu.memory_space<hbm>>) dst(%dma_wait3A_272 : memref<40x128xf32, #tpu.memory_space<vmem>>)
      %mul3A_277 = arith.constant 40 : i32
      %mul3A_278 = arith.muli %add3A_265, %mul3A_277 : i32
      %dma_start3A_279 = arith.constant 2 : i32
      %dma_start3A_280 = arith.constant 0 : i32
      %dma_start3A_281 = arith.constant 0 : i32
      %dma_start3A_282 = tpu.memref_slice %arg9[%dma_start3A_279, %dma_start3A_280, %dma_start3A_281] : memref<5x40x128xf32, #tpu.memory_space<vmem>> -> memref<1x40x128xf32, #tpu.memory_space<vmem>>
      %dma_start3A_283 = tpu.memref_squeeze %dma_start3A_282 : memref<1x40x128xf32, #tpu.memory_space<vmem>> -> memref<40x128xf32, #tpu.memory_space<vmem>>
      %dma_start3A_284 = tpu.memref_slice %arg8[%mul3A_278] : memref<10000xi32, #tpu.memory_space<vmem>> -> memref<40xi32, #tpu.memory_space<vmem>>
      %dma_start3A_285 = arith.constant 0 : i32
      %dma_start3A_286 = arith.constant 0 : i32
      %dma_start3A_287 = tpu.memref_slice %arg10[%dma_start3A_285, %dma_start3A_286] : memref<10240x128xf32, #tpu.memory_space<vmem_shared>> -> memref<10240x128xf32, #tpu.memory_space<vmem_shared>>
      tpu.enqueue_indirect_dma source(%dma_start3A_283 : memref<40x128xf32, #tpu.memory_space<vmem>>) target(%dma_start3A_287 : memref<10240x128xf32, #tpu.memory_space<vmem_shared>>) offsets(%dma_start3A_284 : memref<40xi32, #tpu.memory_space<vmem>>) semaphore(%arg18 : memref<!tpu.dma_semaphore, #tpu.memory_space<semaphore_mem>>) {add = true}
      %add3A_288 = arith.constant 3 : i32
      %add3A_289 = arith.addi %mul3A_215, %add3A_288 : i32
      %mul3A_290 = arith.constant 40 : i32
      %mul3A_291 = arith.muli %add3A_289, %mul3A_290 : i32
      %dma_wait3A_292 = arith.constant 3 : i32
      %dma_wait3A_293 = arith.constant 0 : i32
      %dma_wait3A_294 = arith.constant 0 : i32
      %dma_wait3A_295 = tpu.memref_slice %arg9[%dma_wait3A_292, %dma_wait3A_293, %dma_wait3A_294] : memref<5x40x128xf32, #tpu.memory_space<vmem>> -> memref<1x40x128xf32, #tpu.memory_space<vmem>>
      %dma_wait3A_296 = tpu.memref_squeeze %dma_wait3A_295 : memref<1x40x128xf32, #tpu.memory_space<vmem>> -> memref<40x128xf32, #tpu.memory_space<vmem>>
      %dma_wait3A_297 = tpu.memref_slice %arg7[%mul3A_291] : memref<10000xi32, #tpu.memory_space<vmem>> -> memref<40xi32, #tpu.memory_space<vmem>>
      %dma_wait3A_298 = arith.constant 0 : i32
      %dma_wait3A_299 = arith.constant 0 : i32
      %dma_wait3A_300 = tpu.memref_slice %arg2[%dma_wait3A_298, %dma_wait3A_299] : memref<10240x128xf32, #tpu.memory_space<hbm>> -> memref<10240x128xf32, #tpu.memory_space<hbm>>
      tpu.wait_indirect_dma semaphore(%arg14 : memref<!tpu.dma_semaphore, #tpu.memory_space<semaphore_mem>>) src(%dma_wait3A_300 : memref<10240x128xf32, #tpu.memory_space<hbm>>) dst(%dma_wait3A_296 : memref<40x128xf32, #tpu.memory_space<vmem>>)
      %mul3A_301 = arith.constant 40 : i32
      %mul3A_302 = arith.muli %add3A_289, %mul3A_301 : i32
      %dma_start3A_303 = arith.constant 3 : i32
      %dma_start3A_304 = arith.constant 0 : i32
      %dma_start3A_305 = arith.constant 0 : i32
      %dma_start3A_306 = tpu.memref_slice %arg9[%dma_start3A_303, %dma_start3A_304, %dma_start3A_305] : memref<5x40x128xf32, #tpu.memory_space<vmem>> -> memref<1x40x128xf32, #tpu.memory_space<vmem>>
      %dma_start3A_307 = tpu.memref_squeeze %dma_start3A_306 : memref<1x40x128xf32, #tpu.memory_space<vmem>> -> memref<40x128xf32, #tpu.memory_space<vmem>>
      %dma_start3A_308 = tpu.memref_slice %arg8[%mul3A_302] : memref<10000xi32, #tpu.memory_space<vmem>> -> memref<40xi32, #tpu.memory_space<vmem>>
      %dma_start3A_309 = arith.constant 0 : i32
      %dma_start3A_310 = arith.constant 0 : i32
      %dma_start3A_311 = tpu.memref_slice %arg10[%dma_start3A_309, %dma_start3A_310] : memref<10240x128xf32, #tpu.memory_space<vmem_shared>> -> memref<10240x128xf32, #tpu.memory_space<vmem_shared>>
      tpu.enqueue_indirect_dma source(%dma_start3A_307 : memref<40x128xf32, #tpu.memory_space<vmem>>) target(%dma_start3A_311 : memref<10240x128xf32, #tpu.memory_space<vmem_shared>>) offsets(%dma_start3A_308 : memref<40xi32, #tpu.memory_space<vmem>>) semaphore(%arg19 : memref<!tpu.dma_semaphore, #tpu.memory_space<semaphore_mem>>) {add = true}
      %add3A_312 = arith.constant 4 : i32
      %add3A_313 = arith.addi %mul3A_215, %add3A_312 : i32
      %mul3A_314 = arith.constant 40 : i32
      %mul3A_315 = arith.muli %add3A_313, %mul3A_314 : i32
      %dma_wait3A_316 = arith.constant 4 : i32
      %dma_wait3A_317 = arith.constant 0 : i32
      %dma_wait3A_318 = arith.constant 0 : i32
      %dma_wait3A_319 = tpu.memref_slice %arg9[%dma_wait3A_316, %dma_wait3A_317, %dma_wait3A_318] : memref<5x40x128xf32, #tpu.memory_space<vmem>> -> memref<1x40x128xf32, #tpu.memory_space<vmem>>
      %dma_wait3A_320 = tpu.memref_squeeze %dma_wait3A_319 : memref<1x40x128xf32, #tpu.memory_space<vmem>> -> memref<40x128xf32, #tpu.memory_space<vmem>>
      %dma_wait3A_321 = tpu.memref_slice %arg7[%mul3A_315] : memref<10000xi32, #tpu.memory_space<vmem>> -> memref<40xi32, #tpu.memory_space<vmem>>
      %dma_wait3A_322 = arith.constant 0 : i32
      %dma_wait3A_323 = arith.constant 0 : i32
      %dma_wait3A_324 = tpu.memref_slice %arg2[%dma_wait3A_322, %dma_wait3A_323] : memref<10240x128xf32, #tpu.memory_space<hbm>> -> memref<10240x128xf32, #tpu.memory_space<hbm>>
      tpu.wait_indirect_dma semaphore(%arg15 : memref<!tpu.dma_semaphore, #tpu.memory_space<semaphore_mem>>) src(%dma_wait3A_324 : memref<10240x128xf32, #tpu.memory_space<hbm>>) dst(%dma_wait3A_320 : memref<40x128xf32, #tpu.memory_space<vmem>>)
      %mul3A_325 = arith.constant 40 : i32
      %mul3A_326 = arith.muli %add3A_313, %mul3A_325 : i32
      %dma_start3A_327 = arith.constant 4 : i32
      %dma_start3A_328 = arith.constant 0 : i32
      %dma_start3A_329 = arith.constant 0 : i32
      %dma_start3A_330 = tpu.memref_slice %arg9[%dma_start3A_327, %dma_start3A_328, %dma_start3A_329] : memref<5x40x128xf32, #tpu.memory_space<vmem>> -> memref<1x40x128xf32, #tpu.memory_space<vmem>>
      %dma_start3A_331 = tpu.memref_squeeze %dma_start3A_330 : memref<1x40x128xf32, #tpu.memory_space<vmem>> -> memref<40x128xf32, #tpu.memory_space<vmem>>
      %dma_start3A_332 = tpu.memref_slice %arg8[%mul3A_326] : memref<10000xi32, #tpu.memory_space<vmem>> -> memref<40xi32, #tpu.memory_space<vmem>>
      %dma_start3A_333 = arith.constant 0 : i32
      %dma_start3A_334 = arith.constant 0 : i32
      %dma_start3A_335 = tpu.memref_slice %arg10[%dma_start3A_333, %dma_start3A_334] : memref<10240x128xf32, #tpu.memory_space<vmem_shared>> -> memref<10240x128xf32, #tpu.memory_space<vmem_shared>>
      tpu.enqueue_indirect_dma source(%dma_start3A_331 : memref<40x128xf32, #tpu.memory_space<vmem>>) target(%dma_start3A_335 : memref<10240x128xf32, #tpu.memory_space<vmem_shared>>) offsets(%dma_start3A_332 : memref<40xi32, #tpu.memory_space<vmem>>) semaphore(%arg20 : memref<!tpu.dma_semaphore, #tpu.memory_space<semaphore_mem>>) {add = true}
      %add3A_336 = arith.constant 0 : i32
      %add3A_337 = arith.addi %mul3A_215, %add3A_336 : i32
      %mul3A_338 = arith.constant 40 : i32
      %mul3A_339 = arith.muli %add3A_337, %mul3A_338 : i32
      %dma_wait3A_340 = arith.constant 0 : i32
      %dma_wait3A_341 = arith.constant 0 : i32
      %dma_wait3A_342 = arith.constant 0 : i32
      %dma_wait3A_343 = tpu.memref_slice %arg9[%dma_wait3A_340, %dma_wait3A_341, %dma_wait3A_342] : memref<5x40x128xf32, #tpu.memory_space<vmem>> -> memref<1x40x128xf32, #tpu.memory_space<vmem>>
      %dma_wait3A_344 = tpu.memref_squeeze %dma_wait3A_343 : memref<1x40x128xf32, #tpu.memory_space<vmem>> -> memref<40x128xf32, #tpu.memory_space<vmem>>
      %dma_wait3A_345 = tpu.memref_slice %arg8[%mul3A_339] : memref<10000xi32, #tpu.memory_space<vmem>> -> memref<40xi32, #tpu.memory_space<vmem>>
      %dma_wait3A_346 = arith.constant 0 : i32
      %dma_wait3A_347 = arith.constant 0 : i32
      %dma_wait3A_348 = tpu.memref_slice %arg10[%dma_wait3A_346, %dma_wait3A_347] : memref<10240x128xf32, #tpu.memory_space<vmem_shared>> -> memref<10240x128xf32, #tpu.memory_space<vmem_shared>>
      tpu.wait_indirect_dma semaphore(%arg16 : memref<!tpu.dma_semaphore, #tpu.memory_space<semaphore_mem>>) src(%dma_wait3A_344 : memref<40x128xf32, #tpu.memory_space<vmem>>) dst(%dma_wait3A_348 : memref<10240x128xf32, #tpu.memory_space<vmem_shared>>)
      %add3A_349 = arith.constant 5 : i32
      %add3A_350 = arith.addi %add3A_337, %add3A_349 : i32
      %mul3A_351 = arith.constant 40 : i32
      %mul3A_352 = arith.muli %add3A_350, %mul3A_351 : i32
      %dma_start3A_353 = arith.constant 0 : i32
      %dma_start3A_354 = arith.constant 0 : i32
      %dma_start3A_355 = arith.constant 0 : i32
      %dma_start3A_356 = tpu.memref_slice %arg9[%dma_start3A_353, %dma_start3A_354, %dma_start3A_355] : memref<5x40x128xf32, #tpu.memory_space<vmem>> -> memref<1x40x128xf32, #tpu.memory_space<vmem>>
      %dma_start3A_357 = tpu.memref_squeeze %dma_start3A_356 : memref<1x40x128xf32, #tpu.memory_space<vmem>> -> memref<40x128xf32, #tpu.memory_space<vmem>>
      %dma_start3A_358 = tpu.memref_slice %arg7[%mul3A_352] : memref<10000xi32, #tpu.memory_space<vmem>> -> memref<40xi32, #tpu.memory_space<vmem>>
      %dma_start3A_359 = arith.constant 0 : i32
      %dma_start3A_360 = arith.constant 0 : i32
      %dma_start3A_361 = tpu.memref_slice %arg2[%dma_start3A_359, %dma_start3A_360] : memref<10240x128xf32, #tpu.memory_space<hbm>> -> memref<10240x128xf32, #tpu.memory_space<hbm>>
      tpu.enqueue_indirect_dma source(%dma_start3A_361 : memref<10240x128xf32, #tpu.memory_space<hbm>>) target(%dma_start3A_357 : memref<40x128xf32, #tpu.memory_space<vmem>>) offsets(%dma_start3A_358 : memref<40xi32, #tpu.memory_space<vmem>>) semaphore(%arg11 : memref<!tpu.dma_semaphore, #tpu.memory_space<semaphore_mem>>)
      %add3A_362 = arith.constant 1 : i32
      %add3A_363 = arith.addi %mul3A_215, %add3A_362 : i32
      %mul3A_364 = arith.constant 40 : i32
      %mul3A_365 = arith.muli %add3A_363, %mul3A_364 : i32
      %dma_wait3A_366 = arith.constant 1 : i32
      %dma_wait3A_367 = arith.constant 0 : i32
      %dma_wait3A_368 = arith.constant 0 : i32
      %dma_wait3A_369 = tpu.memref_slice %arg9[%dma_wait3A_366, %dma_wait3A_367, %dma_wait3A_368] : memref<5x40x128xf32, #tpu.memory_space<vmem>> -> memref<1x40x128xf32, #tpu.memory_space<vmem>>
      %dma_wait3A_370 = tpu.memref_squeeze %dma_wait3A_369 : memref<1x40x128xf32, #tpu.memory_space<vmem>> -> memref<40x128xf32, #tpu.memory_space<vmem>>
      %dma_wait3A_371 = tpu.memref_slice %arg8[%mul3A_365] : memref<10000xi32, #tpu.memory_space<vmem>> -> memref<40xi32, #tpu.memory_space<vmem>>
      %dma_wait3A_372 = arith.constant 0 : i32
      %dma_wait3A_373 = arith.constant 0 : i32
      %dma_wait3A_374 = tpu.memref_slice %arg10[%dma_wait3A_372, %dma_wait3A_373] : memref<10240x128xf32, #tpu.memory_space<vmem_shared>> -> memref<10240x128xf32, #tpu.memory_space<vmem_shared>>
      tpu.wait_indirect_dma semaphore(%arg17 : memref<!tpu.dma_semaphore, #tpu.memory_space<semaphore_mem>>) src(%dma_wait3A_370 : memref<40x128xf32, #tpu.memory_space<vmem>>) dst(%dma_wait3A_374 : memref<10240x128xf32, #tpu.memory_space<vmem_shared>>)
      %add3A_375 = arith.constant 5 : i32
      %add3A_376 = arith.addi %add3A_363, %add3A_375 : i32
      %mul3A_377 = arith.constant 40 : i32
      %mul3A_378 = arith.muli %add3A_376, %mul3A_377 : i32
      %dma_start3A_379 = arith.constant 1 : i32
      %dma_start3A_380 = arith.constant 0 : i32
      %dma_start3A_381 = arith.constant 0 : i32
      %dma_start3A_382 = tpu.memref_slice %arg9[%dma_start3A_379, %dma_start3A_380, %dma_start3A_381] : memref<5x40x128xf32, #tpu.memory_space<vmem>> -> memref<1x40x128xf32, #tpu.memory_space<vmem>>
      %dma_start3A_383 = tpu.memref_squeeze %dma_start3A_382 : memref<1x40x128xf32, #tpu.memory_space<vmem>> -> memref<40x128xf32, #tpu.memory_space<vmem>>
      %dma_start3A_384 = tpu.memref_slice %arg7[%mul3A_378] : memref<10000xi32, #tpu.memory_space<vmem>> -> memref<40xi32, #tpu.memory_space<vmem>>
      %dma_start3A_385 = arith.constant 0 : i32
      %dma_start3A_386 = arith.constant 0 : i32
      %dma_start3A_387 = tpu.memref_slice %arg2[%dma_start3A_385, %dma_start3A_386] : memref<10240x128xf32, #tpu.memory_space<hbm>> -> memref<10240x128xf32, #tpu.memory_space<hbm>>
      tpu.enqueue_indirect_dma source(%dma_start3A_387 : memref<10240x128xf32, #tpu.memory_space<hbm>>) target(%dma_start3A_383 : memref<40x128xf32, #tpu.memory_space<vmem>>) offsets(%dma_start3A_384 : memref<40xi32, #tpu.memory_space<vmem>>) semaphore(%arg12 : memref<!tpu.dma_semaphore, #tpu.memory_space<semaphore_mem>>)
      %add3A_388 = arith.constant 2 : i32
      %add3A_389 = arith.addi %mul3A_215, %add3A_388 : i32
      %mul3A_390 = arith.constant 40 : i32
      %mul3A_391 = arith.muli %add3A_389, %mul3A_390 : i32
      %dma_wait3A_392 = arith.constant 2 : i32
      %dma_wait3A_393 = arith.constant 0 : i32
      %dma_wait3A_394 = arith.constant 0 : i32
      %dma_wait3A_395 = tpu.memref_slice %arg9[%dma_wait3A_392, %dma_wait3A_393, %dma_wait3A_394] : memref<5x40x128xf32, #tpu.memory_space<vmem>> -> memref<1x40x128xf32, #tpu.memory_space<vmem>>
      %dma_wait3A_396 = tpu.memref_squeeze %dma_wait3A_395 : memref<1x40x128xf32, #tpu.memory_space<vmem>> -> memref<40x128xf32, #tpu.memory_space<vmem>>
      %dma_wait3A_397 = tpu.memref_slice %arg8[%mul3A_391] : memref<10000xi32, #tpu.memory_space<vmem>> -> memref<40xi32, #tpu.memory_space<vmem>>
      %dma_wait3A_398 = arith.constant 0 : i32
      %dma_wait3A_399 = arith.constant 0 : i32
      %dma_wait3A_400 = tpu.memref_slice %arg10[%dma_wait3A_398, %dma_wait3A_399] : memref<10240x128xf32, #tpu.memory_space<vmem_shared>> -> memref<10240x128xf32, #tpu.memory_space<vmem_shared>>
      tpu.wait_indirect_dma semaphore(%arg18 : memref<!tpu.dma_semaphore, #tpu.memory_space<semaphore_mem>>) src(%dma_wait3A_396 : memref<40x128xf32, #tpu.memory_space<vmem>>) dst(%dma_wait3A_400 : memref<10240x128xf32, #tpu.memory_space<vmem_shared>>)
      %add3A_401 = arith.constant 5 : i32
      %add3A_402 = arith.addi %add3A_389, %add3A_401 : i32
      %mul3A_403 = arith.constant 40 : i32
      %mul3A_404 = arith.muli %add3A_402, %mul3A_403 : i32
      %dma_start3A_405 = arith.constant 2 : i32
      %dma_start3A_406 = arith.constant 0 : i32
      %dma_start3A_407 = arith.constant 0 : i32
      %dma_start3A_408 = tpu.memref_slice %arg9[%dma_start3A_405, %dma_start3A_406, %dma_start3A_407] : memref<5x40x128xf32, #tpu.memory_space<vmem>> -> memref<1x40x128xf32, #tpu.memory_space<vmem>>
      %dma_start3A_409 = tpu.memref_squeeze %dma_start3A_408 : memref<1x40x128xf32, #tpu.memory_space<vmem>> -> memref<40x128xf32, #tpu.memory_space<vmem>>
      %dma_start3A_410 = tpu.memref_slice %arg7[%mul3A_404] : memref<10000xi32, #tpu.memory_space<vmem>> -> memref<40xi32, #tpu.memory_space<vmem>>
      %dma_start3A_411 = arith.constant 0 : i32
      %dma_start3A_412 = arith.constant 0 : i32
      %dma_start3A_413 = tpu.memref_slice %arg2[%dma_start3A_411, %dma_start3A_412] : memref<10240x128xf32, #tpu.memory_space<hbm>> -> memref<10240x128xf32, #tpu.memory_space<hbm>>
      tpu.enqueue_indirect_dma source(%dma_start3A_413 : memref<10240x128xf32, #tpu.memory_space<hbm>>) target(%dma_start3A_409 : memref<40x128xf32, #tpu.memory_space<vmem>>) offsets(%dma_start3A_410 : memref<40xi32, #tpu.memory_space<vmem>>) semaphore(%arg13 : memref<!tpu.dma_semaphore, #tpu.memory_space<semaphore_mem>>)
      %add3A_414 = arith.constant 3 : i32
      %add3A_415 = arith.addi %mul3A_215, %add3A_414 : i32
      %mul3A_416 = arith.constant 40 : i32
      %mul3A_417 = arith.muli %add3A_415, %mul3A_416 : i32
      %dma_wait3A_418 = arith.constant 3 : i32
      %dma_wait3A_419 = arith.constant 0 : i32
      %dma_wait3A_420 = arith.constant 0 : i32
      %dma_wait3A_421 = tpu.memref_slice %arg9[%dma_wait3A_418, %dma_wait3A_419, %dma_wait3A_420] : memref<5x40x128xf32, #tpu.memory_space<vmem>> -> memref<1x40x128xf32, #tpu.memory_space<vmem>>
      %dma_wait3A_422 = tpu.memref_squeeze %dma_wait3A_421 : memref<1x40x128xf32, #tpu.memory_space<vmem>> -> memref<40x128xf32, #tpu.memory_space<vmem>>
      %dma_wait3A_423 = tpu.memref_slice %arg8[%mul3A_417] : memref<10000xi32, #tpu.memory_space<vmem>> -> memref<40xi32, #tpu.memory_space<vmem>>
      %dma_wait3A_424 = arith.constant 0 : i32
      %dma_wait3A_425 = arith.constant 0 : i32
      %dma_wait3A_426 = tpu.memref_slice %arg10[%dma_wait3A_424, %dma_wait3A_425] : memref<10240x128xf32, #tpu.memory_space<vmem_shared>> -> memref<10240x128xf32, #tpu.memory_space<vmem_shared>>
      tpu.wait_indirect_dma semaphore(%arg19 : memref<!tpu.dma_semaphore, #tpu.memory_space<semaphore_mem>>) src(%dma_wait3A_422 : memref<40x128xf32, #tpu.memory_space<vmem>>) dst(%dma_wait3A_426 : memref<10240x128xf32, #tpu.memory_space<vmem_shared>>)
      %add3A_427 = arith.constant 5 : i32
      %add3A_428 = arith.addi %add3A_415, %add3A_427 : i32
      %mul3A_429 = arith.constant 40 : i32
      %mul3A_430 = arith.muli %add3A_428, %mul3A_429 : i32
      %dma_start3A_431 = arith.constant 3 : i32
      %dma_start3A_432 = arith.constant 0 : i32
      %dma_start3A_433 = arith.constant 0 : i32
      %dma_start3A_434 = tpu.memref_slice %arg9[%dma_start3A_431, %dma_start3A_432, %dma_start3A_433] : memref<5x40x128xf32, #tpu.memory_space<vmem>> -> memref<1x40x128xf32, #tpu.memory_space<vmem>>
      %dma_start3A_435 = tpu.memref_squeeze %dma_start3A_434 : memref<1x40x128xf32, #tpu.memory_space<vmem>> -> memref<40x128xf32, #tpu.memory_space<vmem>>
      %dma_start3A_436 = tpu.memref_slice %arg7[%mul3A_430] : memref<10000xi32, #tpu.memory_space<vmem>> -> memref<40xi32, #tpu.memory_space<vmem>>
      %dma_start3A_437 = arith.constant 0 : i32
      %dma_start3A_438 = arith.constant 0 : i32
      %dma_start3A_439 = tpu.memref_slice %arg2[%dma_start3A_437, %dma_start3A_438] : memref<10240x128xf32, #tpu.memory_space<hbm>> -> memref<10240x128xf32, #tpu.memory_space<hbm>>
      tpu.enqueue_indirect_dma source(%dma_start3A_439 : memref<10240x128xf32, #tpu.memory_space<hbm>>) target(%dma_start3A_435 : memref<40x128xf32, #tpu.memory_space<vmem>>) offsets(%dma_start3A_436 : memref<40xi32, #tpu.memory_space<vmem>>) semaphore(%arg14 : memref<!tpu.dma_semaphore, #tpu.memory_space<semaphore_mem>>)
      %add3A_440 = arith.constant 4 : i32
      %add3A_441 = arith.addi %mul3A_215, %add3A_440 : i32
      %mul3A_442 = arith.constant 40 : i32
      %mul3A_443 = arith.muli %add3A_441, %mul3A_442 : i32
      %dma_wait3A_444 = arith.constant 4 : i32
      %dma_wait3A_445 = arith.constant 0 : i32
      %dma_wait3A_446 = arith.constant 0 : i32
      %dma_wait3A_447 = tpu.memref_slice %arg9[%dma_wait3A_444, %dma_wait3A_445, %dma_wait3A_446] : memref<5x40x128xf32, #tpu.memory_space<vmem>> -> memref<1x40x128xf32, #tpu.memory_space<vmem>>
      %dma_wait3A_448 = tpu.memref_squeeze %dma_wait3A_447 : memref<1x40x128xf32, #tpu.memory_space<vmem>> -> memref<40x128xf32, #tpu.memory_space<vmem>>
      %dma_wait3A_449 = tpu.memref_slice %arg8[%mul3A_443] : memref<10000xi32, #tpu.memory_space<vmem>> -> memref<40xi32, #tpu.memory_space<vmem>>
      %dma_wait3A_450 = arith.constant 0 : i32
      %dma_wait3A_451 = arith.constant 0 : i32
      %dma_wait3A_452 = tpu.memref_slice %arg10[%dma_wait3A_450, %dma_wait3A_451] : memref<10240x128xf32, #tpu.memory_space<vmem_shared>> -> memref<10240x128xf32, #tpu.memory_space<vmem_shared>>
      tpu.wait_indirect_dma semaphore(%arg20 : memref<!tpu.dma_semaphore, #tpu.memory_space<semaphore_mem>>) src(%dma_wait3A_448 : memref<40x128xf32, #tpu.memory_space<vmem>>) dst(%dma_wait3A_452 : memref<10240x128xf32, #tpu.memory_space<vmem_shared>>)
      %add3A_453 = arith.constant 5 : i32
      %add3A_454 = arith.addi %add3A_441, %add3A_453 : i32
      %mul3A_455 = arith.constant 40 : i32
      %mul3A_456 = arith.muli %add3A_454, %mul3A_455 : i32
      %dma_start3A_457 = arith.constant 4 : i32
      %dma_start3A_458 = arith.constant 0 : i32
      %dma_start3A_459 = arith.constant 0 : i32
      %dma_start3A_460 = tpu.memref_slice %arg9[%dma_start3A_457, %dma_start3A_458, %dma_start3A_459] : memref<5x40x128xf32, #tpu.memory_space<vmem>> -> memref<1x40x128xf32, #tpu.memory_space<vmem>>
      %dma_start3A_461 = tpu.memref_squeeze %dma_start3A_460 : memref<1x40x128xf32, #tpu.memory_space<vmem>> -> memref<40x128xf32, #tpu.memory_space<vmem>>
      %dma_start3A_462 = tpu.memref_slice %arg7[%mul3A_456] : memref<10000xi32, #tpu.memory_space<vmem>> -> memref<40xi32, #tpu.memory_space<vmem>>
      %dma_start3A_463 = arith.constant 0 : i32
      %dma_start3A_464 = arith.constant 0 : i32
      %dma_start3A_465 = tpu.memref_slice %arg2[%dma_start3A_463, %dma_start3A_464] : memref<10240x128xf32, #tpu.memory_space<hbm>> -> memref<10240x128xf32, #tpu.memory_space<hbm>>
      tpu.enqueue_indirect_dma source(%dma_start3A_465 : memref<10240x128xf32, #tpu.memory_space<hbm>>) target(%dma_start3A_461 : memref<40x128xf32, #tpu.memory_space<vmem>>) offsets(%dma_start3A_462 : memref<40xi32, #tpu.memory_space<vmem>>) semaphore(%arg15 : memref<!tpu.dma_semaphore, #tpu.memory_space<semaphore_mem>>)
    }
    %scan3A_58 = arith.constant 49 : i32
    %dma_wait3A = arith.constant 0 : i32
    %dma_wait3A_59 = arith.constant 0 : i32
    %dma_wait3A_60 = arith.constant 0 : i32
    %dma_wait3A_61 = tpu.memref_slice %arg9[%dma_wait3A, %dma_wait3A_59, %dma_wait3A_60] : memref<5x40x128xf32, #tpu.memory_space<vmem>> -> memref<1x40x128xf32, #tpu.memory_space<vmem>>
    %dma_wait3A_62 = tpu.memref_squeeze %dma_wait3A_61 : memref<1x40x128xf32, #tpu.memory_space<vmem>> -> memref<40x128xf32, #tpu.memory_space<vmem>>
    %dma_wait3A_63 = arith.constant 9800 : i32
    %dma_wait3A_64 = tpu.memref_slice %arg7[%dma_wait3A_63] : memref<10000xi32, #tpu.memory_space<vmem>> -> memref<40xi32, #tpu.memory_space<vmem>>
    %dma_wait3A_65 = arith.constant 0 : i32
    %dma_wait3A_66 = arith.constant 0 : i32
    %dma_wait3A_67 = tpu.memref_slice %arg2[%dma_wait3A_65, %dma_wait3A_66] : memref<10240x128xf32, #tpu.memory_space<hbm>> -> memref<10240x128xf32, #tpu.memory_space<hbm>>
    tpu.wait_indirect_dma semaphore(%arg11 : memref<!tpu.dma_semaphore, #tpu.memory_space<semaphore_mem>>) src(%dma_wait3A_67 : memref<10240x128xf32, #tpu.memory_space<hbm>>) dst(%dma_wait3A_62 : memref<40x128xf32, #tpu.memory_space<vmem>>)
    %dma_start3A_68 = arith.constant 0 : i32
    %dma_start3A_69 = arith.constant 0 : i32
    %dma_start3A_70 = arith.constant 0 : i32
    %dma_start3A_71 = tpu.memref_slice %arg9[%dma_start3A_68, %dma_start3A_69, %dma_start3A_70] : memref<5x40x128xf32, #tpu.memory_space<vmem>> -> memref<1x40x128xf32, #tpu.memory_space<vmem>>
    %dma_start3A_72 = tpu.memref_squeeze %dma_start3A_71 : memref<1x40x128xf32, #tpu.memory_space<vmem>> -> memref<40x128xf32, #tpu.memory_space<vmem>>
    %dma_start3A_73 = arith.constant 9800 : i32
    %dma_start3A_74 = tpu.memref_slice %arg8[%dma_start3A_73] : memref<10000xi32, #tpu.memory_space<vmem>> -> memref<40xi32, #tpu.memory_space<vmem>>
    %dma_start3A_75 = arith.constant 0 : i32
    %dma_start3A_76 = arith.constant 0 : i32
    %dma_start3A_77 = tpu.memref_slice %arg10[%dma_start3A_75, %dma_start3A_76] : memref<10240x128xf32, #tpu.memory_space<vmem_shared>> -> memref<10240x128xf32, #tpu.memory_space<vmem_shared>>
    tpu.enqueue_indirect_dma source(%dma_start3A_72 : memref<40x128xf32, #tpu.memory_space<vmem>>) target(%dma_start3A_77 : memref<10240x128xf32, #tpu.memory_space<vmem_shared>>) offsets(%dma_start3A_74 : memref<40xi32, #tpu.memory_space<vmem>>) semaphore(%arg16 : memref<!tpu.dma_semaphore, #tpu.memory_space<semaphore_mem>>) {add = true}
    %dma_wait3A_78 = arith.constant 1 : i32
    %dma_wait3A_79 = arith.constant 0 : i32
    %dma_wait3A_80 = arith.constant 0 : i32
    %dma_wait3A_81 = tpu.memref_slice %arg9[%dma_wait3A_78, %dma_wait3A_79, %dma_wait3A_80] : memref<5x40x128xf32, #tpu.memory_space<vmem>> -> memref<1x40x128xf32, #tpu.memory_space<vmem>>
    %dma_wait3A_82 = tpu.memref_squeeze %dma_wait3A_81 : memref<1x40x128xf32, #tpu.memory_space<vmem>> -> memref<40x128xf32, #tpu.memory_space<vmem>>
    %dma_wait3A_83 = arith.constant 9840 : i32
    %dma_wait3A_84 = tpu.memref_slice %arg7[%dma_wait3A_83] : memref<10000xi32, #tpu.memory_space<vmem>> -> memref<40xi32, #tpu.memory_space<vmem>>
    %dma_wait3A_85 = arith.constant 0 : i32
    %dma_wait3A_86 = arith.constant 0 : i32
    %dma_wait3A_87 = tpu.memref_slice %arg2[%dma_wait3A_85, %dma_wait3A_86] : memref<10240x128xf32, #tpu.memory_space<hbm>> -> memref<10240x128xf32, #tpu.memory_space<hbm>>
    tpu.wait_indirect_dma semaphore(%arg12 : memref<!tpu.dma_semaphore, #tpu.memory_space<semaphore_mem>>) src(%dma_wait3A_87 : memref<10240x128xf32, #tpu.memory_space<hbm>>) dst(%dma_wait3A_82 : memref<40x128xf32, #tpu.memory_space<vmem>>)
    %dma_start3A_88 = arith.constant 1 : i32
    %dma_start3A_89 = arith.constant 0 : i32
    %dma_start3A_90 = arith.constant 0 : i32
    %dma_start3A_91 = tpu.memref_slice %arg9[%dma_start3A_88, %dma_start3A_89, %dma_start3A_90] : memref<5x40x128xf32, #tpu.memory_space<vmem>> -> memref<1x40x128xf32, #tpu.memory_space<vmem>>
    %dma_start3A_92 = tpu.memref_squeeze %dma_start3A_91 : memref<1x40x128xf32, #tpu.memory_space<vmem>> -> memref<40x128xf32, #tpu.memory_space<vmem>>
    %dma_start3A_93 = arith.constant 9840 : i32
    %dma_start3A_94 = tpu.memref_slice %arg8[%dma_start3A_93] : memref<10000xi32, #tpu.memory_space<vmem>> -> memref<40xi32, #tpu.memory_space<vmem>>
    %dma_start3A_95 = arith.constant 0 : i32
    %dma_start3A_96 = arith.constant 0 : i32
    %dma_start3A_97 = tpu.memref_slice %arg10[%dma_start3A_95, %dma_start3A_96] : memref<10240x128xf32, #tpu.memory_space<vmem_shared>> -> memref<10240x128xf32, #tpu.memory_space<vmem_shared>>
    tpu.enqueue_indirect_dma source(%dma_start3A_92 : memref<40x128xf32, #tpu.memory_space<vmem>>) target(%dma_start3A_97 : memref<10240x128xf32, #tpu.memory_space<vmem_shared>>) offsets(%dma_start3A_94 : memref<40xi32, #tpu.memory_space<vmem>>) semaphore(%arg17 : memref<!tpu.dma_semaphore, #tpu.memory_space<semaphore_mem>>) {add = true}
    %dma_wait3A_98 = arith.constant 2 : i32
    %dma_wait3A_99 = arith.constant 0 : i32
    %dma_wait3A_100 = arith.constant 0 : i32
    %dma_wait3A_101 = tpu.memref_slice %arg9[%dma_wait3A_98, %dma_wait3A_99, %dma_wait3A_100] : memref<5x40x128xf32, #tpu.memory_space<vmem>> -> memref<1x40x128xf32, #tpu.memory_space<vmem>>
    %dma_wait3A_102 = tpu.memref_squeeze %dma_wait3A_101 : memref<1x40x128xf32, #tpu.memory_space<vmem>> -> memref<40x128xf32, #tpu.memory_space<vmem>>
    %dma_wait3A_103 = arith.constant 9880 : i32
    %dma_wait3A_104 = tpu.memref_slice %arg7[%dma_wait3A_103] : memref<10000xi32, #tpu.memory_space<vmem>> -> memref<40xi32, #tpu.memory_space<vmem>>
    %dma_wait3A_105 = arith.constant 0 : i32
    %dma_wait3A_106 = arith.constant 0 : i32
    %dma_wait3A_107 = tpu.memref_slice %arg2[%dma_wait3A_105, %dma_wait3A_106] : memref<10240x128xf32, #tpu.memory_space<hbm>> -> memref<10240x128xf32, #tpu.memory_space<hbm>>
    tpu.wait_indirect_dma semaphore(%arg13 : memref<!tpu.dma_semaphore, #tpu.memory_space<semaphore_mem>>) src(%dma_wait3A_107 : memref<10240x128xf32, #tpu.memory_space<hbm>>) dst(%dma_wait3A_102 : memref<40x128xf32, #tpu.memory_space<vmem>>)
    %dma_start3A_108 = arith.constant 2 : i32
    %dma_start3A_109 = arith.constant 0 : i32
    %dma_start3A_110 = arith.constant 0 : i32
    %dma_start3A_111 = tpu.memref_slice %arg9[%dma_start3A_108, %dma_start3A_109, %dma_start3A_110] : memref<5x40x128xf32, #tpu.memory_space<vmem>> -> memref<1x40x128xf32, #tpu.memory_space<vmem>>
    %dma_start3A_112 = tpu.memref_squeeze %dma_start3A_111 : memref<1x40x128xf32, #tpu.memory_space<vmem>> -> memref<40x128xf32, #tpu.memory_space<vmem>>
    %dma_start3A_113 = arith.constant 9880 : i32
    %dma_start3A_114 = tpu.memref_slice %arg8[%dma_start3A_113] : memref<10000xi32, #tpu.memory_space<vmem>> -> memref<40xi32, #tpu.memory_space<vmem>>
    %dma_start3A_115 = arith.constant 0 : i32
    %dma_start3A_116 = arith.constant 0 : i32
    %dma_start3A_117 = tpu.memref_slice %arg10[%dma_start3A_115, %dma_start3A_116] : memref<10240x128xf32, #tpu.memory_space<vmem_shared>> -> memref<10240x128xf32, #tpu.memory_space<vmem_shared>>
    tpu.enqueue_indirect_dma source(%dma_start3A_112 : memref<40x128xf32, #tpu.memory_space<vmem>>) target(%dma_start3A_117 : memref<10240x128xf32, #tpu.memory_space<vmem_shared>>) offsets(%dma_start3A_114 : memref<40xi32, #tpu.memory_space<vmem>>) semaphore(%arg18 : memref<!tpu.dma_semaphore, #tpu.memory_space<semaphore_mem>>) {add = true}
    %dma_wait3A_118 = arith.constant 3 : i32
    %dma_wait3A_119 = arith.constant 0 : i32
    %dma_wait3A_120 = arith.constant 0 : i32
    %dma_wait3A_121 = tpu.memref_slice %arg9[%dma_wait3A_118, %dma_wait3A_119, %dma_wait3A_120] : memref<5x40x128xf32, #tpu.memory_space<vmem>> -> memref<1x40x128xf32, #tpu.memory_space<vmem>>
    %dma_wait3A_122 = tpu.memref_squeeze %dma_wait3A_121 : memref<1x40x128xf32, #tpu.memory_space<vmem>> -> memref<40x128xf32, #tpu.memory_space<vmem>>
    %dma_wait3A_123 = arith.constant 9920 : i32
    %dma_wait3A_124 = tpu.memref_slice %arg7[%dma_wait3A_123] : memref<10000xi32, #tpu.memory_space<vmem>> -> memref<40xi32, #tpu.memory_space<vmem>>
    %dma_wait3A_125 = arith.constant 0 : i32
    %dma_wait3A_126 = arith.constant 0 : i32
    %dma_wait3A_127 = tpu.memref_slice %arg2[%dma_wait3A_125, %dma_wait3A_126] : memref<10240x128xf32, #tpu.memory_space<hbm>> -> memref<10240x128xf32, #tpu.memory_space<hbm>>
    tpu.wait_indirect_dma semaphore(%arg14 : memref<!tpu.dma_semaphore, #tpu.memory_space<semaphore_mem>>) src(%dma_wait3A_127 : memref<10240x128xf32, #tpu.memory_space<hbm>>) dst(%dma_wait3A_122 : memref<40x128xf32, #tpu.memory_space<vmem>>)
    %dma_start3A_128 = arith.constant 3 : i32
    %dma_start3A_129 = arith.constant 0 : i32
    %dma_start3A_130 = arith.constant 0 : i32
    %dma_start3A_131 = tpu.memref_slice %arg9[%dma_start3A_128, %dma_start3A_129, %dma_start3A_130] : memref<5x40x128xf32, #tpu.memory_space<vmem>> -> memref<1x40x128xf32, #tpu.memory_space<vmem>>
    %dma_start3A_132 = tpu.memref_squeeze %dma_start3A_131 : memref<1x40x128xf32, #tpu.memory_space<vmem>> -> memref<40x128xf32, #tpu.memory_space<vmem>>
    %dma_start3A_133 = arith.constant 9920 : i32
    %dma_start3A_134 = tpu.memref_slice %arg8[%dma_start3A_133] : memref<10000xi32, #tpu.memory_space<vmem>> -> memref<40xi32, #tpu.memory_space<vmem>>
    %dma_start3A_135 = arith.constant 0 : i32
    %dma_start3A_136 = arith.constant 0 : i32
    %dma_start3A_137 = tpu.memref_slice %arg10[%dma_start3A_135, %dma_start3A_136] : memref<10240x128xf32, #tpu.memory_space<vmem_shared>> -> memref<10240x128xf32, #tpu.memory_space<vmem_shared>>
    tpu.enqueue_indirect_dma source(%dma_start3A_132 : memref<40x128xf32, #tpu.memory_space<vmem>>) target(%dma_start3A_137 : memref<10240x128xf32, #tpu.memory_space<vmem_shared>>) offsets(%dma_start3A_134 : memref<40xi32, #tpu.memory_space<vmem>>) semaphore(%arg19 : memref<!tpu.dma_semaphore, #tpu.memory_space<semaphore_mem>>) {add = true}
    %dma_wait3A_138 = arith.constant 4 : i32
    %dma_wait3A_139 = arith.constant 0 : i32
    %dma_wait3A_140 = arith.constant 0 : i32
    %dma_wait3A_141 = tpu.memref_slice %arg9[%dma_wait3A_138, %dma_wait3A_139, %dma_wait3A_140] : memref<5x40x128xf32, #tpu.memory_space<vmem>> -> memref<1x40x128xf32, #tpu.memory_space<vmem>>
    %dma_wait3A_142 = tpu.memref_squeeze %dma_wait3A_141 : memref<1x40x128xf32, #tpu.memory_space<vmem>> -> memref<40x128xf32, #tpu.memory_space<vmem>>
    %dma_wait3A_143 = arith.constant 9960 : i32
    %dma_wait3A_144 = tpu.memref_slice %arg7[%dma_wait3A_143] : memref<10000xi32, #tpu.memory_space<vmem>> -> memref<40xi32, #tpu.memory_space<vmem>>
    %dma_wait3A_145 = arith.constant 0 : i32
    %dma_wait3A_146 = arith.constant 0 : i32
    %dma_wait3A_147 = tpu.memref_slice %arg2[%dma_wait3A_145, %dma_wait3A_146] : memref<10240x128xf32, #tpu.memory_space<hbm>> -> memref<10240x128xf32, #tpu.memory_space<hbm>>
    tpu.wait_indirect_dma semaphore(%arg15 : memref<!tpu.dma_semaphore, #tpu.memory_space<semaphore_mem>>) src(%dma_wait3A_147 : memref<10240x128xf32, #tpu.memory_space<hbm>>) dst(%dma_wait3A_142 : memref<40x128xf32, #tpu.memory_space<vmem>>)
    %dma_start3A_148 = arith.constant 4 : i32
    %dma_start3A_149 = arith.constant 0 : i32
    %dma_start3A_150 = arith.constant 0 : i32
    %dma_start3A_151 = tpu.memref_slice %arg9[%dma_start3A_148, %dma_start3A_149, %dma_start3A_150] : memref<5x40x128xf32, #tpu.memory_space<vmem>> -> memref<1x40x128xf32, #tpu.memory_space<vmem>>
    %dma_start3A_152 = tpu.memref_squeeze %dma_start3A_151 : memref<1x40x128xf32, #tpu.memory_space<vmem>> -> memref<40x128xf32, #tpu.memory_space<vmem>>
    %dma_start3A_153 = arith.constant 9960 : i32
    %dma_start3A_154 = tpu.memref_slice %arg8[%dma_start3A_153] : memref<10000xi32, #tpu.memory_space<vmem>> -> memref<40xi32, #tpu.memory_space<vmem>>
    %dma_start3A_155 = arith.constant 0 : i32
    %dma_start3A_156 = arith.constant 0 : i32
    %dma_start3A_157 = tpu.memref_slice %arg10[%dma_start3A_155, %dma_start3A_156] : memref<10240x128xf32, #tpu.memory_space<vmem_shared>> -> memref<10240x128xf32, #tpu.memory_space<vmem_shared>>
    tpu.enqueue_indirect_dma source(%dma_start3A_152 : memref<40x128xf32, #tpu.memory_space<vmem>>) target(%dma_start3A_157 : memref<10240x128xf32, #tpu.memory_space<vmem_shared>>) offsets(%dma_start3A_154 : memref<40xi32, #tpu.memory_space<vmem>>) semaphore(%arg20 : memref<!tpu.dma_semaphore, #tpu.memory_space<semaphore_mem>>) {add = true}
    %dma_wait3A_158 = arith.constant 0 : i32
    %dma_wait3A_159 = arith.constant 0 : i32
    %dma_wait3A_160 = arith.constant 0 : i32
    %dma_wait3A_161 = tpu.memref_slice %arg9[%dma_wait3A_158, %dma_wait3A_159, %dma_wait3A_160] : memref<5x40x128xf32, #tpu.memory_space<vmem>> -> memref<1x40x128xf32, #tpu.memory_space<vmem>>
    %dma_wait3A_162 = tpu.memref_squeeze %dma_wait3A_161 : memref<1x40x128xf32, #tpu.memory_space<vmem>> -> memref<40x128xf32, #tpu.memory_space<vmem>>
    %dma_wait3A_163 = arith.constant 9800 : i32
    %dma_wait3A_164 = tpu.memref_slice %arg8[%dma_wait3A_163] : memref<10000xi32, #tpu.memory_space<vmem>> -> memref<40xi32, #tpu.memory_space<vmem>>
    %dma_wait3A_165 = arith.constant 0 : i32
    %dma_wait3A_166 = arith.constant 0 : i32
    %dma_wait3A_167 = tpu.memref_slice %arg10[%dma_wait3A_165, %dma_wait3A_166] : memref<10240x128xf32, #tpu.memory_space<vmem_shared>> -> memref<10240x128xf32, #tpu.memory_space<vmem_shared>>
    tpu.wait_indirect_dma semaphore(%arg16 : memref<!tpu.dma_semaphore, #tpu.memory_space<semaphore_mem>>) src(%dma_wait3A_162 : memref<40x128xf32, #tpu.memory_space<vmem>>) dst(%dma_wait3A_167 : memref<10240x128xf32, #tpu.memory_space<vmem_shared>>)
    %dma_wait3A_168 = arith.constant 1 : i32
    %dma_wait3A_169 = arith.constant 0 : i32
    %dma_wait3A_170 = arith.constant 0 : i32
    %dma_wait3A_171 = tpu.memref_slice %arg9[%dma_wait3A_168, %dma_wait3A_169, %dma_wait3A_170] : memref<5x40x128xf32, #tpu.memory_space<vmem>> -> memref<1x40x128xf32, #tpu.memory_space<vmem>>
    %dma_wait3A_172 = tpu.memref_squeeze %dma_wait3A_171 : memref<1x40x128xf32, #tpu.memory_space<vmem>> -> memref<40x128xf32, #tpu.memory_space<vmem>>
    %dma_wait3A_173 = arith.constant 9840 : i32
    %dma_wait3A_174 = tpu.memref_slice %arg8[%dma_wait3A_173] : memref<10000xi32, #tpu.memory_space<vmem>> -> memref<40xi32, #tpu.memory_space<vmem>>
    %dma_wait3A_175 = arith.constant 0 : i32
    %dma_wait3A_176 = arith.constant 0 : i32
    %dma_wait3A_177 = tpu.memref_slice %arg10[%dma_wait3A_175, %dma_wait3A_176] : memref<10240x128xf32, #tpu.memory_space<vmem_shared>> -> memref<10240x128xf32, #tpu.memory_space<vmem_shared>>
    tpu.wait_indirect_dma semaphore(%arg17 : memref<!tpu.dma_semaphore, #tpu.memory_space<semaphore_mem>>) src(%dma_wait3A_172 : memref<40x128xf32, #tpu.memory_space<vmem>>) dst(%dma_wait3A_177 : memref<10240x128xf32, #tpu.memory_space<vmem_shared>>)
    %dma_wait3A_178 = arith.constant 2 : i32
    %dma_wait3A_179 = arith.constant 0 : i32
    %dma_wait3A_180 = arith.constant 0 : i32
    %dma_wait3A_181 = tpu.memref_slice %arg9[%dma_wait3A_178, %dma_wait3A_179, %dma_wait3A_180] : memref<5x40x128xf32, #tpu.memory_space<vmem>> -> memref<1x40x128xf32, #tpu.memory_space<vmem>>
    %dma_wait3A_182 = tpu.memref_squeeze %dma_wait3A_181 : memref<1x40x128xf32, #tpu.memory_space<vmem>> -> memref<40x128xf32, #tpu.memory_space<vmem>>
    %dma_wait3A_183 = arith.constant 9880 : i32
    %dma_wait3A_184 = tpu.memref_slice %arg8[%dma_wait3A_183] : memref<10000xi32, #tpu.memory_space<vmem>> -> memref<40xi32, #tpu.memory_space<vmem>>
    %dma_wait3A_185 = arith.constant 0 : i32
    %dma_wait3A_186 = arith.constant 0 : i32
    %dma_wait3A_187 = tpu.memref_slice %arg10[%dma_wait3A_185, %dma_wait3A_186] : memref<10240x128xf32, #tpu.memory_space<vmem_shared>> -> memref<10240x128xf32, #tpu.memory_space<vmem_shared>>
    tpu.wait_indirect_dma semaphore(%arg18 : memref<!tpu.dma_semaphore, #tpu.memory_space<semaphore_mem>>) src(%dma_wait3A_182 : memref<40x128xf32, #tpu.memory_space<vmem>>) dst(%dma_wait3A_187 : memref<10240x128xf32, #tpu.memory_space<vmem_shared>>)
    %dma_wait3A_188 = arith.constant 3 : i32
    %dma_wait3A_189 = arith.constant 0 : i32
    %dma_wait3A_190 = arith.constant 0 : i32
    %dma_wait3A_191 = tpu.memref_slice %arg9[%dma_wait3A_188, %dma_wait3A_189, %dma_wait3A_190] : memref<5x40x128xf32, #tpu.memory_space<vmem>> -> memref<1x40x128xf32, #tpu.memory_space<vmem>>
    %dma_wait3A_192 = tpu.memref_squeeze %dma_wait3A_191 : memref<1x40x128xf32, #tpu.memory_space<vmem>> -> memref<40x128xf32, #tpu.memory_space<vmem>>
    %dma_wait3A_193 = arith.constant 9920 : i32
    %dma_wait3A_194 = tpu.memref_slice %arg8[%dma_wait3A_193] : memref<10000xi32, #tpu.memory_space<vmem>> -> memref<40xi32, #tpu.memory_space<vmem>>
    %dma_wait3A_195 = arith.constant 0 : i32
    %dma_wait3A_196 = arith.constant 0 : i32
    %dma_wait3A_197 = tpu.memref_slice %arg10[%dma_wait3A_195, %dma_wait3A_196] : memref<10240x128xf32, #tpu.memory_space<vmem_shared>> -> memref<10240x128xf32, #tpu.memory_space<vmem_shared>>
    tpu.wait_indirect_dma semaphore(%arg19 : memref<!tpu.dma_semaphore, #tpu.memory_space<semaphore_mem>>) src(%dma_wait3A_192 : memref<40x128xf32, #tpu.memory_space<vmem>>) dst(%dma_wait3A_197 : memref<10240x128xf32, #tpu.memory_space<vmem_shared>>)
    %dma_wait3A_198 = arith.constant 4 : i32
    %dma_wait3A_199 = arith.constant 0 : i32
    %dma_wait3A_200 = arith.constant 0 : i32
    %dma_wait3A_201 = tpu.memref_slice %arg9[%dma_wait3A_198, %dma_wait3A_199, %dma_wait3A_200] : memref<5x40x128xf32, #tpu.memory_space<vmem>> -> memref<1x40x128xf32, #tpu.memory_space<vmem>>
    %dma_wait3A_202 = tpu.memref_squeeze %dma_wait3A_201 : memref<1x40x128xf32, #tpu.memory_space<vmem>> -> memref<40x128xf32, #tpu.memory_space<vmem>>
    %dma_wait3A_203 = arith.constant 9960 : i32
    %dma_wait3A_204 = tpu.memref_slice %arg8[%dma_wait3A_203] : memref<10000xi32, #tpu.memory_space<vmem>> -> memref<40xi32, #tpu.memory_space<vmem>>
    %dma_wait3A_205 = arith.constant 0 : i32
    %dma_wait3A_206 = arith.constant 0 : i32
    %dma_wait3A_207 = tpu.memref_slice %arg10[%dma_wait3A_205, %dma_wait3A_206] : memref<10240x128xf32, #tpu.memory_space<vmem_shared>> -> memref<10240x128xf32, #tpu.memory_space<vmem_shared>>
    tpu.wait_indirect_dma semaphore(%arg20 : memref<!tpu.dma_semaphore, #tpu.memory_space<semaphore_mem>>) src(%dma_wait3A_202 : memref<40x128xf32, #tpu.memory_space<vmem>>) dst(%dma_wait3A_207 : memref<10240x128xf32, #tpu.memory_space<vmem_shared>>)
    %barrier3A_208 = arith.constant 0 : index
    tpu.barrier barrier_id(%barrier3A_208)
    %mul3A_209 = arith.constant 640 : i32
    %mul3A_210 = arith.muli %arg1, %mul3A_209 : i32
    %mul3A_211 = arith.constant 640 : i32
    %mul3A_212 = arith.muli %arg1, %mul3A_211 : i32
    "tpu.region"() ({
      %run_scoped3A = tpu.sem_alloc : memref<!tpu.dma_semaphore, #tpu.memory_space<semaphore_mem>>
      %dma_start3A_213 = arith.constant 0 : i32
      %dma_start3A_214 = tpu.memref_slice %arg6[%arg0, %mul3A_212, %dma_start3A_213] : memref<2x10240x128xf32, #tpu.memory_space<hbm>> -> memref<1x640x128xf32, #tpu.memory_space<hbm>>
      %dma_start3A_215 = tpu.memref_squeeze %dma_start3A_214 : memref<1x640x128xf32, #tpu.memory_space<hbm>> -> memref<640x128xf32, #tpu.memory_space<hbm>>
      %dma_start3A_216 = arith.constant 0 : i32
      %dma_start3A_217 = tpu.memref_slice %arg10[%mul3A_210, %dma_start3A_216] : memref<10240x128xf32, #tpu.memory_space<vmem_shared>> -> memref<640x128xf32, #tpu.memory_space<vmem_shared>>
      tpu.enqueue_dma source(%dma_start3A_217 : memref<640x128xf32, #tpu.memory_space<vmem_shared>>) target(%dma_start3A_215 : memref<640x128xf32, #tpu.memory_space<hbm>>) target_semaphore(%run_scoped3A : memref<!tpu.dma_semaphore, #tpu.memory_space<semaphore_mem>>)
      %dma_wait3A_218 = arith.constant 0 : i32
      %dma_wait3A_219 = tpu.memref_slice %arg6[%arg0, %mul3A_212, %dma_wait3A_218] : memref<2x10240x128xf32, #tpu.memory_space<hbm>> -> memref<1x640x128xf32, #tpu.memory_space<hbm>>
      %dma_wait3A_220 = tpu.memref_squeeze %dma_wait3A_219 : memref<1x640x128xf32, #tpu.memory_space<hbm>> -> memref<640x128xf32, #tpu.memory_space<hbm>>
      %dma_wait3A_221 = arith.constant 0 : i32
      %dma_wait3A_222 = tpu.memref_slice %arg10[%mul3A_210, %dma_wait3A_221] : memref<10240x128xf32, #tpu.memory_space<vmem_shared>> -> memref<640x128xf32, #tpu.memory_space<vmem_shared>>
      tpu.wait_dma2 semaphore(%run_scoped3A : memref<!tpu.dma_semaphore, #tpu.memory_space<semaphore_mem>>) src(%dma_wait3A_222 : memref<640x128xf32, #tpu.memory_space<vmem_shared>>) dst(%dma_wait3A_220 : memref<640x128xf32, #tpu.memory_space<hbm>>)
      tpu.yield
    }) : () -> ()
    return
  }
}

#map = affine_map<(d0, d1) -> (0, 0)>
#map1 = affine_map<(d0, d1) -> (0, 0, 0)>
module attributes {stable_mosaic.version = 14 : i64} {
  func.func @_agg_kernel(%arg0: i32, %arg1: i32, %arg2: memref<10240x128xf32, #tpu.memory_space<hbm>>, %arg3: memref<32x10000xi32, #tpu.memory_space<hbm>>, %arg4: memref<32x10000xi32, #tpu.memory_space<hbm>>, %arg5: memref<10240x128xf32, #tpu.memory_space<hbm>>, %arg6: memref<2x10240x128xf32, #tpu.memory_space<hbm>>, %arg7: memref<10000xi32, #tpu.memory_space<vmem>>, %arg8: memref<10000xi32, #tpu.memory_space<vmem>>, %arg9: memref<5x40x128xf32, #tpu.memory_space<vmem>>, %arg10: memref<10240x128xf32, #tpu.memory_space<vmem_shared>>, %arg11: memref<!tpu.dma_semaphore, #tpu.memory_space<semaphore_mem>>, %arg12: memref<!tpu.dma_semaphore, #tpu.memory_space<semaphore_mem>>, %arg13: memref<!tpu.dma_semaphore, #tpu.memory_space<semaphore_mem>>, %arg14: memref<!tpu.dma_semaphore, #tpu.memory_space<semaphore_mem>>, %arg15: memref<!tpu.dma_semaphore, #tpu.memory_space<semaphore_mem>>, %arg16: memref<!tpu.dma_semaphore, #tpu.memory_space<semaphore_mem>>, %arg17: memref<!tpu.dma_semaphore, #tpu.memory_space<semaphore_mem>>, %arg18: memref<!tpu.dma_semaphore, #tpu.memory_space<semaphore_mem>>, %arg19: memref<!tpu.dma_semaphore, #tpu.memory_space<semaphore_mem>>, %arg20: memref<!tpu.dma_semaphore, #tpu.memory_space<semaphore_mem>>) attributes {dimension_semantics = [#tpu.dimension_semantics<core_parallel>, #tpu.dimension_semantics<subcore_parallel>], iteration_bounds = array<i64: 2, 16>, scalar_prefetch = 0 : i64, scratch_operands = 14 : i64, tpu.core_type = #tpu.core_type<sc_vector_subcore>, window_params = [{transform_indices = #map}, {transform_indices = #map}, {transform_indices = #map}, {transform_indices = #map}, {transform_indices = #map1}]} {
    %mul3A = arith.constant 16 : i32
    %mul3A_0 = arith.muli %arg0, %mul3A : i32
    %add3A = arith.addi %mul3A_0, %arg1 : i32
    "tpu.region"() ({
      %run_scoped3A = tpu.sem_alloc : memref<!tpu.dma_semaphore, #tpu.memory_space<semaphore_mem>>
      %dma_start3A_213 = arith.constant 0 : i32
      %dma_start3A_214 = tpu.memref_slice %arg3[%add3A, %dma_start3A_213] : memref<32x10000xi32, #tpu.memory_space<hbm>> -> memref<1x10000xi32, #tpu.memory_space<hbm>>
      %dma_start3A_215 = tpu.memref_squeeze %dma_start3A_214 : memref<1x10000xi32, #tpu.memory_space<hbm>> -> memref<10000xi32, #tpu.memory_space<hbm>>
      %dma_start3A_216 = arith.constant 0 : i32
      %dma_start3A_217 = tpu.memref_slice %arg3[%add3A, %dma_start3A_216] : memref<32x10000xi32, #tpu.memory_space<hbm>> -> memref<1x10000xi32, #tpu.memory_space<hbm>>
      %dma_start3A_218 = tpu.memref_squeeze %dma_start3A_217 : memref<1x10000xi32, #tpu.memory_space<hbm>> -> memref<10000xi32, #tpu.memory_space<hbm>>
      tpu.enqueue_dma source(%dma_start3A_218 : memref<10000xi32, #tpu.memory_space<hbm>>) target(%arg7 : memref<10000xi32, #tpu.memory_space<vmem>>) target_semaphore(%run_scoped3A : memref<!tpu.dma_semaphore, #tpu.memory_space<semaphore_mem>>)
      %dma_wait3A_219 = arith.constant 0 : i32
      %dma_wait3A_220 = tpu.memref_slice %arg3[%add3A, %dma_wait3A_219] : memref<32x10000xi32, #tpu.memory_space<hbm>> -> memref<1x10000xi32, #tpu.memory_space<hbm>>
      %dma_wait3A_221 = tpu.memref_squeeze %dma_wait3A_220 : memref<1x10000xi32, #tpu.memory_space<hbm>> -> memref<10000xi32, #tpu.memory_space<hbm>>
      %dma_wait3A_222 = arith.constant 0 : i32
      %dma_wait3A_223 = tpu.memref_slice %arg3[%add3A, %dma_wait3A_222] : memref<32x10000xi32, #tpu.memory_space<hbm>> -> memref<1x10000xi32, #tpu.memory_space<hbm>>
      %dma_wait3A_224 = tpu.memref_squeeze %dma_wait3A_223 : memref<1x10000xi32, #tpu.memory_space<hbm>> -> memref<10000xi32, #tpu.memory_space<hbm>>
      tpu.wait_dma2 semaphore(%run_scoped3A : memref<!tpu.dma_semaphore, #tpu.memory_space<semaphore_mem>>) src(%dma_wait3A_224 : memref<10000xi32, #tpu.memory_space<hbm>>) dst(%arg7 : memref<10000xi32, #tpu.memory_space<vmem>>)
      tpu.yield
    }) : () -> ()
    "tpu.region"() ({
      %run_scoped3A = tpu.sem_alloc : memref<!tpu.dma_semaphore, #tpu.memory_space<semaphore_mem>>
      %dma_start3A_213 = arith.constant 0 : i32
      %dma_start3A_214 = tpu.memref_slice %arg4[%add3A, %dma_start3A_213] : memref<32x10000xi32, #tpu.memory_space<hbm>> -> memref<1x10000xi32, #tpu.memory_space<hbm>>
      %dma_start3A_215 = tpu.memref_squeeze %dma_start3A_214 : memref<1x10000xi32, #tpu.memory_space<hbm>> -> memref<10000xi32, #tpu.memory_space<hbm>>
      %dma_start3A_216 = arith.constant 0 : i32
      %dma_start3A_217 = tpu.memref_slice %arg4[%add3A, %dma_start3A_216] : memref<32x10000xi32, #tpu.memory_space<hbm>> -> memref<1x10000xi32, #tpu.memory_space<hbm>>
      %dma_start3A_218 = tpu.memref_squeeze %dma_start3A_217 : memref<1x10000xi32, #tpu.memory_space<hbm>> -> memref<10000xi32, #tpu.memory_space<hbm>>
      tpu.enqueue_dma source(%dma_start3A_218 : memref<10000xi32, #tpu.memory_space<hbm>>) target(%arg8 : memref<10000xi32, #tpu.memory_space<vmem>>) target_semaphore(%run_scoped3A : memref<!tpu.dma_semaphore, #tpu.memory_space<semaphore_mem>>)
      %dma_wait3A_219 = arith.constant 0 : i32
      %dma_wait3A_220 = tpu.memref_slice %arg4[%add3A, %dma_wait3A_219] : memref<32x10000xi32, #tpu.memory_space<hbm>> -> memref<1x10000xi32, #tpu.memory_space<hbm>>
      %dma_wait3A_221 = tpu.memref_squeeze %dma_wait3A_220 : memref<1x10000xi32, #tpu.memory_space<hbm>> -> memref<10000xi32, #tpu.memory_space<hbm>>
      %dma_wait3A_222 = arith.constant 0 : i32
      %dma_wait3A_223 = tpu.memref_slice %arg4[%add3A, %dma_wait3A_222] : memref<32x10000xi32, #tpu.memory_space<hbm>> -> memref<1x10000xi32, #tpu.memory_space<hbm>>
      %dma_wait3A_224 = tpu.memref_squeeze %dma_wait3A_223 : memref<1x10000xi32, #tpu.memory_space<hbm>> -> memref<10000xi32, #tpu.memory_space<hbm>>
      tpu.wait_dma2 semaphore(%run_scoped3A : memref<!tpu.dma_semaphore, #tpu.memory_space<semaphore_mem>>) src(%dma_wait3A_224 : memref<10000xi32, #tpu.memory_space<hbm>>) dst(%arg8 : memref<10000xi32, #tpu.memory_space<vmem>>)
      tpu.yield
    }) : () -> ()
    %mul3A_1 = arith.constant 640 : i32
    %mul3A_2 = arith.muli %arg1, %mul3A_1 : i32
    %mul3A_3 = arith.constant 640 : i32
    %mul3A_4 = arith.muli %arg1, %mul3A_3 : i32
    "tpu.region"() ({
      %run_scoped3A = tpu.sem_alloc : memref<!tpu.dma_semaphore, #tpu.memory_space<semaphore_mem>>
      %dma_start3A_213 = arith.constant 0 : i32
      %dma_start3A_214 = tpu.memref_slice %arg10[%mul3A_4, %dma_start3A_213] : memref<10240x128xf32, #tpu.memory_space<vmem_shared>> -> memref<640x128xf32, #tpu.memory_space<vmem_shared>>
      %dma_start3A_215 = arith.constant 0 : i32
      %dma_start3A_216 = tpu.memref_slice %arg5[%mul3A_2, %dma_start3A_215] : memref<10240x128xf32, #tpu.memory_space<hbm>> -> memref<640x128xf32, #tpu.memory_space<hbm>>
      tpu.enqueue_dma source(%dma_start3A_216 : memref<640x128xf32, #tpu.memory_space<hbm>>) target(%dma_start3A_214 : memref<640x128xf32, #tpu.memory_space<vmem_shared>>) target_semaphore(%run_scoped3A : memref<!tpu.dma_semaphore, #tpu.memory_space<semaphore_mem>>)
      %dma_wait3A_217 = arith.constant 0 : i32
      %dma_wait3A_218 = tpu.memref_slice %arg10[%mul3A_4, %dma_wait3A_217] : memref<10240x128xf32, #tpu.memory_space<vmem_shared>> -> memref<640x128xf32, #tpu.memory_space<vmem_shared>>
      %dma_wait3A_219 = arith.constant 0 : i32
      %dma_wait3A_220 = tpu.memref_slice %arg5[%mul3A_2, %dma_wait3A_219] : memref<10240x128xf32, #tpu.memory_space<hbm>> -> memref<640x128xf32, #tpu.memory_space<hbm>>
      tpu.wait_dma2 semaphore(%run_scoped3A : memref<!tpu.dma_semaphore, #tpu.memory_space<semaphore_mem>>) src(%dma_wait3A_220 : memref<640x128xf32, #tpu.memory_space<hbm>>) dst(%dma_wait3A_218 : memref<640x128xf32, #tpu.memory_space<vmem_shared>>)
      tpu.yield
    }) : () -> ()
    %barrier3A = arith.constant 0 : index
    tpu.barrier barrier_id(%barrier3A)
    %dma_start3A = arith.constant 0 : i32
    %dma_start3A_5 = arith.constant 0 : i32
    %dma_start3A_6 = arith.constant 0 : i32
    %dma_start3A_7 = tpu.memref_slice %arg9[%dma_start3A, %dma_start3A_5, %dma_start3A_6] : memref<5x40x128xf32, #tpu.memory_space<vmem>> -> memref<1x40x128xf32, #tpu.memory_space<vmem>>
    %dma_start3A_8 = tpu.memref_squeeze %dma_start3A_7 : memref<1x40x128xf32, #tpu.memory_space<vmem>> -> memref<40x128xf32, #tpu.memory_space<vmem>>
    %dma_start3A_9 = arith.constant 0 : i32
    %dma_start3A_10 = tpu.memref_slice %arg7[%dma_start3A_9] : memref<10000xi32, #tpu.memory_space<vmem>> -> memref<40xi32, #tpu.memory_space<vmem>>
    %dma_start3A_11 = arith.constant 0 : i32
    %dma_start3A_12 = arith.constant 0 : i32
    %dma_start3A_13 = tpu.memref_slice %arg2[%dma_start3A_11, %dma_start3A_12] : memref<10240x128xf32, #tpu.memory_space<hbm>> -> memref<10240x128xf32, #tpu.memory_space<hbm>>
    tpu.enqueue_indirect_dma source(%dma_start3A_13 : memref<10240x128xf32, #tpu.memory_space<hbm>>) target(%dma_start3A_8 : memref<40x128xf32, #tpu.memory_space<vmem>>) offsets(%dma_start3A_10 : memref<40xi32, #tpu.memory_space<vmem>>) semaphore(%arg11 : memref<!tpu.dma_semaphore, #tpu.memory_space<semaphore_mem>>)
    %dma_start3A_14 = arith.constant 1 : i32
    %dma_start3A_15 = arith.constant 0 : i32
    %dma_start3A_16 = arith.constant 0 : i32
    %dma_start3A_17 = tpu.memref_slice %arg9[%dma_start3A_14, %dma_start3A_15, %dma_start3A_16] : memref<5x40x128xf32, #tpu.memory_space<vmem>> -> memref<1x40x128xf32, #tpu.memory_space<vmem>>
    %dma_start3A_18 = tpu.memref_squeeze %dma_start3A_17 : memref<1x40x128xf32, #tpu.memory_space<vmem>> -> memref<40x128xf32, #tpu.memory_space<vmem>>
    %dma_start3A_19 = arith.constant 40 : i32
    %dma_start3A_20 = tpu.memref_slice %arg7[%dma_start3A_19] : memref<10000xi32, #tpu.memory_space<vmem>> -> memref<40xi32, #tpu.memory_space<vmem>>
    %dma_start3A_21 = arith.constant 0 : i32
    %dma_start3A_22 = arith.constant 0 : i32
    %dma_start3A_23 = tpu.memref_slice %arg2[%dma_start3A_21, %dma_start3A_22] : memref<10240x128xf32, #tpu.memory_space<hbm>> -> memref<10240x128xf32, #tpu.memory_space<hbm>>
    tpu.enqueue_indirect_dma source(%dma_start3A_23 : memref<10240x128xf32, #tpu.memory_space<hbm>>) target(%dma_start3A_18 : memref<40x128xf32, #tpu.memory_space<vmem>>) offsets(%dma_start3A_20 : memref<40xi32, #tpu.memory_space<vmem>>) semaphore(%arg12 : memref<!tpu.dma_semaphore, #tpu.memory_space<semaphore_mem>>)
    %dma_start3A_24 = arith.constant 2 : i32
    %dma_start3A_25 = arith.constant 0 : i32
    %dma_start3A_26 = arith.constant 0 : i32
    %dma_start3A_27 = tpu.memref_slice %arg9[%dma_start3A_24, %dma_start3A_25, %dma_start3A_26] : memref<5x40x128xf32, #tpu.memory_space<vmem>> -> memref<1x40x128xf32, #tpu.memory_space<vmem>>
    %dma_start3A_28 = tpu.memref_squeeze %dma_start3A_27 : memref<1x40x128xf32, #tpu.memory_space<vmem>> -> memref<40x128xf32, #tpu.memory_space<vmem>>
    %dma_start3A_29 = arith.constant 80 : i32
    %dma_start3A_30 = tpu.memref_slice %arg7[%dma_start3A_29] : memref<10000xi32, #tpu.memory_space<vmem>> -> memref<40xi32, #tpu.memory_space<vmem>>
    %dma_start3A_31 = arith.constant 0 : i32
    %dma_start3A_32 = arith.constant 0 : i32
    %dma_start3A_33 = tpu.memref_slice %arg2[%dma_start3A_31, %dma_start3A_32] : memref<10240x128xf32, #tpu.memory_space<hbm>> -> memref<10240x128xf32, #tpu.memory_space<hbm>>
    tpu.enqueue_indirect_dma source(%dma_start3A_33 : memref<10240x128xf32, #tpu.memory_space<hbm>>) target(%dma_start3A_28 : memref<40x128xf32, #tpu.memory_space<vmem>>) offsets(%dma_start3A_30 : memref<40xi32, #tpu.memory_space<vmem>>) semaphore(%arg13 : memref<!tpu.dma_semaphore, #tpu.memory_space<semaphore_mem>>)
    %dma_start3A_34 = arith.constant 3 : i32
    %dma_start3A_35 = arith.constant 0 : i32
    %dma_start3A_36 = arith.constant 0 : i32
    %dma_start3A_37 = tpu.memref_slice %arg9[%dma_start3A_34, %dma_start3A_35, %dma_start3A_36] : memref<5x40x128xf32, #tpu.memory_space<vmem>> -> memref<1x40x128xf32, #tpu.memory_space<vmem>>
    %dma_start3A_38 = tpu.memref_squeeze %dma_start3A_37 : memref<1x40x128xf32, #tpu.memory_space<vmem>> -> memref<40x128xf32, #tpu.memory_space<vmem>>
    %dma_start3A_39 = arith.constant 120 : i32
    %dma_start3A_40 = tpu.memref_slice %arg7[%dma_start3A_39] : memref<10000xi32, #tpu.memory_space<vmem>> -> memref<40xi32, #tpu.memory_space<vmem>>
    %dma_start3A_41 = arith.constant 0 : i32
    %dma_start3A_42 = arith.constant 0 : i32
    %dma_start3A_43 = tpu.memref_slice %arg2[%dma_start3A_41, %dma_start3A_42] : memref<10240x128xf32, #tpu.memory_space<hbm>> -> memref<10240x128xf32, #tpu.memory_space<hbm>>
    tpu.enqueue_indirect_dma source(%dma_start3A_43 : memref<10240x128xf32, #tpu.memory_space<hbm>>) target(%dma_start3A_38 : memref<40x128xf32, #tpu.memory_space<vmem>>) offsets(%dma_start3A_40 : memref<40xi32, #tpu.memory_space<vmem>>) semaphore(%arg14 : memref<!tpu.dma_semaphore, #tpu.memory_space<semaphore_mem>>)
    %dma_start3A_44 = arith.constant 4 : i32
    %dma_start3A_45 = arith.constant 0 : i32
    %dma_start3A_46 = arith.constant 0 : i32
    %dma_start3A_47 = tpu.memref_slice %arg9[%dma_start3A_44, %dma_start3A_45, %dma_start3A_46] : memref<5x40x128xf32, #tpu.memory_space<vmem>> -> memref<1x40x128xf32, #tpu.memory_space<vmem>>
    %dma_start3A_48 = tpu.memref_squeeze %dma_start3A_47 : memref<1x40x128xf32, #tpu.memory_space<vmem>> -> memref<40x128xf32, #tpu.memory_space<vmem>>
    %dma_start3A_49 = arith.constant 160 : i32
    %dma_start3A_50 = tpu.memref_slice %arg7[%dma_start3A_49] : memref<10000xi32, #tpu.memory_space<vmem>> -> memref<40xi32, #tpu.memory_space<vmem>>
    %dma_start3A_51 = arith.constant 0 : i32
    %dma_start3A_52 = arith.constant 0 : i32
    %dma_start3A_53 = tpu.memref_slice %arg2[%dma_start3A_51, %dma_start3A_52] : memref<10240x128xf32, #tpu.memory_space<hbm>> -> memref<10240x128xf32, #tpu.memory_space<hbm>>
    tpu.enqueue_indirect_dma source(%dma_start3A_53 : memref<10240x128xf32, #tpu.memory_space<hbm>>) target(%dma_start3A_48 : memref<40x128xf32, #tpu.memory_space<vmem>>) offsets(%dma_start3A_50 : memref<40xi32, #tpu.memory_space<vmem>>) semaphore(%arg15 : memref<!tpu.dma_semaphore, #tpu.memory_space<semaphore_mem>>)
    %scan3A = arith.constant 0 : i32
    %scan3A_54 = arith.constant 0 : i32
    %scan3A_55 = arith.constant 49 : i32
    %scan3A_56 = arith.addi %scan3A_54, %scan3A_55 : i32
    %scan3A_57 = arith.constant 1 : i32
    scf.for %scan3A_213 = %scan3A_54 to %scan3A_56 step %scan3A_57  : i32 {
      %mul3A_214 = arith.constant 5 : i32
      %mul3A_215 = arith.muli %scan3A_213, %mul3A_214 : i32
      %add3A_216 = arith.constant 0 : i32
      %add3A_217 = arith.addi %mul3A_215, %add3A_216 : i32
      %mul3A_218 = arith.constant 40 : i32
      %mul3A_219 = arith.muli %add3A_217, %mul3A_218 : i32
      %dma_wait3A_220 = arith.constant 0 : i32
      %dma_wait3A_221 = arith.constant 0 : i32
      %dma_wait3A_222 = arith.constant 0 : i32
      %dma_wait3A_223 = tpu.memref_slice %arg9[%dma_wait3A_220, %dma_wait3A_221, %dma_wait3A_222] : memref<5x40x128xf32, #tpu.memory_space<vmem>> -> memref<1x40x128xf32, #tpu.memory_space<vmem>>
      %dma_wait3A_224 = tpu.memref_squeeze %dma_wait3A_223 : memref<1x40x128xf32, #tpu.memory_space<vmem>> -> memref<40x128xf32, #tpu.memory_space<vmem>>
      %dma_wait3A_225 = tpu.memref_slice %arg7[%mul3A_219] : memref<10000xi32, #tpu.memory_space<vmem>> -> memref<40xi32, #tpu.memory_space<vmem>>
      %dma_wait3A_226 = arith.constant 0 : i32
      %dma_wait3A_227 = arith.constant 0 : i32
      %dma_wait3A_228 = tpu.memref_slice %arg2[%dma_wait3A_226, %dma_wait3A_227] : memref<10240x128xf32, #tpu.memory_space<hbm>> -> memref<10240x128xf32, #tpu.memory_space<hbm>>
      tpu.wait_indirect_dma semaphore(%arg11 : memref<!tpu.dma_semaphore, #tpu.memory_space<semaphore_mem>>) src(%dma_wait3A_228 : memref<10240x128xf32, #tpu.memory_space<hbm>>) dst(%dma_wait3A_224 : memref<40x128xf32, #tpu.memory_space<vmem>>)
      %mul3A_229 = arith.constant 40 : i32
      %mul3A_230 = arith.muli %add3A_217, %mul3A_229 : i32
      %dma_start3A_231 = arith.constant 0 : i32
      %dma_start3A_232 = arith.constant 0 : i32
      %dma_start3A_233 = arith.constant 0 : i32
      %dma_start3A_234 = tpu.memref_slice %arg9[%dma_start3A_231, %dma_start3A_232, %dma_start3A_233] : memref<5x40x128xf32, #tpu.memory_space<vmem>> -> memref<1x40x128xf32, #tpu.memory_space<vmem>>
      %dma_start3A_235 = tpu.memref_squeeze %dma_start3A_234 : memref<1x40x128xf32, #tpu.memory_space<vmem>> -> memref<40x128xf32, #tpu.memory_space<vmem>>
      %dma_start3A_236 = tpu.memref_slice %arg8[%mul3A_230] : memref<10000xi32, #tpu.memory_space<vmem>> -> memref<40xi32, #tpu.memory_space<vmem>>
      %dma_start3A_237 = arith.constant 0 : i32
      %dma_start3A_238 = arith.constant 0 : i32
      %dma_start3A_239 = tpu.memref_slice %arg10[%dma_start3A_237, %dma_start3A_238] : memref<10240x128xf32, #tpu.memory_space<vmem_shared>> -> memref<10240x128xf32, #tpu.memory_space<vmem_shared>>
      tpu.enqueue_indirect_dma source(%dma_start3A_235 : memref<40x128xf32, #tpu.memory_space<vmem>>) target(%dma_start3A_239 : memref<10240x128xf32, #tpu.memory_space<vmem_shared>>) offsets(%dma_start3A_236 : memref<40xi32, #tpu.memory_space<vmem>>) semaphore(%arg16 : memref<!tpu.dma_semaphore, #tpu.memory_space<semaphore_mem>>) {add = true}
      %add3A_240 = arith.constant 1 : i32
      %add3A_241 = arith.addi %mul3A_215, %add3A_240 : i32
      %mul3A_242 = arith.constant 40 : i32
      %mul3A_243 = arith.muli %add3A_241, %mul3A_242 : i32
      %dma_wait3A_244 = arith.constant 1 : i32
      %dma_wait3A_245 = arith.constant 0 : i32
      %dma_wait3A_246 = arith.constant 0 : i32
      %dma_wait3A_247 = tpu.memref_slice %arg9[%dma_wait3A_244, %dma_wait3A_245, %dma_wait3A_246] : memref<5x40x128xf32, #tpu.memory_space<vmem>> -> memref<1x40x128xf32, #tpu.memory_space<vmem>>
      %dma_wait3A_248 = tpu.memref_squeeze %dma_wait3A_247 : memref<1x40x128xf32, #tpu.memory_space<vmem>> -> memref<40x128xf32, #tpu.memory_space<vmem>>
      %dma_wait3A_249 = tpu.memref_slice %arg7[%mul3A_243] : memref<10000xi32, #tpu.memory_space<vmem>> -> memref<40xi32, #tpu.memory_space<vmem>>
      %dma_wait3A_250 = arith.constant 0 : i32
      %dma_wait3A_251 = arith.constant 0 : i32
      %dma_wait3A_252 = tpu.memref_slice %arg2[%dma_wait3A_250, %dma_wait3A_251] : memref<10240x128xf32, #tpu.memory_space<hbm>> -> memref<10240x128xf32, #tpu.memory_space<hbm>>
      tpu.wait_indirect_dma semaphore(%arg12 : memref<!tpu.dma_semaphore, #tpu.memory_space<semaphore_mem>>) src(%dma_wait3A_252 : memref<10240x128xf32, #tpu.memory_space<hbm>>) dst(%dma_wait3A_248 : memref<40x128xf32, #tpu.memory_space<vmem>>)
      %mul3A_253 = arith.constant 40 : i32
      %mul3A_254 = arith.muli %add3A_241, %mul3A_253 : i32
      %dma_start3A_255 = arith.constant 1 : i32
      %dma_start3A_256 = arith.constant 0 : i32
      %dma_start3A_257 = arith.constant 0 : i32
      %dma_start3A_258 = tpu.memref_slice %arg9[%dma_start3A_255, %dma_start3A_256, %dma_start3A_257] : memref<5x40x128xf32, #tpu.memory_space<vmem>> -> memref<1x40x128xf32, #tpu.memory_space<vmem>>
      %dma_start3A_259 = tpu.memref_squeeze %dma_start3A_258 : memref<1x40x128xf32, #tpu.memory_space<vmem>> -> memref<40x128xf32, #tpu.memory_space<vmem>>
      %dma_start3A_260 = tpu.memref_slice %arg8[%mul3A_254] : memref<10000xi32, #tpu.memory_space<vmem>> -> memref<40xi32, #tpu.memory_space<vmem>>
      %dma_start3A_261 = arith.constant 0 : i32
      %dma_start3A_262 = arith.constant 0 : i32
      %dma_start3A_263 = tpu.memref_slice %arg10[%dma_start3A_261, %dma_start3A_262] : memref<10240x128xf32, #tpu.memory_space<vmem_shared>> -> memref<10240x128xf32, #tpu.memory_space<vmem_shared>>
      tpu.enqueue_indirect_dma source(%dma_start3A_259 : memref<40x128xf32, #tpu.memory_space<vmem>>) target(%dma_start3A_263 : memref<10240x128xf32, #tpu.memory_space<vmem_shared>>) offsets(%dma_start3A_260 : memref<40xi32, #tpu.memory_space<vmem>>) semaphore(%arg17 : memref<!tpu.dma_semaphore, #tpu.memory_space<semaphore_mem>>) {add = true}
      %add3A_264 = arith.constant 2 : i32
      %add3A_265 = arith.addi %mul3A_215, %add3A_264 : i32
      %mul3A_266 = arith.constant 40 : i32
      %mul3A_267 = arith.muli %add3A_265, %mul3A_266 : i32
      %dma_wait3A_268 = arith.constant 2 : i32
      %dma_wait3A_269 = arith.constant 0 : i32
      %dma_wait3A_270 = arith.constant 0 : i32
      %dma_wait3A_271 = tpu.memref_slice %arg9[%dma_wait3A_268, %dma_wait3A_269, %dma_wait3A_270] : memref<5x40x128xf32, #tpu.memory_space<vmem>> -> memref<1x40x128xf32, #tpu.memory_space<vmem>>
      %dma_wait3A_272 = tpu.memref_squeeze %dma_wait3A_271 : memref<1x40x128xf32, #tpu.memory_space<vmem>> -> memref<40x128xf32, #tpu.memory_space<vmem>>
      %dma_wait3A_273 = tpu.memref_slice %arg7[%mul3A_267] : memref<10000xi32, #tpu.memory_space<vmem>> -> memref<40xi32, #tpu.memory_space<vmem>>
      %dma_wait3A_274 = arith.constant 0 : i32
      %dma_wait3A_275 = arith.constant 0 : i32
      %dma_wait3A_276 = tpu.memref_slice %arg2[%dma_wait3A_274, %dma_wait3A_275] : memref<10240x128xf32, #tpu.memory_space<hbm>> -> memref<10240x128xf32, #tpu.memory_space<hbm>>
      tpu.wait_indirect_dma semaphore(%arg13 : memref<!tpu.dma_semaphore, #tpu.memory_space<semaphore_mem>>) src(%dma_wait3A_276 : memref<10240x128xf32, #tpu.memory_space<hbm>>) dst(%dma_wait3A_272 : memref<40x128xf32, #tpu.memory_space<vmem>>)
      %mul3A_277 = arith.constant 40 : i32
      %mul3A_278 = arith.muli %add3A_265, %mul3A_277 : i32
      %dma_start3A_279 = arith.constant 2 : i32
      %dma_start3A_280 = arith.constant 0 : i32
      %dma_start3A_281 = arith.constant 0 : i32
      %dma_start3A_282 = tpu.memref_slice %arg9[%dma_start3A_279, %dma_start3A_280, %dma_start3A_281] : memref<5x40x128xf32, #tpu.memory_space<vmem>> -> memref<1x40x128xf32, #tpu.memory_space<vmem>>
      %dma_start3A_283 = tpu.memref_squeeze %dma_start3A_282 : memref<1x40x128xf32, #tpu.memory_space<vmem>> -> memref<40x128xf32, #tpu.memory_space<vmem>>
      %dma_start3A_284 = tpu.memref_slice %arg8[%mul3A_278] : memref<10000xi32, #tpu.memory_space<vmem>> -> memref<40xi32, #tpu.memory_space<vmem>>
      %dma_start3A_285 = arith.constant 0 : i32
      %dma_start3A_286 = arith.constant 0 : i32
      %dma_start3A_287 = tpu.memref_slice %arg10[%dma_start3A_285, %dma_start3A_286] : memref<10240x128xf32, #tpu.memory_space<vmem_shared>> -> memref<10240x128xf32, #tpu.memory_space<vmem_shared>>
      tpu.enqueue_indirect_dma source(%dma_start3A_283 : memref<40x128xf32, #tpu.memory_space<vmem>>) target(%dma_start3A_287 : memref<10240x128xf32, #tpu.memory_space<vmem_shared>>) offsets(%dma_start3A_284 : memref<40xi32, #tpu.memory_space<vmem>>) semaphore(%arg18 : memref<!tpu.dma_semaphore, #tpu.memory_space<semaphore_mem>>) {add = true}
      %add3A_288 = arith.constant 3 : i32
      %add3A_289 = arith.addi %mul3A_215, %add3A_288 : i32
      %mul3A_290 = arith.constant 40 : i32
      %mul3A_291 = arith.muli %add3A_289, %mul3A_290 : i32
      %dma_wait3A_292 = arith.constant 3 : i32
      %dma_wait3A_293 = arith.constant 0 : i32
      %dma_wait3A_294 = arith.constant 0 : i32
      %dma_wait3A_295 = tpu.memref_slice %arg9[%dma_wait3A_292, %dma_wait3A_293, %dma_wait3A_294] : memref<5x40x128xf32, #tpu.memory_space<vmem>> -> memref<1x40x128xf32, #tpu.memory_space<vmem>>
      %dma_wait3A_296 = tpu.memref_squeeze %dma_wait3A_295 : memref<1x40x128xf32, #tpu.memory_space<vmem>> -> memref<40x128xf32, #tpu.memory_space<vmem>>
      %dma_wait3A_297 = tpu.memref_slice %arg7[%mul3A_291] : memref<10000xi32, #tpu.memory_space<vmem>> -> memref<40xi32, #tpu.memory_space<vmem>>
      %dma_wait3A_298 = arith.constant 0 : i32
      %dma_wait3A_299 = arith.constant 0 : i32
      %dma_wait3A_300 = tpu.memref_slice %arg2[%dma_wait3A_298, %dma_wait3A_299] : memref<10240x128xf32, #tpu.memory_space<hbm>> -> memref<10240x128xf32, #tpu.memory_space<hbm>>
      tpu.wait_indirect_dma semaphore(%arg14 : memref<!tpu.dma_semaphore, #tpu.memory_space<semaphore_mem>>) src(%dma_wait3A_300 : memref<10240x128xf32, #tpu.memory_space<hbm>>) dst(%dma_wait3A_296 : memref<40x128xf32, #tpu.memory_space<vmem>>)
      %mul3A_301 = arith.constant 40 : i32
      %mul3A_302 = arith.muli %add3A_289, %mul3A_301 : i32
      %dma_start3A_303 = arith.constant 3 : i32
      %dma_start3A_304 = arith.constant 0 : i32
      %dma_start3A_305 = arith.constant 0 : i32
      %dma_start3A_306 = tpu.memref_slice %arg9[%dma_start3A_303, %dma_start3A_304, %dma_start3A_305] : memref<5x40x128xf32, #tpu.memory_space<vmem>> -> memref<1x40x128xf32, #tpu.memory_space<vmem>>
      %dma_start3A_307 = tpu.memref_squeeze %dma_start3A_306 : memref<1x40x128xf32, #tpu.memory_space<vmem>> -> memref<40x128xf32, #tpu.memory_space<vmem>>
      %dma_start3A_308 = tpu.memref_slice %arg8[%mul3A_302] : memref<10000xi32, #tpu.memory_space<vmem>> -> memref<40xi32, #tpu.memory_space<vmem>>
      %dma_start3A_309 = arith.constant 0 : i32
      %dma_start3A_310 = arith.constant 0 : i32
      %dma_start3A_311 = tpu.memref_slice %arg10[%dma_start3A_309, %dma_start3A_310] : memref<10240x128xf32, #tpu.memory_space<vmem_shared>> -> memref<10240x128xf32, #tpu.memory_space<vmem_shared>>
      tpu.enqueue_indirect_dma source(%dma_start3A_307 : memref<40x128xf32, #tpu.memory_space<vmem>>) target(%dma_start3A_311 : memref<10240x128xf32, #tpu.memory_space<vmem_shared>>) offsets(%dma_start3A_308 : memref<40xi32, #tpu.memory_space<vmem>>) semaphore(%arg19 : memref<!tpu.dma_semaphore, #tpu.memory_space<semaphore_mem>>) {add = true}
      %add3A_312 = arith.constant 4 : i32
      %add3A_313 = arith.addi %mul3A_215, %add3A_312 : i32
      %mul3A_314 = arith.constant 40 : i32
      %mul3A_315 = arith.muli %add3A_313, %mul3A_314 : i32
      %dma_wait3A_316 = arith.constant 4 : i32
      %dma_wait3A_317 = arith.constant 0 : i32
      %dma_wait3A_318 = arith.constant 0 : i32
      %dma_wait3A_319 = tpu.memref_slice %arg9[%dma_wait3A_316, %dma_wait3A_317, %dma_wait3A_318] : memref<5x40x128xf32, #tpu.memory_space<vmem>> -> memref<1x40x128xf32, #tpu.memory_space<vmem>>
      %dma_wait3A_320 = tpu.memref_squeeze %dma_wait3A_319 : memref<1x40x128xf32, #tpu.memory_space<vmem>> -> memref<40x128xf32, #tpu.memory_space<vmem>>
      %dma_wait3A_321 = tpu.memref_slice %arg7[%mul3A_315] : memref<10000xi32, #tpu.memory_space<vmem>> -> memref<40xi32, #tpu.memory_space<vmem>>
      %dma_wait3A_322 = arith.constant 0 : i32
      %dma_wait3A_323 = arith.constant 0 : i32
      %dma_wait3A_324 = tpu.memref_slice %arg2[%dma_wait3A_322, %dma_wait3A_323] : memref<10240x128xf32, #tpu.memory_space<hbm>> -> memref<10240x128xf32, #tpu.memory_space<hbm>>
      tpu.wait_indirect_dma semaphore(%arg15 : memref<!tpu.dma_semaphore, #tpu.memory_space<semaphore_mem>>) src(%dma_wait3A_324 : memref<10240x128xf32, #tpu.memory_space<hbm>>) dst(%dma_wait3A_320 : memref<40x128xf32, #tpu.memory_space<vmem>>)
      %mul3A_325 = arith.constant 40 : i32
      %mul3A_326 = arith.muli %add3A_313, %mul3A_325 : i32
      %dma_start3A_327 = arith.constant 4 : i32
      %dma_start3A_328 = arith.constant 0 : i32
      %dma_start3A_329 = arith.constant 0 : i32
      %dma_start3A_330 = tpu.memref_slice %arg9[%dma_start3A_327, %dma_start3A_328, %dma_start3A_329] : memref<5x40x128xf32, #tpu.memory_space<vmem>> -> memref<1x40x128xf32, #tpu.memory_space<vmem>>
      %dma_start3A_331 = tpu.memref_squeeze %dma_start3A_330 : memref<1x40x128xf32, #tpu.memory_space<vmem>> -> memref<40x128xf32, #tpu.memory_space<vmem>>
      %dma_start3A_332 = tpu.memref_slice %arg8[%mul3A_326] : memref<10000xi32, #tpu.memory_space<vmem>> -> memref<40xi32, #tpu.memory_space<vmem>>
      %dma_start3A_333 = arith.constant 0 : i32
      %dma_start3A_334 = arith.constant 0 : i32
      %dma_start3A_335 = tpu.memref_slice %arg10[%dma_start3A_333, %dma_start3A_334] : memref<10240x128xf32, #tpu.memory_space<vmem_shared>> -> memref<10240x128xf32, #tpu.memory_space<vmem_shared>>
      tpu.enqueue_indirect_dma source(%dma_start3A_331 : memref<40x128xf32, #tpu.memory_space<vmem>>) target(%dma_start3A_335 : memref<10240x128xf32, #tpu.memory_space<vmem_shared>>) offsets(%dma_start3A_332 : memref<40xi32, #tpu.memory_space<vmem>>) semaphore(%arg20 : memref<!tpu.dma_semaphore, #tpu.memory_space<semaphore_mem>>) {add = true}
      %add3A_336 = arith.constant 0 : i32
      %add3A_337 = arith.addi %mul3A_215, %add3A_336 : i32
      %mul3A_338 = arith.constant 40 : i32
      %mul3A_339 = arith.muli %add3A_337, %mul3A_338 : i32
      %dma_wait3A_340 = arith.constant 0 : i32
      %dma_wait3A_341 = arith.constant 0 : i32
      %dma_wait3A_342 = arith.constant 0 : i32
      %dma_wait3A_343 = tpu.memref_slice %arg9[%dma_wait3A_340, %dma_wait3A_341, %dma_wait3A_342] : memref<5x40x128xf32, #tpu.memory_space<vmem>> -> memref<1x40x128xf32, #tpu.memory_space<vmem>>
      %dma_wait3A_344 = tpu.memref_squeeze %dma_wait3A_343 : memref<1x40x128xf32, #tpu.memory_space<vmem>> -> memref<40x128xf32, #tpu.memory_space<vmem>>
      %dma_wait3A_345 = tpu.memref_slice %arg8[%mul3A_339] : memref<10000xi32, #tpu.memory_space<vmem>> -> memref<40xi32, #tpu.memory_space<vmem>>
      %dma_wait3A_346 = arith.constant 0 : i32
      %dma_wait3A_347 = arith.constant 0 : i32
      %dma_wait3A_348 = tpu.memref_slice %arg10[%dma_wait3A_346, %dma_wait3A_347] : memref<10240x128xf32, #tpu.memory_space<vmem_shared>> -> memref<10240x128xf32, #tpu.memory_space<vmem_shared>>
      tpu.wait_indirect_dma semaphore(%arg16 : memref<!tpu.dma_semaphore, #tpu.memory_space<semaphore_mem>>) src(%dma_wait3A_344 : memref<40x128xf32, #tpu.memory_space<vmem>>) dst(%dma_wait3A_348 : memref<10240x128xf32, #tpu.memory_space<vmem_shared>>)
      %add3A_349 = arith.constant 5 : i32
      %add3A_350 = arith.addi %add3A_337, %add3A_349 : i32
      %mul3A_351 = arith.constant 40 : i32
      %mul3A_352 = arith.muli %add3A_350, %mul3A_351 : i32
      %dma_start3A_353 = arith.constant 0 : i32
      %dma_start3A_354 = arith.constant 0 : i32
      %dma_start3A_355 = arith.constant 0 : i32
      %dma_start3A_356 = tpu.memref_slice %arg9[%dma_start3A_353, %dma_start3A_354, %dma_start3A_355] : memref<5x40x128xf32, #tpu.memory_space<vmem>> -> memref<1x40x128xf32, #tpu.memory_space<vmem>>
      %dma_start3A_357 = tpu.memref_squeeze %dma_start3A_356 : memref<1x40x128xf32, #tpu.memory_space<vmem>> -> memref<40x128xf32, #tpu.memory_space<vmem>>
      %dma_start3A_358 = tpu.memref_slice %arg7[%mul3A_352] : memref<10000xi32, #tpu.memory_space<vmem>> -> memref<40xi32, #tpu.memory_space<vmem>>
      %dma_start3A_359 = arith.constant 0 : i32
      %dma_start3A_360 = arith.constant 0 : i32
      %dma_start3A_361 = tpu.memref_slice %arg2[%dma_start3A_359, %dma_start3A_360] : memref<10240x128xf32, #tpu.memory_space<hbm>> -> memref<10240x128xf32, #tpu.memory_space<hbm>>
      tpu.enqueue_indirect_dma source(%dma_start3A_361 : memref<10240x128xf32, #tpu.memory_space<hbm>>) target(%dma_start3A_357 : memref<40x128xf32, #tpu.memory_space<vmem>>) offsets(%dma_start3A_358 : memref<40xi32, #tpu.memory_space<vmem>>) semaphore(%arg11 : memref<!tpu.dma_semaphore, #tpu.memory_space<semaphore_mem>>)
      %add3A_362 = arith.constant 1 : i32
      %add3A_363 = arith.addi %mul3A_215, %add3A_362 : i32
      %mul3A_364 = arith.constant 40 : i32
      %mul3A_365 = arith.muli %add3A_363, %mul3A_364 : i32
      %dma_wait3A_366 = arith.constant 1 : i32
      %dma_wait3A_367 = arith.constant 0 : i32
      %dma_wait3A_368 = arith.constant 0 : i32
      %dma_wait3A_369 = tpu.memref_slice %arg9[%dma_wait3A_366, %dma_wait3A_367, %dma_wait3A_368] : memref<5x40x128xf32, #tpu.memory_space<vmem>> -> memref<1x40x128xf32, #tpu.memory_space<vmem>>
      %dma_wait3A_370 = tpu.memref_squeeze %dma_wait3A_369 : memref<1x40x128xf32, #tpu.memory_space<vmem>> -> memref<40x128xf32, #tpu.memory_space<vmem>>
      %dma_wait3A_371 = tpu.memref_slice %arg8[%mul3A_365] : memref<10000xi32, #tpu.memory_space<vmem>> -> memref<40xi32, #tpu.memory_space<vmem>>
      %dma_wait3A_372 = arith.constant 0 : i32
      %dma_wait3A_373 = arith.constant 0 : i32
      %dma_wait3A_374 = tpu.memref_slice %arg10[%dma_wait3A_372, %dma_wait3A_373] : memref<10240x128xf32, #tpu.memory_space<vmem_shared>> -> memref<10240x128xf32, #tpu.memory_space<vmem_shared>>
      tpu.wait_indirect_dma semaphore(%arg17 : memref<!tpu.dma_semaphore, #tpu.memory_space<semaphore_mem>>) src(%dma_wait3A_370 : memref<40x128xf32, #tpu.memory_space<vmem>>) dst(%dma_wait3A_374 : memref<10240x128xf32, #tpu.memory_space<vmem_shared>>)
      %add3A_375 = arith.constant 5 : i32
      %add3A_376 = arith.addi %add3A_363, %add3A_375 : i32
      %mul3A_377 = arith.constant 40 : i32
      %mul3A_378 = arith.muli %add3A_376, %mul3A_377 : i32
      %dma_start3A_379 = arith.constant 1 : i32
      %dma_start3A_380 = arith.constant 0 : i32
      %dma_start3A_381 = arith.constant 0 : i32
      %dma_start3A_382 = tpu.memref_slice %arg9[%dma_start3A_379, %dma_start3A_380, %dma_start3A_381] : memref<5x40x128xf32, #tpu.memory_space<vmem>> -> memref<1x40x128xf32, #tpu.memory_space<vmem>>
      %dma_start3A_383 = tpu.memref_squeeze %dma_start3A_382 : memref<1x40x128xf32, #tpu.memory_space<vmem>> -> memref<40x128xf32, #tpu.memory_space<vmem>>
      %dma_start3A_384 = tpu.memref_slice %arg7[%mul3A_378] : memref<10000xi32, #tpu.memory_space<vmem>> -> memref<40xi32, #tpu.memory_space<vmem>>
      %dma_start3A_385 = arith.constant 0 : i32
      %dma_start3A_386 = arith.constant 0 : i32
      %dma_start3A_387 = tpu.memref_slice %arg2[%dma_start3A_385, %dma_start3A_386] : memref<10240x128xf32, #tpu.memory_space<hbm>> -> memref<10240x128xf32, #tpu.memory_space<hbm>>
      tpu.enqueue_indirect_dma source(%dma_start3A_387 : memref<10240x128xf32, #tpu.memory_space<hbm>>) target(%dma_start3A_383 : memref<40x128xf32, #tpu.memory_space<vmem>>) offsets(%dma_start3A_384 : memref<40xi32, #tpu.memory_space<vmem>>) semaphore(%arg12 : memref<!tpu.dma_semaphore, #tpu.memory_space<semaphore_mem>>)
      %add3A_388 = arith.constant 2 : i32
      %add3A_389 = arith.addi %mul3A_215, %add3A_388 : i32
      %mul3A_390 = arith.constant 40 : i32
      %mul3A_391 = arith.muli %add3A_389, %mul3A_390 : i32
      %dma_wait3A_392 = arith.constant 2 : i32
      %dma_wait3A_393 = arith.constant 0 : i32
      %dma_wait3A_394 = arith.constant 0 : i32
      %dma_wait3A_395 = tpu.memref_slice %arg9[%dma_wait3A_392, %dma_wait3A_393, %dma_wait3A_394] : memref<5x40x128xf32, #tpu.memory_space<vmem>> -> memref<1x40x128xf32, #tpu.memory_space<vmem>>
      %dma_wait3A_396 = tpu.memref_squeeze %dma_wait3A_395 : memref<1x40x128xf32, #tpu.memory_space<vmem>> -> memref<40x128xf32, #tpu.memory_space<vmem>>
      %dma_wait3A_397 = tpu.memref_slice %arg8[%mul3A_391] : memref<10000xi32, #tpu.memory_space<vmem>> -> memref<40xi32, #tpu.memory_space<vmem>>
      %dma_wait3A_398 = arith.constant 0 : i32
      %dma_wait3A_399 = arith.constant 0 : i32
      %dma_wait3A_400 = tpu.memref_slice %arg10[%dma_wait3A_398, %dma_wait3A_399] : memref<10240x128xf32, #tpu.memory_space<vmem_shared>> -> memref<10240x128xf32, #tpu.memory_space<vmem_shared>>
      tpu.wait_indirect_dma semaphore(%arg18 : memref<!tpu.dma_semaphore, #tpu.memory_space<semaphore_mem>>) src(%dma_wait3A_396 : memref<40x128xf32, #tpu.memory_space<vmem>>) dst(%dma_wait3A_400 : memref<10240x128xf32, #tpu.memory_space<vmem_shared>>)
      %add3A_401 = arith.constant 5 : i32
      %add3A_402 = arith.addi %add3A_389, %add3A_401 : i32
      %mul3A_403 = arith.constant 40 : i32
      %mul3A_404 = arith.muli %add3A_402, %mul3A_403 : i32
      %dma_start3A_405 = arith.constant 2 : i32
      %dma_start3A_406 = arith.constant 0 : i32
      %dma_start3A_407 = arith.constant 0 : i32
      %dma_start3A_408 = tpu.memref_slice %arg9[%dma_start3A_405, %dma_start3A_406, %dma_start3A_407] : memref<5x40x128xf32, #tpu.memory_space<vmem>> -> memref<1x40x128xf32, #tpu.memory_space<vmem>>
      %dma_start3A_409 = tpu.memref_squeeze %dma_start3A_408 : memref<1x40x128xf32, #tpu.memory_space<vmem>> -> memref<40x128xf32, #tpu.memory_space<vmem>>
      %dma_start3A_410 = tpu.memref_slice %arg7[%mul3A_404] : memref<10000xi32, #tpu.memory_space<vmem>> -> memref<40xi32, #tpu.memory_space<vmem>>
      %dma_start3A_411 = arith.constant 0 : i32
      %dma_start3A_412 = arith.constant 0 : i32
      %dma_start3A_413 = tpu.memref_slice %arg2[%dma_start3A_411, %dma_start3A_412] : memref<10240x128xf32, #tpu.memory_space<hbm>> -> memref<10240x128xf32, #tpu.memory_space<hbm>>
      tpu.enqueue_indirect_dma source(%dma_start3A_413 : memref<10240x128xf32, #tpu.memory_space<hbm>>) target(%dma_start3A_409 : memref<40x128xf32, #tpu.memory_space<vmem>>) offsets(%dma_start3A_410 : memref<40xi32, #tpu.memory_space<vmem>>) semaphore(%arg13 : memref<!tpu.dma_semaphore, #tpu.memory_space<semaphore_mem>>)
      %add3A_414 = arith.constant 3 : i32
      %add3A_415 = arith.addi %mul3A_215, %add3A_414 : i32
      %mul3A_416 = arith.constant 40 : i32
      %mul3A_417 = arith.muli %add3A_415, %mul3A_416 : i32
      %dma_wait3A_418 = arith.constant 3 : i32
      %dma_wait3A_419 = arith.constant 0 : i32
      %dma_wait3A_420 = arith.constant 0 : i32
      %dma_wait3A_421 = tpu.memref_slice %arg9[%dma_wait3A_418, %dma_wait3A_419, %dma_wait3A_420] : memref<5x40x128xf32, #tpu.memory_space<vmem>> -> memref<1x40x128xf32, #tpu.memory_space<vmem>>
      %dma_wait3A_422 = tpu.memref_squeeze %dma_wait3A_421 : memref<1x40x128xf32, #tpu.memory_space<vmem>> -> memref<40x128xf32, #tpu.memory_space<vmem>>
      %dma_wait3A_423 = tpu.memref_slice %arg8[%mul3A_417] : memref<10000xi32, #tpu.memory_space<vmem>> -> memref<40xi32, #tpu.memory_space<vmem>>
      %dma_wait3A_424 = arith.constant 0 : i32
      %dma_wait3A_425 = arith.constant 0 : i32
      %dma_wait3A_426 = tpu.memref_slice %arg10[%dma_wait3A_424, %dma_wait3A_425] : memref<10240x128xf32, #tpu.memory_space<vmem_shared>> -> memref<10240x128xf32, #tpu.memory_space<vmem_shared>>
      tpu.wait_indirect_dma semaphore(%arg19 : memref<!tpu.dma_semaphore, #tpu.memory_space<semaphore_mem>>) src(%dma_wait3A_422 : memref<40x128xf32, #tpu.memory_space<vmem>>) dst(%dma_wait3A_426 : memref<10240x128xf32, #tpu.memory_space<vmem_shared>>)
      %add3A_427 = arith.constant 5 : i32
      %add3A_428 = arith.addi %add3A_415, %add3A_427 : i32
      %mul3A_429 = arith.constant 40 : i32
      %mul3A_430 = arith.muli %add3A_428, %mul3A_429 : i32
      %dma_start3A_431 = arith.constant 3 : i32
      %dma_start3A_432 = arith.constant 0 : i32
      %dma_start3A_433 = arith.constant 0 : i32
      %dma_start3A_434 = tpu.memref_slice %arg9[%dma_start3A_431, %dma_start3A_432, %dma_start3A_433] : memref<5x40x128xf32, #tpu.memory_space<vmem>> -> memref<1x40x128xf32, #tpu.memory_space<vmem>>
      %dma_start3A_435 = tpu.memref_squeeze %dma_start3A_434 : memref<1x40x128xf32, #tpu.memory_space<vmem>> -> memref<40x128xf32, #tpu.memory_space<vmem>>
      %dma_start3A_436 = tpu.memref_slice %arg7[%mul3A_430] : memref<10000xi32, #tpu.memory_space<vmem>> -> memref<40xi32, #tpu.memory_space<vmem>>
      %dma_start3A_437 = arith.constant 0 : i32
      %dma_start3A_438 = arith.constant 0 : i32
      %dma_start3A_439 = tpu.memref_slice %arg2[%dma_start3A_437, %dma_start3A_438] : memref<10240x128xf32, #tpu.memory_space<hbm>> -> memref<10240x128xf32, #tpu.memory_space<hbm>>
      tpu.enqueue_indirect_dma source(%dma_start3A_439 : memref<10240x128xf32, #tpu.memory_space<hbm>>) target(%dma_start3A_435 : memref<40x128xf32, #tpu.memory_space<vmem>>) offsets(%dma_start3A_436 : memref<40xi32, #tpu.memory_space<vmem>>) semaphore(%arg14 : memref<!tpu.dma_semaphore, #tpu.memory_space<semaphore_mem>>)
      %add3A_440 = arith.constant 4 : i32
      %add3A_441 = arith.addi %mul3A_215, %add3A_440 : i32
      %mul3A_442 = arith.constant 40 : i32
      %mul3A_443 = arith.muli %add3A_441, %mul3A_442 : i32
      %dma_wait3A_444 = arith.constant 4 : i32
      %dma_wait3A_445 = arith.constant 0 : i32
      %dma_wait3A_446 = arith.constant 0 : i32
      %dma_wait3A_447 = tpu.memref_slice %arg9[%dma_wait3A_444, %dma_wait3A_445, %dma_wait3A_446] : memref<5x40x128xf32, #tpu.memory_space<vmem>> -> memref<1x40x128xf32, #tpu.memory_space<vmem>>
      %dma_wait3A_448 = tpu.memref_squeeze %dma_wait3A_447 : memref<1x40x128xf32, #tpu.memory_space<vmem>> -> memref<40x128xf32, #tpu.memory_space<vmem>>
      %dma_wait3A_449 = tpu.memref_slice %arg8[%mul3A_443] : memref<10000xi32, #tpu.memory_space<vmem>> -> memref<40xi32, #tpu.memory_space<vmem>>
      %dma_wait3A_450 = arith.constant 0 : i32
      %dma_wait3A_451 = arith.constant 0 : i32
      %dma_wait3A_452 = tpu.memref_slice %arg10[%dma_wait3A_450, %dma_wait3A_451] : memref<10240x128xf32, #tpu.memory_space<vmem_shared>> -> memref<10240x128xf32, #tpu.memory_space<vmem_shared>>
      tpu.wait_indirect_dma semaphore(%arg20 : memref<!tpu.dma_semaphore, #tpu.memory_space<semaphore_mem>>) src(%dma_wait3A_448 : memref<40x128xf32, #tpu.memory_space<vmem>>) dst(%dma_wait3A_452 : memref<10240x128xf32, #tpu.memory_space<vmem_shared>>)
      %add3A_453 = arith.constant 5 : i32
      %add3A_454 = arith.addi %add3A_441, %add3A_453 : i32
      %mul3A_455 = arith.constant 40 : i32
      %mul3A_456 = arith.muli %add3A_454, %mul3A_455 : i32
      %dma_start3A_457 = arith.constant 4 : i32
      %dma_start3A_458 = arith.constant 0 : i32
      %dma_start3A_459 = arith.constant 0 : i32
      %dma_start3A_460 = tpu.memref_slice %arg9[%dma_start3A_457, %dma_start3A_458, %dma_start3A_459] : memref<5x40x128xf32, #tpu.memory_space<vmem>> -> memref<1x40x128xf32, #tpu.memory_space<vmem>>
      %dma_start3A_461 = tpu.memref_squeeze %dma_start3A_460 : memref<1x40x128xf32, #tpu.memory_space<vmem>> -> memref<40x128xf32, #tpu.memory_space<vmem>>
      %dma_start3A_462 = tpu.memref_slice %arg7[%mul3A_456] : memref<10000xi32, #tpu.memory_space<vmem>> -> memref<40xi32, #tpu.memory_space<vmem>>
      %dma_start3A_463 = arith.constant 0 : i32
      %dma_start3A_464 = arith.constant 0 : i32
      %dma_start3A_465 = tpu.memref_slice %arg2[%dma_start3A_463, %dma_start3A_464] : memref<10240x128xf32, #tpu.memory_space<hbm>> -> memref<10240x128xf32, #tpu.memory_space<hbm>>
      tpu.enqueue_indirect_dma source(%dma_start3A_465 : memref<10240x128xf32, #tpu.memory_space<hbm>>) target(%dma_start3A_461 : memref<40x128xf32, #tpu.memory_space<vmem>>) offsets(%dma_start3A_462 : memref<40xi32, #tpu.memory_space<vmem>>) semaphore(%arg15 : memref<!tpu.dma_semaphore, #tpu.memory_space<semaphore_mem>>)
    }
    %scan3A_58 = arith.constant 49 : i32
    %dma_wait3A = arith.constant 0 : i32
    %dma_wait3A_59 = arith.constant 0 : i32
    %dma_wait3A_60 = arith.constant 0 : i32
    %dma_wait3A_61 = tpu.memref_slice %arg9[%dma_wait3A, %dma_wait3A_59, %dma_wait3A_60] : memref<5x40x128xf32, #tpu.memory_space<vmem>> -> memref<1x40x128xf32, #tpu.memory_space<vmem>>
    %dma_wait3A_62 = tpu.memref_squeeze %dma_wait3A_61 : memref<1x40x128xf32, #tpu.memory_space<vmem>> -> memref<40x128xf32, #tpu.memory_space<vmem>>
    %dma_wait3A_63 = arith.constant 9800 : i32
    %dma_wait3A_64 = tpu.memref_slice %arg7[%dma_wait3A_63] : memref<10000xi32, #tpu.memory_space<vmem>> -> memref<40xi32, #tpu.memory_space<vmem>>
    %dma_wait3A_65 = arith.constant 0 : i32
    %dma_wait3A_66 = arith.constant 0 : i32
    %dma_wait3A_67 = tpu.memref_slice %arg2[%dma_wait3A_65, %dma_wait3A_66] : memref<10240x128xf32, #tpu.memory_space<hbm>> -> memref<10240x128xf32, #tpu.memory_space<hbm>>
    tpu.wait_indirect_dma semaphore(%arg11 : memref<!tpu.dma_semaphore, #tpu.memory_space<semaphore_mem>>) src(%dma_wait3A_67 : memref<10240x128xf32, #tpu.memory_space<hbm>>) dst(%dma_wait3A_62 : memref<40x128xf32, #tpu.memory_space<vmem>>)
    %dma_start3A_68 = arith.constant 0 : i32
    %dma_start3A_69 = arith.constant 0 : i32
    %dma_start3A_70 = arith.constant 0 : i32
    %dma_start3A_71 = tpu.memref_slice %arg9[%dma_start3A_68, %dma_start3A_69, %dma_start3A_70] : memref<5x40x128xf32, #tpu.memory_space<vmem>> -> memref<1x40x128xf32, #tpu.memory_space<vmem>>
    %dma_start3A_72 = tpu.memref_squeeze %dma_start3A_71 : memref<1x40x128xf32, #tpu.memory_space<vmem>> -> memref<40x128xf32, #tpu.memory_space<vmem>>
    %dma_start3A_73 = arith.constant 9800 : i32
    %dma_start3A_74 = tpu.memref_slice %arg8[%dma_start3A_73] : memref<10000xi32, #tpu.memory_space<vmem>> -> memref<40xi32, #tpu.memory_space<vmem>>
    %dma_start3A_75 = arith.constant 0 : i32
    %dma_start3A_76 = arith.constant 0 : i32
    %dma_start3A_77 = tpu.memref_slice %arg10[%dma_start3A_75, %dma_start3A_76] : memref<10240x128xf32, #tpu.memory_space<vmem_shared>> -> memref<10240x128xf32, #tpu.memory_space<vmem_shared>>
    tpu.enqueue_indirect_dma source(%dma_start3A_72 : memref<40x128xf32, #tpu.memory_space<vmem>>) target(%dma_start3A_77 : memref<10240x128xf32, #tpu.memory_space<vmem_shared>>) offsets(%dma_start3A_74 : memref<40xi32, #tpu.memory_space<vmem>>) semaphore(%arg16 : memref<!tpu.dma_semaphore, #tpu.memory_space<semaphore_mem>>) {add = true}
    %dma_wait3A_78 = arith.constant 1 : i32
    %dma_wait3A_79 = arith.constant 0 : i32
    %dma_wait3A_80 = arith.constant 0 : i32
    %dma_wait3A_81 = tpu.memref_slice %arg9[%dma_wait3A_78, %dma_wait3A_79, %dma_wait3A_80] : memref<5x40x128xf32, #tpu.memory_space<vmem>> -> memref<1x40x128xf32, #tpu.memory_space<vmem>>
    %dma_wait3A_82 = tpu.memref_squeeze %dma_wait3A_81 : memref<1x40x128xf32, #tpu.memory_space<vmem>> -> memref<40x128xf32, #tpu.memory_space<vmem>>
    %dma_wait3A_83 = arith.constant 9840 : i32
    %dma_wait3A_84 = tpu.memref_slice %arg7[%dma_wait3A_83] : memref<10000xi32, #tpu.memory_space<vmem>> -> memref<40xi32, #tpu.memory_space<vmem>>
    %dma_wait3A_85 = arith.constant 0 : i32
    %dma_wait3A_86 = arith.constant 0 : i32
    %dma_wait3A_87 = tpu.memref_slice %arg2[%dma_wait3A_85, %dma_wait3A_86] : memref<10240x128xf32, #tpu.memory_space<hbm>> -> memref<10240x128xf32, #tpu.memory_space<hbm>>
    tpu.wait_indirect_dma semaphore(%arg12 : memref<!tpu.dma_semaphore, #tpu.memory_space<semaphore_mem>>) src(%dma_wait3A_87 : memref<10240x128xf32, #tpu.memory_space<hbm>>) dst(%dma_wait3A_82 : memref<40x128xf32, #tpu.memory_space<vmem>>)
    %dma_start3A_88 = arith.constant 1 : i32
    %dma_start3A_89 = arith.constant 0 : i32
    %dma_start3A_90 = arith.constant 0 : i32
    %dma_start3A_91 = tpu.memref_slice %arg9[%dma_start3A_88, %dma_start3A_89, %dma_start3A_90] : memref<5x40x128xf32, #tpu.memory_space<vmem>> -> memref<1x40x128xf32, #tpu.memory_space<vmem>>
    %dma_start3A_92 = tpu.memref_squeeze %dma_start3A_91 : memref<1x40x128xf32, #tpu.memory_space<vmem>> -> memref<40x128xf32, #tpu.memory_space<vmem>>
    %dma_start3A_93 = arith.constant 9840 : i32
    %dma_start3A_94 = tpu.memref_slice %arg8[%dma_start3A_93] : memref<10000xi32, #tpu.memory_space<vmem>> -> memref<40xi32, #tpu.memory_space<vmem>>
    %dma_start3A_95 = arith.constant 0 : i32
    %dma_start3A_96 = arith.constant 0 : i32
    %dma_start3A_97 = tpu.memref_slice %arg10[%dma_start3A_95, %dma_start3A_96] : memref<10240x128xf32, #tpu.memory_space<vmem_shared>> -> memref<10240x128xf32, #tpu.memory_space<vmem_shared>>
    tpu.enqueue_indirect_dma source(%dma_start3A_92 : memref<40x128xf32, #tpu.memory_space<vmem>>) target(%dma_start3A_97 : memref<10240x128xf32, #tpu.memory_space<vmem_shared>>) offsets(%dma_start3A_94 : memref<40xi32, #tpu.memory_space<vmem>>) semaphore(%arg17 : memref<!tpu.dma_semaphore, #tpu.memory_space<semaphore_mem>>) {add = true}
    %dma_wait3A_98 = arith.constant 2 : i32
    %dma_wait3A_99 = arith.constant 0 : i32
    %dma_wait3A_100 = arith.constant 0 : i32
    %dma_wait3A_101 = tpu.memref_slice %arg9[%dma_wait3A_98, %dma_wait3A_99, %dma_wait3A_100] : memref<5x40x128xf32, #tpu.memory_space<vmem>> -> memref<1x40x128xf32, #tpu.memory_space<vmem>>
    %dma_wait3A_102 = tpu.memref_squeeze %dma_wait3A_101 : memref<1x40x128xf32, #tpu.memory_space<vmem>> -> memref<40x128xf32, #tpu.memory_space<vmem>>
    %dma_wait3A_103 = arith.constant 9880 : i32
    %dma_wait3A_104 = tpu.memref_slice %arg7[%dma_wait3A_103] : memref<10000xi32, #tpu.memory_space<vmem>> -> memref<40xi32, #tpu.memory_space<vmem>>
    %dma_wait3A_105 = arith.constant 0 : i32
    %dma_wait3A_106 = arith.constant 0 : i32
    %dma_wait3A_107 = tpu.memref_slice %arg2[%dma_wait3A_105, %dma_wait3A_106] : memref<10240x128xf32, #tpu.memory_space<hbm>> -> memref<10240x128xf32, #tpu.memory_space<hbm>>
    tpu.wait_indirect_dma semaphore(%arg13 : memref<!tpu.dma_semaphore, #tpu.memory_space<semaphore_mem>>) src(%dma_wait3A_107 : memref<10240x128xf32, #tpu.memory_space<hbm>>) dst(%dma_wait3A_102 : memref<40x128xf32, #tpu.memory_space<vmem>>)
    %dma_start3A_108 = arith.constant 2 : i32
    %dma_start3A_109 = arith.constant 0 : i32
    %dma_start3A_110 = arith.constant 0 : i32
    %dma_start3A_111 = tpu.memref_slice %arg9[%dma_start3A_108, %dma_start3A_109, %dma_start3A_110] : memref<5x40x128xf32, #tpu.memory_space<vmem>> -> memref<1x40x128xf32, #tpu.memory_space<vmem>>
    %dma_start3A_112 = tpu.memref_squeeze %dma_start3A_111 : memref<1x40x128xf32, #tpu.memory_space<vmem>> -> memref<40x128xf32, #tpu.memory_space<vmem>>
    %dma_start3A_113 = arith.constant 9880 : i32
    %dma_start3A_114 = tpu.memref_slice %arg8[%dma_start3A_113] : memref<10000xi32, #tpu.memory_space<vmem>> -> memref<40xi32, #tpu.memory_space<vmem>>
    %dma_start3A_115 = arith.constant 0 : i32
    %dma_start3A_116 = arith.constant 0 : i32
    %dma_start3A_117 = tpu.memref_slice %arg10[%dma_start3A_115, %dma_start3A_116] : memref<10240x128xf32, #tpu.memory_space<vmem_shared>> -> memref<10240x128xf32, #tpu.memory_space<vmem_shared>>
    tpu.enqueue_indirect_dma source(%dma_start3A_112 : memref<40x128xf32, #tpu.memory_space<vmem>>) target(%dma_start3A_117 : memref<10240x128xf32, #tpu.memory_space<vmem_shared>>) offsets(%dma_start3A_114 : memref<40xi32, #tpu.memory_space<vmem>>) semaphore(%arg18 : memref<!tpu.dma_semaphore, #tpu.memory_space<semaphore_mem>>) {add = true}
    %dma_wait3A_118 = arith.constant 3 : i32
    %dma_wait3A_119 = arith.constant 0 : i32
    %dma_wait3A_120 = arith.constant 0 : i32
    %dma_wait3A_121 = tpu.memref_slice %arg9[%dma_wait3A_118, %dma_wait3A_119, %dma_wait3A_120] : memref<5x40x128xf32, #tpu.memory_space<vmem>> -> memref<1x40x128xf32, #tpu.memory_space<vmem>>
    %dma_wait3A_122 = tpu.memref_squeeze %dma_wait3A_121 : memref<1x40x128xf32, #tpu.memory_space<vmem>> -> memref<40x128xf32, #tpu.memory_space<vmem>>
    %dma_wait3A_123 = arith.constant 9920 : i32
    %dma_wait3A_124 = tpu.memref_slice %arg7[%dma_wait3A_123] : memref<10000xi32, #tpu.memory_space<vmem>> -> memref<40xi32, #tpu.memory_space<vmem>>
    %dma_wait3A_125 = arith.constant 0 : i32
    %dma_wait3A_126 = arith.constant 0 : i32
    %dma_wait3A_127 = tpu.memref_slice %arg2[%dma_wait3A_125, %dma_wait3A_126] : memref<10240x128xf32, #tpu.memory_space<hbm>> -> memref<10240x128xf32, #tpu.memory_space<hbm>>
    tpu.wait_indirect_dma semaphore(%arg14 : memref<!tpu.dma_semaphore, #tpu.memory_space<semaphore_mem>>) src(%dma_wait3A_127 : memref<10240x128xf32, #tpu.memory_space<hbm>>) dst(%dma_wait3A_122 : memref<40x128xf32, #tpu.memory_space<vmem>>)
    %dma_start3A_128 = arith.constant 3 : i32
    %dma_start3A_129 = arith.constant 0 : i32
    %dma_start3A_130 = arith.constant 0 : i32
    %dma_start3A_131 = tpu.memref_slice %arg9[%dma_start3A_128, %dma_start3A_129, %dma_start3A_130] : memref<5x40x128xf32, #tpu.memory_space<vmem>> -> memref<1x40x128xf32, #tpu.memory_space<vmem>>
    %dma_start3A_132 = tpu.memref_squeeze %dma_start3A_131 : memref<1x40x128xf32, #tpu.memory_space<vmem>> -> memref<40x128xf32, #tpu.memory_space<vmem>>
    %dma_start3A_133 = arith.constant 9920 : i32
    %dma_start3A_134 = tpu.memref_slice %arg8[%dma_start3A_133] : memref<10000xi32, #tpu.memory_space<vmem>> -> memref<40xi32, #tpu.memory_space<vmem>>
    %dma_start3A_135 = arith.constant 0 : i32
    %dma_start3A_136 = arith.constant 0 : i32
    %dma_start3A_137 = tpu.memref_slice %arg10[%dma_start3A_135, %dma_start3A_136] : memref<10240x128xf32, #tpu.memory_space<vmem_shared>> -> memref<10240x128xf32, #tpu.memory_space<vmem_shared>>
    tpu.enqueue_indirect_dma source(%dma_start3A_132 : memref<40x128xf32, #tpu.memory_space<vmem>>) target(%dma_start3A_137 : memref<10240x128xf32, #tpu.memory_space<vmem_shared>>) offsets(%dma_start3A_134 : memref<40xi32, #tpu.memory_space<vmem>>) semaphore(%arg19 : memref<!tpu.dma_semaphore, #tpu.memory_space<semaphore_mem>>) {add = true}
    %dma_wait3A_138 = arith.constant 4 : i32
    %dma_wait3A_139 = arith.constant 0 : i32
    %dma_wait3A_140 = arith.constant 0 : i32
    %dma_wait3A_141 = tpu.memref_slice %arg9[%dma_wait3A_138, %dma_wait3A_139, %dma_wait3A_140] : memref<5x40x128xf32, #tpu.memory_space<vmem>> -> memref<1x40x128xf32, #tpu.memory_space<vmem>>
    %dma_wait3A_142 = tpu.memref_squeeze %dma_wait3A_141 : memref<1x40x128xf32, #tpu.memory_space<vmem>> -> memref<40x128xf32, #tpu.memory_space<vmem>>
    %dma_wait3A_143 = arith.constant 9960 : i32
    %dma_wait3A_144 = tpu.memref_slice %arg7[%dma_wait3A_143] : memref<10000xi32, #tpu.memory_space<vmem>> -> memref<40xi32, #tpu.memory_space<vmem>>
    %dma_wait3A_145 = arith.constant 0 : i32
    %dma_wait3A_146 = arith.constant 0 : i32
    %dma_wait3A_147 = tpu.memref_slice %arg2[%dma_wait3A_145, %dma_wait3A_146] : memref<10240x128xf32, #tpu.memory_space<hbm>> -> memref<10240x128xf32, #tpu.memory_space<hbm>>
    tpu.wait_indirect_dma semaphore(%arg15 : memref<!tpu.dma_semaphore, #tpu.memory_space<semaphore_mem>>) src(%dma_wait3A_147 : memref<10240x128xf32, #tpu.memory_space<hbm>>) dst(%dma_wait3A_142 : memref<40x128xf32, #tpu.memory_space<vmem>>)
    %dma_start3A_148 = arith.constant 4 : i32
    %dma_start3A_149 = arith.constant 0 : i32
    %dma_start3A_150 = arith.constant 0 : i32
    %dma_start3A_151 = tpu.memref_slice %arg9[%dma_start3A_148, %dma_start3A_149, %dma_start3A_150] : memref<5x40x128xf32, #tpu.memory_space<vmem>> -> memref<1x40x128xf32, #tpu.memory_space<vmem>>
    %dma_start3A_152 = tpu.memref_squeeze %dma_start3A_151 : memref<1x40x128xf32, #tpu.memory_space<vmem>> -> memref<40x128xf32, #tpu.memory_space<vmem>>
    %dma_start3A_153 = arith.constant 9960 : i32
    %dma_start3A_154 = tpu.memref_slice %arg8[%dma_start3A_153] : memref<10000xi32, #tpu.memory_space<vmem>> -> memref<40xi32, #tpu.memory_space<vmem>>
    %dma_start3A_155 = arith.constant 0 : i32
    %dma_start3A_156 = arith.constant 0 : i32
    %dma_start3A_157 = tpu.memref_slice %arg10[%dma_start3A_155, %dma_start3A_156] : memref<10240x128xf32, #tpu.memory_space<vmem_shared>> -> memref<10240x128xf32, #tpu.memory_space<vmem_shared>>
    tpu.enqueue_indirect_dma source(%dma_start3A_152 : memref<40x128xf32, #tpu.memory_space<vmem>>) target(%dma_start3A_157 : memref<10240x128xf32, #tpu.memory_space<vmem_shared>>) offsets(%dma_start3A_154 : memref<40xi32, #tpu.memory_space<vmem>>) semaphore(%arg20 : memref<!tpu.dma_semaphore, #tpu.memory_space<semaphore_mem>>) {add = true}
    %dma_wait3A_158 = arith.constant 0 : i32
    %dma_wait3A_159 = arith.constant 0 : i32
    %dma_wait3A_160 = arith.constant 0 : i32
    %dma_wait3A_161 = tpu.memref_slice %arg9[%dma_wait3A_158, %dma_wait3A_159, %dma_wait3A_160] : memref<5x40x128xf32, #tpu.memory_space<vmem>> -> memref<1x40x128xf32, #tpu.memory_space<vmem>>
    %dma_wait3A_162 = tpu.memref_squeeze %dma_wait3A_161 : memref<1x40x128xf32, #tpu.memory_space<vmem>> -> memref<40x128xf32, #tpu.memory_space<vmem>>
    %dma_wait3A_163 = arith.constant 9800 : i32
    %dma_wait3A_164 = tpu.memref_slice %arg8[%dma_wait3A_163] : memref<10000xi32, #tpu.memory_space<vmem>> -> memref<40xi32, #tpu.memory_space<vmem>>
    %dma_wait3A_165 = arith.constant 0 : i32
    %dma_wait3A_166 = arith.constant 0 : i32
    %dma_wait3A_167 = tpu.memref_slice %arg10[%dma_wait3A_165, %dma_wait3A_166] : memref<10240x128xf32, #tpu.memory_space<vmem_shared>> -> memref<10240x128xf32, #tpu.memory_space<vmem_shared>>
    tpu.wait_indirect_dma semaphore(%arg16 : memref<!tpu.dma_semaphore, #tpu.memory_space<semaphore_mem>>) src(%dma_wait3A_162 : memref<40x128xf32, #tpu.memory_space<vmem>>) dst(%dma_wait3A_167 : memref<10240x128xf32, #tpu.memory_space<vmem_shared>>)
    %dma_wait3A_168 = arith.constant 1 : i32
    %dma_wait3A_169 = arith.constant 0 : i32
    %dma_wait3A_170 = arith.constant 0 : i32
    %dma_wait3A_171 = tpu.memref_slice %arg9[%dma_wait3A_168, %dma_wait3A_169, %dma_wait3A_170] : memref<5x40x128xf32, #tpu.memory_space<vmem>> -> memref<1x40x128xf32, #tpu.memory_space<vmem>>
    %dma_wait3A_172 = tpu.memref_squeeze %dma_wait3A_171 : memref<1x40x128xf32, #tpu.memory_space<vmem>> -> memref<40x128xf32, #tpu.memory_space<vmem>>
    %dma_wait3A_173 = arith.constant 9840 : i32
    %dma_wait3A_174 = tpu.memref_slice %arg8[%dma_wait3A_173] : memref<10000xi32, #tpu.memory_space<vmem>> -> memref<40xi32, #tpu.memory_space<vmem>>
    %dma_wait3A_175 = arith.constant 0 : i32
    %dma_wait3A_176 = arith.constant 0 : i32
    %dma_wait3A_177 = tpu.memref_slice %arg10[%dma_wait3A_175, %dma_wait3A_176] : memref<10240x128xf32, #tpu.memory_space<vmem_shared>> -> memref<10240x128xf32, #tpu.memory_space<vmem_shared>>
    tpu.wait_indirect_dma semaphore(%arg17 : memref<!tpu.dma_semaphore, #tpu.memory_space<semaphore_mem>>) src(%dma_wait3A_172 : memref<40x128xf32, #tpu.memory_space<vmem>>) dst(%dma_wait3A_177 : memref<10240x128xf32, #tpu.memory_space<vmem_shared>>)
    %dma_wait3A_178 = arith.constant 2 : i32
    %dma_wait3A_179 = arith.constant 0 : i32
    %dma_wait3A_180 = arith.constant 0 : i32
    %dma_wait3A_181 = tpu.memref_slice %arg9[%dma_wait3A_178, %dma_wait3A_179, %dma_wait3A_180] : memref<5x40x128xf32, #tpu.memory_space<vmem>> -> memref<1x40x128xf32, #tpu.memory_space<vmem>>
    %dma_wait3A_182 = tpu.memref_squeeze %dma_wait3A_181 : memref<1x40x128xf32, #tpu.memory_space<vmem>> -> memref<40x128xf32, #tpu.memory_space<vmem>>
    %dma_wait3A_183 = arith.constant 9880 : i32
    %dma_wait3A_184 = tpu.memref_slice %arg8[%dma_wait3A_183] : memref<10000xi32, #tpu.memory_space<vmem>> -> memref<40xi32, #tpu.memory_space<vmem>>
    %dma_wait3A_185 = arith.constant 0 : i32
    %dma_wait3A_186 = arith.constant 0 : i32
    %dma_wait3A_187 = tpu.memref_slice %arg10[%dma_wait3A_185, %dma_wait3A_186] : memref<10240x128xf32, #tpu.memory_space<vmem_shared>> -> memref<10240x128xf32, #tpu.memory_space<vmem_shared>>
    tpu.wait_indirect_dma semaphore(%arg18 : memref<!tpu.dma_semaphore, #tpu.memory_space<semaphore_mem>>) src(%dma_wait3A_182 : memref<40x128xf32, #tpu.memory_space<vmem>>) dst(%dma_wait3A_187 : memref<10240x128xf32, #tpu.memory_space<vmem_shared>>)
    %dma_wait3A_188 = arith.constant 3 : i32
    %dma_wait3A_189 = arith.constant 0 : i32
    %dma_wait3A_190 = arith.constant 0 : i32
    %dma_wait3A_191 = tpu.memref_slice %arg9[%dma_wait3A_188, %dma_wait3A_189, %dma_wait3A_190] : memref<5x40x128xf32, #tpu.memory_space<vmem>> -> memref<1x40x128xf32, #tpu.memory_space<vmem>>
    %dma_wait3A_192 = tpu.memref_squeeze %dma_wait3A_191 : memref<1x40x128xf32, #tpu.memory_space<vmem>> -> memref<40x128xf32, #tpu.memory_space<vmem>>
    %dma_wait3A_193 = arith.constant 9920 : i32
    %dma_wait3A_194 = tpu.memref_slice %arg8[%dma_wait3A_193] : memref<10000xi32, #tpu.memory_space<vmem>> -> memref<40xi32, #tpu.memory_space<vmem>>
    %dma_wait3A_195 = arith.constant 0 : i32
    %dma_wait3A_196 = arith.constant 0 : i32
    %dma_wait3A_197 = tpu.memref_slice %arg10[%dma_wait3A_195, %dma_wait3A_196] : memref<10240x128xf32, #tpu.memory_space<vmem_shared>> -> memref<10240x128xf32, #tpu.memory_space<vmem_shared>>
    tpu.wait_indirect_dma semaphore(%arg19 : memref<!tpu.dma_semaphore, #tpu.memory_space<semaphore_mem>>) src(%dma_wait3A_192 : memref<40x128xf32, #tpu.memory_space<vmem>>) dst(%dma_wait3A_197 : memref<10240x128xf32, #tpu.memory_space<vmem_shared>>)
    %dma_wait3A_198 = arith.constant 4 : i32
    %dma_wait3A_199 = arith.constant 0 : i32
    %dma_wait3A_200 = arith.constant 0 : i32
    %dma_wait3A_201 = tpu.memref_slice %arg9[%dma_wait3A_198, %dma_wait3A_199, %dma_wait3A_200] : memref<5x40x128xf32, #tpu.memory_space<vmem>> -> memref<1x40x128xf32, #tpu.memory_space<vmem>>
    %dma_wait3A_202 = tpu.memref_squeeze %dma_wait3A_201 : memref<1x40x128xf32, #tpu.memory_space<vmem>> -> memref<40x128xf32, #tpu.memory_space<vmem>>
    %dma_wait3A_203 = arith.constant 9960 : i32
    %dma_wait3A_204 = tpu.memref_slice %arg8[%dma_wait3A_203] : memref<10000xi32, #tpu.memory_space<vmem>> -> memref<40xi32, #tpu.memory_space<vmem>>
    %dma_wait3A_205 = arith.constant 0 : i32
    %dma_wait3A_206 = arith.constant 0 : i32
    %dma_wait3A_207 = tpu.memref_slice %arg10[%dma_wait3A_205, %dma_wait3A_206] : memref<10240x128xf32, #tpu.memory_space<vmem_shared>> -> memref<10240x128xf32, #tpu.memory_space<vmem_shared>>
    tpu.wait_indirect_dma semaphore(%arg20 : memref<!tpu.dma_semaphore, #tpu.memory_space<semaphore_mem>>) src(%dma_wait3A_202 : memref<40x128xf32, #tpu.memory_space<vmem>>) dst(%dma_wait3A_207 : memref<10240x128xf32, #tpu.memory_space<vmem_shared>>)
    %barrier3A_208 = arith.constant 0 : index
    tpu.barrier barrier_id(%barrier3A_208)
    %mul3A_209 = arith.constant 640 : i32
    %mul3A_210 = arith.muli %arg1, %mul3A_209 : i32
    %mul3A_211 = arith.constant 640 : i32
    %mul3A_212 = arith.muli %arg1, %mul3A_211 : i32
    "tpu.region"() ({
      %run_scoped3A = tpu.sem_alloc : memref<!tpu.dma_semaphore, #tpu.memory_space<semaphore_mem>>
      %dma_start3A_213 = arith.constant 0 : i32
      %dma_start3A_214 = tpu.memref_slice %arg6[%arg0, %mul3A_212, %dma_start3A_213] : memref<2x10240x128xf32, #tpu.memory_space<hbm>> -> memref<1x640x128xf32, #tpu.memory_space<hbm>>
      %dma_start3A_215 = tpu.memref_squeeze %dma_start3A_214 : memref<1x640x128xf32, #tpu.memory_space<hbm>> -> memref<640x128xf32, #tpu.memory_space<hbm>>
      %dma_start3A_216 = arith.constant 0 : i32
      %dma_start3A_217 = tpu.memref_slice %arg10[%mul3A_210, %dma_start3A_216] : memref<10240x128xf32, #tpu.memory_space<vmem_shared>> -> memref<640x128xf32, #tpu.memory_space<vmem_shared>>
      tpu.enqueue_dma source(%dma_start3A_217 : memref<640x128xf32, #tpu.memory_space<vmem_shared>>) target(%dma_start3A_215 : memref<640x128xf32, #tpu.memory_space<hbm>>) target_semaphore(%run_scoped3A : memref<!tpu.dma_semaphore, #tpu.memory_space<semaphore_mem>>)
      %dma_wait3A_218 = arith.constant 0 : i32
      %dma_wait3A_219 = tpu.memref_slice %arg6[%arg0, %mul3A_212, %dma_wait3A_218] : memref<2x10240x128xf32, #tpu.memory_space<hbm>> -> memref<1x640x128xf32, #tpu.memory_space<hbm>>
      %dma_wait3A_220 = tpu.memref_squeeze %dma_wait3A_219 : memref<1x640x128xf32, #tpu.memory_space<hbm>> -> memref<640x128xf32, #tpu.memory_space<hbm>>
      %dma_wait3A_221 = arith.constant 0 : i32
      %dma_wait3A_222 = tpu.memref_slice %arg10[%mul3A_210, %dma_wait3A_221] : memref<10240x128xf32, #tpu.memory_space<vmem_shared>> -> memref<640x128xf32, #tpu.memory_space<vmem_shared>>
      tpu.wait_dma2 semaphore(%run_scoped3A : memref<!tpu.dma_semaphore, #tpu.memory_space<semaphore_mem>>) src(%dma_wait3A_222 : memref<640x128xf32, #tpu.memory_space<vmem_shared>>) dst(%dma_wait3A_220 : memref<640x128xf32, #tpu.memory_space<hbm>>)
      tpu.yield
    }) : () -> ()
    return
  }
}

#map = affine_map<(d0, d1) -> (0, 0)>
#map1 = affine_map<(d0, d1) -> (0, 0, 0)>
module attributes {stable_mosaic.version = 14 : i64} {
  func.func @_deg_kernel(%arg0: i32, %arg1: i32, %arg2: memref<32x10000xi32, #tpu.memory_space<hbm>>, %arg3: memref<40x128xf32, #tpu.memory_space<hbm>>, %arg4: memref<10240x128xf32, #tpu.memory_space<hbm>>, %arg5: memref<2x10240x128xf32, #tpu.memory_space<hbm>>, %arg6: memref<10000xi32, #tpu.memory_space<vmem>>, %arg7: memref<40x128xf32, #tpu.memory_space<vmem>>, %arg8: memref<10240x128xf32, #tpu.memory_space<vmem_shared>>, %arg9: memref<!tpu.dma_semaphore, #tpu.memory_space<semaphore_mem>>, %arg10: memref<!tpu.dma_semaphore, #tpu.memory_space<semaphore_mem>>, %arg11: memref<!tpu.dma_semaphore, #tpu.memory_space<semaphore_mem>>, %arg12: memref<!tpu.dma_semaphore, #tpu.memory_space<semaphore_mem>>, %arg13: memref<!tpu.dma_semaphore, #tpu.memory_space<semaphore_mem>>) attributes {dimension_semantics = [#tpu.dimension_semantics<core_parallel>, #tpu.dimension_semantics<subcore_parallel>], iteration_bounds = array<i64: 2, 16>, scalar_prefetch = 0 : i64, scratch_operands = 8 : i64, tpu.core_type = #tpu.core_type<sc_vector_subcore>, window_params = [{transform_indices = #map}, {transform_indices = #map}, {transform_indices = #map}, {transform_indices = #map1}]} {
    %mul3A = arith.constant 16 : i32
    %mul3A_0 = arith.muli %arg0, %mul3A : i32
    %add3A = arith.addi %mul3A_0, %arg1 : i32
    "tpu.region"() ({
      %run_scoped3A = tpu.sem_alloc : memref<!tpu.dma_semaphore, #tpu.memory_space<semaphore_mem>>
      %dma_start3A_63 = arith.constant 0 : i32
      %dma_start3A_64 = tpu.memref_slice %arg2[%add3A, %dma_start3A_63] : memref<32x10000xi32, #tpu.memory_space<hbm>> -> memref<1x10000xi32, #tpu.memory_space<hbm>>
      %dma_start3A_65 = tpu.memref_squeeze %dma_start3A_64 : memref<1x10000xi32, #tpu.memory_space<hbm>> -> memref<10000xi32, #tpu.memory_space<hbm>>
      %dma_start3A_66 = arith.constant 0 : i32
      %dma_start3A_67 = tpu.memref_slice %arg2[%add3A, %dma_start3A_66] : memref<32x10000xi32, #tpu.memory_space<hbm>> -> memref<1x10000xi32, #tpu.memory_space<hbm>>
      %dma_start3A_68 = tpu.memref_squeeze %dma_start3A_67 : memref<1x10000xi32, #tpu.memory_space<hbm>> -> memref<10000xi32, #tpu.memory_space<hbm>>
      tpu.enqueue_dma source(%dma_start3A_68 : memref<10000xi32, #tpu.memory_space<hbm>>) target(%arg6 : memref<10000xi32, #tpu.memory_space<vmem>>) target_semaphore(%run_scoped3A : memref<!tpu.dma_semaphore, #tpu.memory_space<semaphore_mem>>)
      %dma_wait3A_69 = arith.constant 0 : i32
      %dma_wait3A_70 = tpu.memref_slice %arg2[%add3A, %dma_wait3A_69] : memref<32x10000xi32, #tpu.memory_space<hbm>> -> memref<1x10000xi32, #tpu.memory_space<hbm>>
      %dma_wait3A_71 = tpu.memref_squeeze %dma_wait3A_70 : memref<1x10000xi32, #tpu.memory_space<hbm>> -> memref<10000xi32, #tpu.memory_space<hbm>>
      %dma_wait3A_72 = arith.constant 0 : i32
      %dma_wait3A_73 = tpu.memref_slice %arg2[%add3A, %dma_wait3A_72] : memref<32x10000xi32, #tpu.memory_space<hbm>> -> memref<1x10000xi32, #tpu.memory_space<hbm>>
      %dma_wait3A_74 = tpu.memref_squeeze %dma_wait3A_73 : memref<1x10000xi32, #tpu.memory_space<hbm>> -> memref<10000xi32, #tpu.memory_space<hbm>>
      tpu.wait_dma2 semaphore(%run_scoped3A : memref<!tpu.dma_semaphore, #tpu.memory_space<semaphore_mem>>) src(%dma_wait3A_74 : memref<10000xi32, #tpu.memory_space<hbm>>) dst(%arg6 : memref<10000xi32, #tpu.memory_space<vmem>>)
      tpu.yield
    }) : () -> ()
    "tpu.region"() ({
      %run_scoped3A = tpu.sem_alloc : memref<!tpu.dma_semaphore, #tpu.memory_space<semaphore_mem>>
      tpu.enqueue_dma source(%arg3 : memref<40x128xf32, #tpu.memory_space<hbm>>) target(%arg7 : memref<40x128xf32, #tpu.memory_space<vmem>>) target_semaphore(%run_scoped3A : memref<!tpu.dma_semaphore, #tpu.memory_space<semaphore_mem>>)
      tpu.wait_dma2 semaphore(%run_scoped3A : memref<!tpu.dma_semaphore, #tpu.memory_space<semaphore_mem>>) src(%arg3 : memref<40x128xf32, #tpu.memory_space<hbm>>) dst(%arg7 : memref<40x128xf32, #tpu.memory_space<vmem>>)
      tpu.yield
    }) : () -> ()
    %mul3A_1 = arith.constant 640 : i32
    %mul3A_2 = arith.muli %arg1, %mul3A_1 : i32
    %mul3A_3 = arith.constant 640 : i32
    %mul3A_4 = arith.muli %arg1, %mul3A_3 : i32
    "tpu.region"() ({
      %run_scoped3A = tpu.sem_alloc : memref<!tpu.dma_semaphore, #tpu.memory_space<semaphore_mem>>
      %dma_start3A_63 = arith.constant 0 : i32
      %dma_start3A_64 = tpu.memref_slice %arg8[%mul3A_4, %dma_start3A_63] : memref<10240x128xf32, #tpu.memory_space<vmem_shared>> -> memref<640x128xf32, #tpu.memory_space<vmem_shared>>
      %dma_start3A_65 = arith.constant 0 : i32
      %dma_start3A_66 = tpu.memref_slice %arg4[%mul3A_2, %dma_start3A_65] : memref<10240x128xf32, #tpu.memory_space<hbm>> -> memref<640x128xf32, #tpu.memory_space<hbm>>
      tpu.enqueue_dma source(%dma_start3A_66 : memref<640x128xf32, #tpu.memory_space<hbm>>) target(%dma_start3A_64 : memref<640x128xf32, #tpu.memory_space<vmem_shared>>) target_semaphore(%run_scoped3A : memref<!tpu.dma_semaphore, #tpu.memory_space<semaphore_mem>>)
      %dma_wait3A_67 = arith.constant 0 : i32
      %dma_wait3A_68 = tpu.memref_slice %arg8[%mul3A_4, %dma_wait3A_67] : memref<10240x128xf32, #tpu.memory_space<vmem_shared>> -> memref<640x128xf32, #tpu.memory_space<vmem_shared>>
      %dma_wait3A_69 = arith.constant 0 : i32
      %dma_wait3A_70 = tpu.memref_slice %arg4[%mul3A_2, %dma_wait3A_69] : memref<10240x128xf32, #tpu.memory_space<hbm>> -> memref<640x128xf32, #tpu.memory_space<hbm>>
      tpu.wait_dma2 semaphore(%run_scoped3A : memref<!tpu.dma_semaphore, #tpu.memory_space<semaphore_mem>>) src(%dma_wait3A_70 : memref<640x128xf32, #tpu.memory_space<hbm>>) dst(%dma_wait3A_68 : memref<640x128xf32, #tpu.memory_space<vmem_shared>>)
      tpu.yield
    }) : () -> ()
    %barrier3A = arith.constant 0 : index
    tpu.barrier barrier_id(%barrier3A)
    %dma_start3A = arith.constant 0 : i32
    %dma_start3A_5 = tpu.memref_slice %arg6[%dma_start3A] : memref<10000xi32, #tpu.memory_space<vmem>> -> memref<40xi32, #tpu.memory_space<vmem>>
    %dma_start3A_6 = arith.constant 0 : i32
    %dma_start3A_7 = arith.constant 0 : i32
    %dma_start3A_8 = tpu.memref_slice %arg8[%dma_start3A_6, %dma_start3A_7] : memref<10240x128xf32, #tpu.memory_space<vmem_shared>> -> memref<10240x128xf32, #tpu.memory_space<vmem_shared>>
    tpu.enqueue_indirect_dma source(%arg7 : memref<40x128xf32, #tpu.memory_space<vmem>>) target(%dma_start3A_8 : memref<10240x128xf32, #tpu.memory_space<vmem_shared>>) offsets(%dma_start3A_5 : memref<40xi32, #tpu.memory_space<vmem>>) semaphore(%arg9 : memref<!tpu.dma_semaphore, #tpu.memory_space<semaphore_mem>>) {add = true}
    %dma_start3A_9 = arith.constant 40 : i32
    %dma_start3A_10 = tpu.memref_slice %arg6[%dma_start3A_9] : memref<10000xi32, #tpu.memory_space<vmem>> -> memref<40xi32, #tpu.memory_space<vmem>>
    %dma_start3A_11 = arith.constant 0 : i32
    %dma_start3A_12 = arith.constant 0 : i32
    %dma_start3A_13 = tpu.memref_slice %arg8[%dma_start3A_11, %dma_start3A_12] : memref<10240x128xf32, #tpu.memory_space<vmem_shared>> -> memref<10240x128xf32, #tpu.memory_space<vmem_shared>>
    tpu.enqueue_indirect_dma source(%arg7 : memref<40x128xf32, #tpu.memory_space<vmem>>) target(%dma_start3A_13 : memref<10240x128xf32, #tpu.memory_space<vmem_shared>>) offsets(%dma_start3A_10 : memref<40xi32, #tpu.memory_space<vmem>>) semaphore(%arg10 : memref<!tpu.dma_semaphore, #tpu.memory_space<semaphore_mem>>) {add = true}
    %dma_start3A_14 = arith.constant 80 : i32
    %dma_start3A_15 = tpu.memref_slice %arg6[%dma_start3A_14] : memref<10000xi32, #tpu.memory_space<vmem>> -> memref<40xi32, #tpu.memory_space<vmem>>
    %dma_start3A_16 = arith.constant 0 : i32
    %dma_start3A_17 = arith.constant 0 : i32
    %dma_start3A_18 = tpu.memref_slice %arg8[%dma_start3A_16, %dma_start3A_17] : memref<10240x128xf32, #tpu.memory_space<vmem_shared>> -> memref<10240x128xf32, #tpu.memory_space<vmem_shared>>
    tpu.enqueue_indirect_dma source(%arg7 : memref<40x128xf32, #tpu.memory_space<vmem>>) target(%dma_start3A_18 : memref<10240x128xf32, #tpu.memory_space<vmem_shared>>) offsets(%dma_start3A_15 : memref<40xi32, #tpu.memory_space<vmem>>) semaphore(%arg11 : memref<!tpu.dma_semaphore, #tpu.memory_space<semaphore_mem>>) {add = true}
    %dma_start3A_19 = arith.constant 120 : i32
    %dma_start3A_20 = tpu.memref_slice %arg6[%dma_start3A_19] : memref<10000xi32, #tpu.memory_space<vmem>> -> memref<40xi32, #tpu.memory_space<vmem>>
    %dma_start3A_21 = arith.constant 0 : i32
    %dma_start3A_22 = arith.constant 0 : i32
    %dma_start3A_23 = tpu.memref_slice %arg8[%dma_start3A_21, %dma_start3A_22] : memref<10240x128xf32, #tpu.memory_space<vmem_shared>> -> memref<10240x128xf32, #tpu.memory_space<vmem_shared>>
    tpu.enqueue_indirect_dma source(%arg7 : memref<40x128xf32, #tpu.memory_space<vmem>>) target(%dma_start3A_23 : memref<10240x128xf32, #tpu.memory_space<vmem_shared>>) offsets(%dma_start3A_20 : memref<40xi32, #tpu.memory_space<vmem>>) semaphore(%arg12 : memref<!tpu.dma_semaphore, #tpu.memory_space<semaphore_mem>>) {add = true}
    %dma_start3A_24 = arith.constant 160 : i32
    %dma_start3A_25 = tpu.memref_slice %arg6[%dma_start3A_24] : memref<10000xi32, #tpu.memory_space<vmem>> -> memref<40xi32, #tpu.memory_space<vmem>>
    %dma_start3A_26 = arith.constant 0 : i32
    %dma_start3A_27 = arith.constant 0 : i32
    %dma_start3A_28 = tpu.memref_slice %arg8[%dma_start3A_26, %dma_start3A_27] : memref<10240x128xf32, #tpu.memory_space<vmem_shared>> -> memref<10240x128xf32, #tpu.memory_space<vmem_shared>>
    tpu.enqueue_indirect_dma source(%arg7 : memref<40x128xf32, #tpu.memory_space<vmem>>) target(%dma_start3A_28 : memref<10240x128xf32, #tpu.memory_space<vmem_shared>>) offsets(%dma_start3A_25 : memref<40xi32, #tpu.memory_space<vmem>>) semaphore(%arg13 : memref<!tpu.dma_semaphore, #tpu.memory_space<semaphore_mem>>) {add = true}
    %scan3A = arith.constant 0 : i32
    %scan3A_29 = arith.constant 0 : i32
    %scan3A_30 = arith.constant 49 : i32
    %scan3A_31 = arith.addi %scan3A_29, %scan3A_30 : i32
    %scan3A_32 = arith.constant 1 : i32
    scf.for %scan3A_63 = %scan3A_29 to %scan3A_31 step %scan3A_32  : i32 {
      %mul3A_64 = arith.constant 5 : i32
      %mul3A_65 = arith.muli %scan3A_63, %mul3A_64 : i32
      %add3A_66 = arith.constant 0 : i32
      %add3A_67 = arith.addi %mul3A_65, %add3A_66 : i32
      %mul3A_68 = arith.constant 40 : i32
      %mul3A_69 = arith.muli %add3A_67, %mul3A_68 : i32
      %dma_wait3A_70 = tpu.memref_slice %arg6[%mul3A_69] : memref<10000xi32, #tpu.memory_space<vmem>> -> memref<40xi32, #tpu.memory_space<vmem>>
      %dma_wait3A_71 = arith.constant 0 : i32
      %dma_wait3A_72 = arith.constant 0 : i32
      %dma_wait3A_73 = tpu.memref_slice %arg8[%dma_wait3A_71, %dma_wait3A_72] : memref<10240x128xf32, #tpu.memory_space<vmem_shared>> -> memref<10240x128xf32, #tpu.memory_space<vmem_shared>>
      tpu.wait_indirect_dma semaphore(%arg9 : memref<!tpu.dma_semaphore, #tpu.memory_space<semaphore_mem>>) src(%arg7 : memref<40x128xf32, #tpu.memory_space<vmem>>) dst(%dma_wait3A_73 : memref<10240x128xf32, #tpu.memory_space<vmem_shared>>)
      %add3A_74 = arith.constant 5 : i32
      %add3A_75 = arith.addi %add3A_67, %add3A_74 : i32
      %mul3A_76 = arith.constant 40 : i32
      %mul3A_77 = arith.muli %add3A_75, %mul3A_76 : i32
      %dma_start3A_78 = tpu.memref_slice %arg6[%mul3A_77] : memref<10000xi32, #tpu.memory_space<vmem>> -> memref<40xi32, #tpu.memory_space<vmem>>
      %dma_start3A_79 = arith.constant 0 : i32
      %dma_start3A_80 = arith.constant 0 : i32
      %dma_start3A_81 = tpu.memref_slice %arg8[%dma_start3A_79, %dma_start3A_80] : memref<10240x128xf32, #tpu.memory_space<vmem_shared>> -> memref<10240x128xf32, #tpu.memory_space<vmem_shared>>
      tpu.enqueue_indirect_dma source(%arg7 : memref<40x128xf32, #tpu.memory_space<vmem>>) target(%dma_start3A_81 : memref<10240x128xf32, #tpu.memory_space<vmem_shared>>) offsets(%dma_start3A_78 : memref<40xi32, #tpu.memory_space<vmem>>) semaphore(%arg9 : memref<!tpu.dma_semaphore, #tpu.memory_space<semaphore_mem>>) {add = true}
      %add3A_82 = arith.constant 1 : i32
      %add3A_83 = arith.addi %mul3A_65, %add3A_82 : i32
      %mul3A_84 = arith.constant 40 : i32
      %mul3A_85 = arith.muli %add3A_83, %mul3A_84 : i32
      %dma_wait3A_86 = tpu.memref_slice %arg6[%mul3A_85] : memref<10000xi32, #tpu.memory_space<vmem>> -> memref<40xi32, #tpu.memory_space<vmem>>
      %dma_wait3A_87 = arith.constant 0 : i32
      %dma_wait3A_88 = arith.constant 0 : i32
      %dma_wait3A_89 = tpu.memref_slice %arg8[%dma_wait3A_87, %dma_wait3A_88] : memref<10240x128xf32, #tpu.memory_space<vmem_shared>> -> memref<10240x128xf32, #tpu.memory_space<vmem_shared>>
      tpu.wait_indirect_dma semaphore(%arg10 : memref<!tpu.dma_semaphore, #tpu.memory_space<semaphore_mem>>) src(%arg7 : memref<40x128xf32, #tpu.memory_space<vmem>>) dst(%dma_wait3A_89 : memref<10240x128xf32, #tpu.memory_space<vmem_shared>>)
      %add3A_90 = arith.constant 5 : i32
      %add3A_91 = arith.addi %add3A_83, %add3A_90 : i32
      %mul3A_92 = arith.constant 40 : i32
      %mul3A_93 = arith.muli %add3A_91, %mul3A_92 : i32
      %dma_start3A_94 = tpu.memref_slice %arg6[%mul3A_93] : memref<10000xi32, #tpu.memory_space<vmem>> -> memref<40xi32, #tpu.memory_space<vmem>>
      %dma_start3A_95 = arith.constant 0 : i32
      %dma_start3A_96 = arith.constant 0 : i32
      %dma_start3A_97 = tpu.memref_slice %arg8[%dma_start3A_95, %dma_start3A_96] : memref<10240x128xf32, #tpu.memory_space<vmem_shared>> -> memref<10240x128xf32, #tpu.memory_space<vmem_shared>>
      tpu.enqueue_indirect_dma source(%arg7 : memref<40x128xf32, #tpu.memory_space<vmem>>) target(%dma_start3A_97 : memref<10240x128xf32, #tpu.memory_space<vmem_shared>>) offsets(%dma_start3A_94 : memref<40xi32, #tpu.memory_space<vmem>>) semaphore(%arg10 : memref<!tpu.dma_semaphore, #tpu.memory_space<semaphore_mem>>) {add = true}
      %add3A_98 = arith.constant 2 : i32
      %add3A_99 = arith.addi %mul3A_65, %add3A_98 : i32
      %mul3A_100 = arith.constant 40 : i32
      %mul3A_101 = arith.muli %add3A_99, %mul3A_100 : i32
      %dma_wait3A_102 = tpu.memref_slice %arg6[%mul3A_101] : memref<10000xi32, #tpu.memory_space<vmem>> -> memref<40xi32, #tpu.memory_space<vmem>>
      %dma_wait3A_103 = arith.constant 0 : i32
      %dma_wait3A_104 = arith.constant 0 : i32
      %dma_wait3A_105 = tpu.memref_slice %arg8[%dma_wait3A_103, %dma_wait3A_104] : memref<10240x128xf32, #tpu.memory_space<vmem_shared>> -> memref<10240x128xf32, #tpu.memory_space<vmem_shared>>
      tpu.wait_indirect_dma semaphore(%arg11 : memref<!tpu.dma_semaphore, #tpu.memory_space<semaphore_mem>>) src(%arg7 : memref<40x128xf32, #tpu.memory_space<vmem>>) dst(%dma_wait3A_105 : memref<10240x128xf32, #tpu.memory_space<vmem_shared>>)
      %add3A_106 = arith.constant 5 : i32
      %add3A_107 = arith.addi %add3A_99, %add3A_106 : i32
      %mul3A_108 = arith.constant 40 : i32
      %mul3A_109 = arith.muli %add3A_107, %mul3A_108 : i32
      %dma_start3A_110 = tpu.memref_slice %arg6[%mul3A_109] : memref<10000xi32, #tpu.memory_space<vmem>> -> memref<40xi32, #tpu.memory_space<vmem>>
      %dma_start3A_111 = arith.constant 0 : i32
      %dma_start3A_112 = arith.constant 0 : i32
      %dma_start3A_113 = tpu.memref_slice %arg8[%dma_start3A_111, %dma_start3A_112] : memref<10240x128xf32, #tpu.memory_space<vmem_shared>> -> memref<10240x128xf32, #tpu.memory_space<vmem_shared>>
      tpu.enqueue_indirect_dma source(%arg7 : memref<40x128xf32, #tpu.memory_space<vmem>>) target(%dma_start3A_113 : memref<10240x128xf32, #tpu.memory_space<vmem_shared>>) offsets(%dma_start3A_110 : memref<40xi32, #tpu.memory_space<vmem>>) semaphore(%arg11 : memref<!tpu.dma_semaphore, #tpu.memory_space<semaphore_mem>>) {add = true}
      %add3A_114 = arith.constant 3 : i32
      %add3A_115 = arith.addi %mul3A_65, %add3A_114 : i32
      %mul3A_116 = arith.constant 40 : i32
      %mul3A_117 = arith.muli %add3A_115, %mul3A_116 : i32
      %dma_wait3A_118 = tpu.memref_slice %arg6[%mul3A_117] : memref<10000xi32, #tpu.memory_space<vmem>> -> memref<40xi32, #tpu.memory_space<vmem>>
      %dma_wait3A_119 = arith.constant 0 : i32
      %dma_wait3A_120 = arith.constant 0 : i32
      %dma_wait3A_121 = tpu.memref_slice %arg8[%dma_wait3A_119, %dma_wait3A_120] : memref<10240x128xf32, #tpu.memory_space<vmem_shared>> -> memref<10240x128xf32, #tpu.memory_space<vmem_shared>>
      tpu.wait_indirect_dma semaphore(%arg12 : memref<!tpu.dma_semaphore, #tpu.memory_space<semaphore_mem>>) src(%arg7 : memref<40x128xf32, #tpu.memory_space<vmem>>) dst(%dma_wait3A_121 : memref<10240x128xf32, #tpu.memory_space<vmem_shared>>)
      %add3A_122 = arith.constant 5 : i32
      %add3A_123 = arith.addi %add3A_115, %add3A_122 : i32
      %mul3A_124 = arith.constant 40 : i32
      %mul3A_125 = arith.muli %add3A_123, %mul3A_124 : i32
      %dma_start3A_126 = tpu.memref_slice %arg6[%mul3A_125] : memref<10000xi32, #tpu.memory_space<vmem>> -> memref<40xi32, #tpu.memory_space<vmem>>
      %dma_start3A_127 = arith.constant 0 : i32
      %dma_start3A_128 = arith.constant 0 : i32
      %dma_start3A_129 = tpu.memref_slice %arg8[%dma_start3A_127, %dma_start3A_128] : memref<10240x128xf32, #tpu.memory_space<vmem_shared>> -> memref<10240x128xf32, #tpu.memory_space<vmem_shared>>
      tpu.enqueue_indirect_dma source(%arg7 : memref<40x128xf32, #tpu.memory_space<vmem>>) target(%dma_start3A_129 : memref<10240x128xf32, #tpu.memory_space<vmem_shared>>) offsets(%dma_start3A_126 : memref<40xi32, #tpu.memory_space<vmem>>) semaphore(%arg12 : memref<!tpu.dma_semaphore, #tpu.memory_space<semaphore_mem>>) {add = true}
      %add3A_130 = arith.constant 4 : i32
      %add3A_131 = arith.addi %mul3A_65, %add3A_130 : i32
      %mul3A_132 = arith.constant 40 : i32
      %mul3A_133 = arith.muli %add3A_131, %mul3A_132 : i32
      %dma_wait3A_134 = tpu.memref_slice %arg6[%mul3A_133] : memref<10000xi32, #tpu.memory_space<vmem>> -> memref<40xi32, #tpu.memory_space<vmem>>
      %dma_wait3A_135 = arith.constant 0 : i32
      %dma_wait3A_136 = arith.constant 0 : i32
      %dma_wait3A_137 = tpu.memref_slice %arg8[%dma_wait3A_135, %dma_wait3A_136] : memref<10240x128xf32, #tpu.memory_space<vmem_shared>> -> memref<10240x128xf32, #tpu.memory_space<vmem_shared>>
      tpu.wait_indirect_dma semaphore(%arg13 : memref<!tpu.dma_semaphore, #tpu.memory_space<semaphore_mem>>) src(%arg7 : memref<40x128xf32, #tpu.memory_space<vmem>>) dst(%dma_wait3A_137 : memref<10240x128xf32, #tpu.memory_space<vmem_shared>>)
      %add3A_138 = arith.constant 5 : i32
      %add3A_139 = arith.addi %add3A_131, %add3A_138 : i32
      %mul3A_140 = arith.constant 40 : i32
      %mul3A_141 = arith.muli %add3A_139, %mul3A_140 : i32
      %dma_start3A_142 = tpu.memref_slice %arg6[%mul3A_141] : memref<10000xi32, #tpu.memory_space<vmem>> -> memref<40xi32, #tpu.memory_space<vmem>>
      %dma_start3A_143 = arith.constant 0 : i32
      %dma_start3A_144 = arith.constant 0 : i32
      %dma_start3A_145 = tpu.memref_slice %arg8[%dma_start3A_143, %dma_start3A_144] : memref<10240x128xf32, #tpu.memory_space<vmem_shared>> -> memref<10240x128xf32, #tpu.memory_space<vmem_shared>>
      tpu.enqueue_indirect_dma source(%arg7 : memref<40x128xf32, #tpu.memory_space<vmem>>) target(%dma_start3A_145 : memref<10240x128xf32, #tpu.memory_space<vmem_shared>>) offsets(%dma_start3A_142 : memref<40xi32, #tpu.memory_space<vmem>>) semaphore(%arg13 : memref<!tpu.dma_semaphore, #tpu.memory_space<semaphore_mem>>) {add = true}
    }
    %scan3A_33 = arith.constant 49 : i32
    %dma_wait3A = arith.constant 9800 : i32
    %dma_wait3A_34 = tpu.memref_slice %arg6[%dma_wait3A] : memref<10000xi32, #tpu.memory_space<vmem>> -> memref<40xi32, #tpu.memory_space<vmem>>
    %dma_wait3A_35 = arith.constant 0 : i32
    %dma_wait3A_36 = arith.constant 0 : i32
    %dma_wait3A_37 = tpu.memref_slice %arg8[%dma_wait3A_35, %dma_wait3A_36] : memref<10240x128xf32, #tpu.memory_space<vmem_shared>> -> memref<10240x128xf32, #tpu.memory_space<vmem_shared>>
    tpu.wait_indirect_dma semaphore(%arg9 : memref<!tpu.dma_semaphore, #tpu.memory_space<semaphore_mem>>) src(%arg7 : memref<40x128xf32, #tpu.memory_space<vmem>>) dst(%dma_wait3A_37 : memref<10240x128xf32, #tpu.memory_space<vmem_shared>>)
    %dma_wait3A_38 = arith.constant 9840 : i32
    %dma_wait3A_39 = tpu.memref_slice %arg6[%dma_wait3A_38] : memref<10000xi32, #tpu.memory_space<vmem>> -> memref<40xi32, #tpu.memory_space<vmem>>
    %dma_wait3A_40 = arith.constant 0 : i32
    %dma_wait3A_41 = arith.constant 0 : i32
    %dma_wait3A_42 = tpu.memref_slice %arg8[%dma_wait3A_40, %dma_wait3A_41] : memref<10240x128xf32, #tpu.memory_space<vmem_shared>> -> memref<10240x128xf32, #tpu.memory_space<vmem_shared>>
    tpu.wait_indirect_dma semaphore(%arg10 : memref<!tpu.dma_semaphore, #tpu.memory_space<semaphore_mem>>) src(%arg7 : memref<40x128xf32, #tpu.memory_space<vmem>>) dst(%dma_wait3A_42 : memref<10240x128xf32, #tpu.memory_space<vmem_shared>>)
    %dma_wait3A_43 = arith.constant 9880 : i32
    %dma_wait3A_44 = tpu.memref_slice %arg6[%dma_wait3A_43] : memref<10000xi32, #tpu.memory_space<vmem>> -> memref<40xi32, #tpu.memory_space<vmem>>
    %dma_wait3A_45 = arith.constant 0 : i32
    %dma_wait3A_46 = arith.constant 0 : i32
    %dma_wait3A_47 = tpu.memref_slice %arg8[%dma_wait3A_45, %dma_wait3A_46] : memref<10240x128xf32, #tpu.memory_space<vmem_shared>> -> memref<10240x128xf32, #tpu.memory_space<vmem_shared>>
    tpu.wait_indirect_dma semaphore(%arg11 : memref<!tpu.dma_semaphore, #tpu.memory_space<semaphore_mem>>) src(%arg7 : memref<40x128xf32, #tpu.memory_space<vmem>>) dst(%dma_wait3A_47 : memref<10240x128xf32, #tpu.memory_space<vmem_shared>>)
    %dma_wait3A_48 = arith.constant 9920 : i32
    %dma_wait3A_49 = tpu.memref_slice %arg6[%dma_wait3A_48] : memref<10000xi32, #tpu.memory_space<vmem>> -> memref<40xi32, #tpu.memory_space<vmem>>
    %dma_wait3A_50 = arith.constant 0 : i32
    %dma_wait3A_51 = arith.constant 0 : i32
    %dma_wait3A_52 = tpu.memref_slice %arg8[%dma_wait3A_50, %dma_wait3A_51] : memref<10240x128xf32, #tpu.memory_space<vmem_shared>> -> memref<10240x128xf32, #tpu.memory_space<vmem_shared>>
    tpu.wait_indirect_dma semaphore(%arg12 : memref<!tpu.dma_semaphore, #tpu.memory_space<semaphore_mem>>) src(%arg7 : memref<40x128xf32, #tpu.memory_space<vmem>>) dst(%dma_wait3A_52 : memref<10240x128xf32, #tpu.memory_space<vmem_shared>>)
    %dma_wait3A_53 = arith.constant 9960 : i32
    %dma_wait3A_54 = tpu.memref_slice %arg6[%dma_wait3A_53] : memref<10000xi32, #tpu.memory_space<vmem>> -> memref<40xi32, #tpu.memory_space<vmem>>
    %dma_wait3A_55 = arith.constant 0 : i32
    %dma_wait3A_56 = arith.constant 0 : i32
    %dma_wait3A_57 = tpu.memref_slice %arg8[%dma_wait3A_55, %dma_wait3A_56] : memref<10240x128xf32, #tpu.memory_space<vmem_shared>> -> memref<10240x128xf32, #tpu.memory_space<vmem_shared>>
    tpu.wait_indirect_dma semaphore(%arg13 : memref<!tpu.dma_semaphore, #tpu.memory_space<semaphore_mem>>) src(%arg7 : memref<40x128xf32, #tpu.memory_space<vmem>>) dst(%dma_wait3A_57 : memref<10240x128xf32, #tpu.memory_space<vmem_shared>>)
    %barrier3A_58 = arith.constant 0 : index
    tpu.barrier barrier_id(%barrier3A_58)
    %mul3A_59 = arith.constant 640 : i32
    %mul3A_60 = arith.muli %arg1, %mul3A_59 : i32
    %mul3A_61 = arith.constant 640 : i32
    %mul3A_62 = arith.muli %arg1, %mul3A_61 : i32
    "tpu.region"() ({
      %run_scoped3A = tpu.sem_alloc : memref<!tpu.dma_semaphore, #tpu.memory_space<semaphore_mem>>
      %dma_start3A_63 = arith.constant 0 : i32
      %dma_start3A_64 = tpu.memref_slice %arg5[%arg0, %mul3A_62, %dma_start3A_63] : memref<2x10240x128xf32, #tpu.memory_space<hbm>> -> memref<1x640x128xf32, #tpu.memory_space<hbm>>
      %dma_start3A_65 = tpu.memref_squeeze %dma_start3A_64 : memref<1x640x128xf32, #tpu.memory_space<hbm>> -> memref<640x128xf32, #tpu.memory_space<hbm>>
      %dma_start3A_66 = arith.constant 0 : i32
      %dma_start3A_67 = tpu.memref_slice %arg8[%mul3A_60, %dma_start3A_66] : memref<10240x128xf32, #tpu.memory_space<vmem_shared>> -> memref<640x128xf32, #tpu.memory_space<vmem_shared>>
      tpu.enqueue_dma source(%dma_start3A_67 : memref<640x128xf32, #tpu.memory_space<vmem_shared>>) target(%dma_start3A_65 : memref<640x128xf32, #tpu.memory_space<hbm>>) target_semaphore(%run_scoped3A : memref<!tpu.dma_semaphore, #tpu.memory_space<semaphore_mem>>)
      %dma_wait3A_68 = arith.constant 0 : i32
      %dma_wait3A_69 = tpu.memref_slice %arg5[%arg0, %mul3A_62, %dma_wait3A_68] : memref<2x10240x128xf32, #tpu.memory_space<hbm>> -> memref<1x640x128xf32, #tpu.memory_space<hbm>>
      %dma_wait3A_70 = tpu.memref_squeeze %dma_wait3A_69 : memref<1x640x128xf32, #tpu.memory_space<hbm>> -> memref<640x128xf32, #tpu.memory_space<hbm>>
      %dma_wait3A_71 = arith.constant 0 : i32
      %dma_wait3A_72 = tpu.memref_slice %arg8[%mul3A_60, %dma_wait3A_71] : memref<10240x128xf32, #tpu.memory_space<vmem_shared>> -> memref<640x128xf32, #tpu.memory_space<vmem_shared>>
      tpu.wait_dma2 semaphore(%run_scoped3A : memref<!tpu.dma_semaphore, #tpu.memory_space<semaphore_mem>>) src(%dma_wait3A_72 : memref<640x128xf32, #tpu.memory_space<vmem_shared>>) dst(%dma_wait3A_70 : memref<640x128xf32, #tpu.memory_space<hbm>>)
      tpu.yield
    }) : () -> ()
    return
  }
}

module attributes {stable_mosaic.version = 14 : i64} {
  func.func @_prep_body(%arg0: memref<10240x128xf32, #tpu.memory_space<vmem>>, %arg1: memref<10240x128xf32, #tpu.memory_space<vmem>>, %arg2: memref<10240x128xf32, #tpu.memory_space<vmem>>, %arg3: memref<10240x128xf32, #tpu.memory_space<vmem>>, %arg4: memref<10240x1xf32, #tpu.memory_space<vmem>>) attributes {dimension_semantics = [], scalar_prefetch = 0 : i64, scratch_operands = 0 : i64, tpu.core_type = #tpu.core_type<tc>} {
    %get3A = arith.constant 0 : index
    %get3A_0 = arith.constant 0 : index
    %get3A_1 = vector.load %arg0[%get3A, %get3A_0] : memref<10240x128xf32, #tpu.memory_space<vmem>>, vector<10240x1xf32>
    %get3A_2 = arith.constant 0 : index
    %get3A_3 = arith.constant 0 : index
    %get3A_4 = vector.load %arg1[%get3A_2, %get3A_3] : memref<10240x128xf32, #tpu.memory_space<vmem>>, vector<10240x1xf32>
    %add3A = arith.addf %get3A_1, %get3A_4 : vector<10240x1xf32>
    %max3A = arith.constant 1.000000e+00 : f32
    %max3A_5 = vector.broadcast %max3A : f32 to vector<10240x1xf32>
    %max3A_6 = arith.maximumf %add3A, %max3A_5 : vector<10240x1xf32>
    %rsqrt3A = math.rsqrt %max3A_6 : vector<10240x1xf32>
    %swap3A = arith.constant 0 : index
    %swap3A_7 = arith.constant 0 : index
    %swap3A_8 = vector.load %arg4[%swap3A, %swap3A_7] : memref<10240x1xf32, #tpu.memory_space<vmem>>, vector<10240x1xf32>
    tpu.vector_store %arg4[%swap3A, %swap3A_7], %rsqrt3A {strides = array<i32>} : memref<10240x1xf32, #tpu.memory_space<vmem>>, vector<10240x1xf32>,
    %get3A_9 = arith.constant 0 : index
    %get3A_10 = arith.constant 0 : index
    %get3A_11 = vector.load %arg2[%get3A_9, %get3A_10] : memref<10240x128xf32, #tpu.memory_space<vmem>>, vector<10240x128xf32>
    %mul3A = vector.broadcast %rsqrt3A : vector<10240x1xf32> to vector<10240x128xf32>
    %mul3A_12 = arith.mulf %get3A_11, %mul3A : vector<10240x128xf32>
    %swap3A_13 = arith.constant 0 : index
    %swap3A_14 = arith.constant 0 : index
    %swap3A_15 = vector.load %arg3[%swap3A_13, %swap3A_14] : memref<10240x128xf32, #tpu.memory_space<vmem>>, vector<10240x128xf32>
    tpu.vector_store %arg3[%swap3A_13, %swap3A_14], %mul3A_12 {strides = array<i32>} : memref<10240x128xf32, #tpu.memory_space<vmem>>, vector<10240x128xf32>,
    return
  }
}

module attributes {stable_mosaic.version = 14 : i64} {
  func.func @_evolve_body(%arg0: memref<1xi32, #tpu.memory_space<smem>>, %arg1: memref<128x128xf32, #tpu.memory_space<vmem>>, %arg2: memref<128x127xf32, #tpu.memory_space<vmem>>, %arg3: memref<128x384xf32, #tpu.memory_space<vmem>>, %arg4: memref<128x384xf32, #tpu.memory_space<vmem>>, %arg5: memref<1x384xf32, #tpu.memory_space<vmem>>, %arg6: memref<1x384xf32, #tpu.memory_space<vmem>>, %arg7: memref<127x381xf32, #tpu.memory_space<vmem>>, %arg8: memref<127x381xf32, #tpu.memory_space<vmem>>, %arg9: memref<1x381xf32, #tpu.memory_space<vmem>>, %arg10: memref<1x381xf32, #tpu.memory_space<vmem>>, %arg11: memref<127x64xf32, #tpu.memory_space<vmem>>, %arg12: memref<128x128xf32, #tpu.memory_space<vmem>>, %arg13: memref<128x64xf32, #tpu.memory_space<vmem>>) attributes {dimension_semantics = [], scalar_prefetch = 0 : i64, scratch_operands = 0 : i64, tpu.core_type = #tpu.core_type<tc>} {
    %get3A = arith.constant 0 : index
    %get3A_0 = memref.load %arg0[%get3A] : memref<1xi32, #tpu.memory_space<smem>>
    %get3A_1 = arith.constant 0 : index
    %get3A_2 = arith.constant 0 : index
    %get3A_3 = vector.load %arg1[%get3A_1, %get3A_2] : memref<128x128xf32, #tpu.memory_space<vmem>>, vector<128x128xf32>
    %get3A_4 = arith.constant 0 : index
    %get3A_5 = arith.constant 0 : index
    %get3A_6 = vector.load %arg2[%get3A_4, %get3A_5] : memref<128x127xf32, #tpu.memory_space<vmem>>, vector<128x127xf32>
    %while3A = arith.constant 0 : i32
    %while3A_7 = arith.subi %get3A_0, %while3A : i32
    %while3A_8 = arith.addi %while3A, %while3A_7 : i32
    %while3A_9 = arith.constant 1 : i32
    %while3A_10 = arith.divsi %while3A_7, %while3A_9 : i32
    %while3A_11 = arith.muli %while3A_10, %while3A_9 : i32
    %while3A_12 = arith.addi %while3A, %while3A_11 : i32
    %while3A_13 = arith.constant 1 : i32
    %while3A_14:2 = scf.for %while3A_26 = %while3A to %while3A_12 step %while3A_13 iter_args(%while3A_27 = %get3A_3, %while3A_28 = %get3A_6) -> (vector<128x128xf32>, vector<128x127xf32>)  : i32 {
      %get3A_29 = arith.constant 0 : index
      %get3A_30 = arith.constant 0 : index
      %get3A_31 = vector.load %arg3[%get3A_29, %get3A_30] : memref<128x384xf32, #tpu.memory_space<vmem>>, vector<128x384xf32>
      %get3A_32 = arith.constant 0 : index
      %get3A_33 = arith.constant 0 : index
      %get3A_34 = vector.load %arg4[%get3A_32, %get3A_33] : memref<128x384xf32, #tpu.memory_space<vmem>>, vector<128x384xf32>
      %get3A_35 = arith.constant 0 : index
      %get3A_36 = arith.constant 0 : index
      %get3A_37 = vector.load %arg5[%get3A_35, %get3A_36] : memref<1x384xf32, #tpu.memory_space<vmem>>, vector<1x384xf32>
      %get3A_38 = arith.constant 0 : index
      %get3A_39 = arith.constant 0 : index
      %get3A_40 = vector.load %arg6[%get3A_38, %get3A_39] : memref<1x384xf32, #tpu.memory_space<vmem>>, vector<1x384xf32>
      %dot_general3A_41 = arith.constant dense<0.000000e+00> : vector<128x384xf32>
      %dot_general3A_42 = tpu.matmul %while3A_27, %get3A_31, %dot_general3A_41 {dimension_numbers = #tpu.dot_dimension_numbers<[1], [0], [0], [1], [0, 0, 1, 1], [], []>, transpose_lhs_hint = false} : vector<128x128xf32>, vector<128x384xf32>, vector<128x384xf32> -> vector<128x384xf32>
      %add3A = vector.broadcast %get3A_37 : vector<1x384xf32> to vector<128x384xf32>
      %add3A_43 = arith.addf %dot_general3A_42, %add3A : vector<128x384xf32>
      %dot_general3A_44 = arith.constant dense<0.000000e+00> : vector<128x384xf32>
      %dot_general3A_45 = tpu.matmul %while3A_27, %get3A_34, %dot_general3A_44 {dimension_numbers = #tpu.dot_dimension_numbers<[1], [0], [0], [1], [0, 0, 1, 1], [], []>, transpose_lhs_hint = false} : vector<128x128xf32>, vector<128x384xf32>, vector<128x384xf32> -> vector<128x384xf32>
      %add3A_46 = vector.broadcast %get3A_40 : vector<1x384xf32> to vector<128x384xf32>
      %add3A_47 = arith.addf %dot_general3A_45, %add3A_46 : vector<128x384xf32>
      %slice3A = vector.extract_strided_slice %add3A_43 {offsets = [0, 0], sizes = [128, 128], strides = [1, 1]} : vector<128x384xf32> to vector<128x128xf32>
      %slice3A_48 = vector.extract_strided_slice %add3A_43 {offsets = [0, 128], sizes = [128, 128], strides = [1, 1]} : vector<128x384xf32> to vector<128x128xf32>
      %slice3A_49 = vector.extract_strided_slice %add3A_43 {offsets = [0, 256], sizes = [128, 128], strides = [1, 1]} : vector<128x384xf32> to vector<128x128xf32>
      %slice3A_50 = vector.extract_strided_slice %add3A_47 {offsets = [0, 0], sizes = [128, 128], strides = [1, 1]} : vector<128x384xf32> to vector<128x128xf32>
      %slice3A_51 = vector.extract_strided_slice %add3A_47 {offsets = [0, 128], sizes = [128, 128], strides = [1, 1]} : vector<128x384xf32> to vector<128x128xf32>
      %slice3A_52 = vector.extract_strided_slice %add3A_47 {offsets = [0, 256], sizes = [128, 128], strides = [1, 1]} : vector<128x384xf32> to vector<128x128xf32>
      %add3A_53 = arith.addf %slice3A, %slice3A_50 : vector<128x128xf32>
      %logistic3A = arith.negf %add3A_53 : vector<128x128xf32>
      %logistic3A_54 = math.exp %logistic3A : vector<128x128xf32>
      %logistic3A_55 = arith.constant 1.000000e+00 : f32
      %logistic3A_56 = vector.broadcast %logistic3A_55 : f32 to vector<128x128xf32>
      %logistic3A_57 = arith.addf %logistic3A_56, %logistic3A_54 : vector<128x128xf32>
      %logistic3A_58 = arith.divf %logistic3A_56, %logistic3A_57 : vector<128x128xf32>
      %add3A_59 = arith.addf %slice3A_48, %slice3A_51 : vector<128x128xf32>
      %logistic3A_60 = arith.negf %add3A_59 : vector<128x128xf32>
      %logistic3A_61 = math.exp %logistic3A_60 : vector<128x128xf32>
      %logistic3A_62 = arith.constant 1.000000e+00 : f32
      %logistic3A_63 = vector.broadcast %logistic3A_62 : f32 to vector<128x128xf32>
      %logistic3A_64 = arith.addf %logistic3A_63, %logistic3A_61 : vector<128x128xf32>
      %logistic3A_65 = arith.divf %logistic3A_63, %logistic3A_64 : vector<128x128xf32>
      %mul3A = arith.mulf %logistic3A_58, %slice3A_52 : vector<128x128xf32>
      %add3A_66 = arith.addf %slice3A_49, %mul3A : vector<128x128xf32>
      %tanh3A = math.tanh %add3A_66 : vector<128x128xf32>
      %sub3A = arith.constant 1.000000e+00 : f32
      %sub3A_67 = vector.broadcast %sub3A : f32 to vector<128x128xf32>
      %sub3A_68 = arith.subf %sub3A_67, %logistic3A_65 : vector<128x128xf32>
      %mul3A_69 = arith.mulf %sub3A_68, %tanh3A : vector<128x128xf32>
      %mul3A_70 = arith.mulf %logistic3A_65, %while3A_27 : vector<128x128xf32>
      %add3A_71 = arith.addf %mul3A_69, %mul3A_70 : vector<128x128xf32>
      %get3A_72 = arith.constant 0 : index
      %get3A_73 = arith.constant 0 : index
      %get3A_74 = vector.load %arg7[%get3A_72, %get3A_73] : memref<127x381xf32, #tpu.memory_space<vmem>>, vector<127x381xf32>
      %get3A_75 = arith.constant 0 : index
      %get3A_76 = arith.constant 0 : index
      %get3A_77 = vector.load %arg8[%get3A_75, %get3A_76] : memref<127x381xf32, #tpu.memory_space<vmem>>, vector<127x381xf32>
      %get3A_78 = arith.constant 0 : index
      %get3A_79 = arith.constant 0 : index
      %get3A_80 = vector.load %arg9[%get3A_78, %get3A_79] : memref<1x381xf32, #tpu.memory_space<vmem>>, vector<1x381xf32>
      %get3A_81 = arith.constant 0 : index
      %get3A_82 = arith.constant 0 : index
      %get3A_83 = vector.load %arg10[%get3A_81, %get3A_82] : memref<1x381xf32, #tpu.memory_space<vmem>>, vector<1x381xf32>
      %dot_general3A_84 = arith.constant dense<0.000000e+00> : vector<128x381xf32>
      %dot_general3A_85 = tpu.matmul %while3A_28, %get3A_74, %dot_general3A_84 {dimension_numbers = #tpu.dot_dimension_numbers<[1], [0], [0], [1], [0, 0, 1, 1], [], []>, transpose_lhs_hint = false} : vector<128x127xf32>, vector<127x381xf32>, vector<128x381xf32> -> vector<128x381xf32>
      %add3A_86 = vector.broadcast %get3A_80 : vector<1x381xf32> to vector<128x381xf32>
      %add3A_87 = arith.addf %dot_general3A_85, %add3A_86 : vector<128x381xf32>
      %dot_general3A_88 = arith.constant dense<0.000000e+00> : vector<128x381xf32>
      %dot_general3A_89 = tpu.matmul %while3A_28, %get3A_77, %dot_general3A_88 {dimension_numbers = #tpu.dot_dimension_numbers<[1], [0], [0], [1], [0, 0, 1, 1], [], []>, transpose_lhs_hint = false} : vector<128x127xf32>, vector<127x381xf32>, vector<128x381xf32> -> vector<128x381xf32>
      %add3A_90 = vector.broadcast %get3A_83 : vector<1x381xf32> to vector<128x381xf32>
      %add3A_91 = arith.addf %dot_general3A_89, %add3A_90 : vector<128x381xf32>
      %slice3A_92 = vector.extract_strided_slice %add3A_87 {offsets = [0, 0], sizes = [128, 127], strides = [1, 1]} : vector<128x381xf32> to vector<128x127xf32>
      %slice3A_93 = vector.extract_strided_slice %add3A_87 {offsets = [0, 127], sizes = [128, 127], strides = [1, 1]} : vector<128x381xf32> to vector<128x127xf32>
      %slice3A_94 = vector.extract_strided_slice %add3A_87 {offsets = [0, 254], sizes = [128, 127], strides = [1, 1]} : vector<128x381xf32> to vector<128x127xf32>
      %slice3A_95 = vector.extract_strided_slice %add3A_91 {offsets = [0, 0], sizes = [128, 127], strides = [1, 1]} : vector<128x381xf32> to vector<128x127xf32>
      %slice3A_96 = vector.extract_strided_slice %add3A_91 {offsets = [0, 127], sizes = [128, 127], strides = [1, 1]} : vector<128x381xf32> to vector<128x127xf32>
      %slice3A_97 = vector.extract_strided_slice %add3A_91 {offsets = [0, 254], sizes = [128, 127], strides = [1, 1]} : vector<128x381xf32> to vector<128x127xf32>
      %add3A_98 = arith.addf %slice3A_92, %slice3A_95 : vector<128x127xf32>
      %logistic3A_99 = arith.negf %add3A_98 : vector<128x127xf32>
      %logistic3A_100 = math.exp %logistic3A_99 : vector<128x127xf32>
      %logistic3A_101 = arith.constant 1.000000e+00 : f32
      %logistic3A_102 = vector.broadcast %logistic3A_101 : f32 to vector<128x127xf32>
      %logistic3A_103 = arith.addf %logistic3A_102, %logistic3A_100 : vector<128x127xf32>
      %logistic3A_104 = arith.divf %logistic3A_102, %logistic3A_103 : vector<128x127xf32>
      %add3A_105 = arith.addf %slice3A_93, %slice3A_96 : vector<128x127xf32>
      %logistic3A_106 = arith.negf %add3A_105 : vector<128x127xf32>
      %logistic3A_107 = math.exp %logistic3A_106 : vector<128x127xf32>
      %logistic3A_108 = arith.constant 1.000000e+00 : f32
      %logistic3A_109 = vector.broadcast %logistic3A_108 : f32 to vector<128x127xf32>
      %logistic3A_110 = arith.addf %logistic3A_109, %logistic3A_107 : vector<128x127xf32>
      %logistic3A_111 = arith.divf %logistic3A_109, %logistic3A_110 : vector<128x127xf32>
      %mul3A_112 = arith.mulf %logistic3A_104, %slice3A_97 : vector<128x127xf32>
      %add3A_113 = arith.addf %slice3A_94, %mul3A_112 : vector<128x127xf32>
      %tanh3A_114 = math.tanh %add3A_113 : vector<128x127xf32>
      %sub3A_115 = arith.constant 1.000000e+00 : f32
      %sub3A_116 = vector.broadcast %sub3A_115 : f32 to vector<128x127xf32>
      %sub3A_117 = arith.subf %sub3A_116, %logistic3A_111 : vector<128x127xf32>
      %mul3A_118 = arith.mulf %sub3A_117, %tanh3A_114 : vector<128x127xf32>
      %mul3A_119 = arith.mulf %logistic3A_111, %while3A_28 : vector<128x127xf32>
      %add3A_120 = arith.addf %mul3A_118, %mul3A_119 : vector<128x127xf32>
      scf.yield %add3A_71, %add3A_120 : vector<128x128xf32>, vector<128x127xf32>
    }
    %while3A_15 = arith.constant 1 : i32
    %while3A_16:2 = scf.for %while3A_26 = %while3A_12 to %while3A_8 step %while3A_15 iter_args(%while3A_27 = %while3A_14#0, %while3A_28 = %while3A_14#1) -> (vector<128x128xf32>, vector<128x127xf32>)  : i32 {
      %get3A_29 = arith.constant 0 : index
      %get3A_30 = arith.constant 0 : index
      %get3A_31 = vector.load %arg3[%get3A_29, %get3A_30] : memref<128x384xf32, #tpu.memory_space<vmem>>, vector<128x384xf32>
      %get3A_32 = arith.constant 0 : index
      %get3A_33 = arith.constant 0 : index
      %get3A_34 = vector.load %arg4[%get3A_32, %get3A_33] : memref<128x384xf32, #tpu.memory_space<vmem>>, vector<128x384xf32>
      %get3A_35 = arith.constant 0 : index
      %get3A_36 = arith.constant 0 : index
      %get3A_37 = vector.load %arg5[%get3A_35, %get3A_36] : memref<1x384xf32, #tpu.memory_space<vmem>>, vector<1x384xf32>
      %get3A_38 = arith.constant 0 : index
      %get3A_39 = arith.constant 0 : index
      %get3A_40 = vector.load %arg6[%get3A_38, %get3A_39] : memref<1x384xf32, #tpu.memory_space<vmem>>, vector<1x384xf32>
      %dot_general3A_41 = arith.constant dense<0.000000e+00> : vector<128x384xf32>
      %dot_general3A_42 = tpu.matmul %while3A_27, %get3A_31, %dot_general3A_41 {dimension_numbers = #tpu.dot_dimension_numbers<[1], [0], [0], [1], [0, 0, 1, 1], [], []>, transpose_lhs_hint = false} : vector<128x128xf32>, vector<128x384xf32>, vector<128x384xf32> -> vector<128x384xf32>
      %add3A = vector.broadcast %get3A_37 : vector<1x384xf32> to vector<128x384xf32>
      %add3A_43 = arith.addf %dot_general3A_42, %add3A : vector<128x384xf32>
      %dot_general3A_44 = arith.constant dense<0.000000e+00> : vector<128x384xf32>
      %dot_general3A_45 = tpu.matmul %while3A_27, %get3A_34, %dot_general3A_44 {dimension_numbers = #tpu.dot_dimension_numbers<[1], [0], [0], [1], [0, 0, 1, 1], [], []>, transpose_lhs_hint = false} : vector<128x128xf32>, vector<128x384xf32>, vector<128x384xf32> -> vector<128x384xf32>
      %add3A_46 = vector.broadcast %get3A_40 : vector<1x384xf32> to vector<128x384xf32>
      %add3A_47 = arith.addf %dot_general3A_45, %add3A_46 : vector<128x384xf32>
      %slice3A = vector.extract_strided_slice %add3A_43 {offsets = [0, 0], sizes = [128, 128], strides = [1, 1]} : vector<128x384xf32> to vector<128x128xf32>
      %slice3A_48 = vector.extract_strided_slice %add3A_43 {offsets = [0, 128], sizes = [128, 128], strides = [1, 1]} : vector<128x384xf32> to vector<128x128xf32>
      %slice3A_49 = vector.extract_strided_slice %add3A_43 {offsets = [0, 256], sizes = [128, 128], strides = [1, 1]} : vector<128x384xf32> to vector<128x128xf32>
      %slice3A_50 = vector.extract_strided_slice %add3A_47 {offsets = [0, 0], sizes = [128, 128], strides = [1, 1]} : vector<128x384xf32> to vector<128x128xf32>
      %slice3A_51 = vector.extract_strided_slice %add3A_47 {offsets = [0, 128], sizes = [128, 128], strides = [1, 1]} : vector<128x384xf32> to vector<128x128xf32>
      %slice3A_52 = vector.extract_strided_slice %add3A_47 {offsets = [0, 256], sizes = [128, 128], strides = [1, 1]} : vector<128x384xf32> to vector<128x128xf32>
      %add3A_53 = arith.addf %slice3A, %slice3A_50 : vector<128x128xf32>
      %logistic3A = arith.negf %add3A_53 : vector<128x128xf32>
      %logistic3A_54 = math.exp %logistic3A : vector<128x128xf32>
      %logistic3A_55 = arith.constant 1.000000e+00 : f32
      %logistic3A_56 = vector.broadcast %logistic3A_55 : f32 to vector<128x128xf32>
      %logistic3A_57 = arith.addf %logistic3A_56, %logistic3A_54 : vector<128x128xf32>
      %logistic3A_58 = arith.divf %logistic3A_56, %logistic3A_57 : vector<128x128xf32>
      %add3A_59 = arith.addf %slice3A_48, %slice3A_51 : vector<128x128xf32>
      %logistic3A_60 = arith.negf %add3A_59 : vector<128x128xf32>
      %logistic3A_61 = math.exp %logistic3A_60 : vector<128x128xf32>
      %logistic3A_62 = arith.constant 1.000000e+00 : f32
      %logistic3A_63 = vector.broadcast %logistic3A_62 : f32 to vector<128x128xf32>
      %logistic3A_64 = arith.addf %logistic3A_63, %logistic3A_61 : vector<128x128xf32>
      %logistic3A_65 = arith.divf %logistic3A_63, %logistic3A_64 : vector<128x128xf32>
      %mul3A = arith.mulf %logistic3A_58, %slice3A_52 : vector<128x128xf32>
      %add3A_66 = arith.addf %slice3A_49, %mul3A : vector<128x128xf32>
      %tanh3A = math.tanh %add3A_66 : vector<128x128xf32>
      %sub3A = arith.constant 1.000000e+00 : f32
      %sub3A_67 = vector.broadcast %sub3A : f32 to vector<128x128xf32>
      %sub3A_68 = arith.subf %sub3A_67, %logistic3A_65 : vector<128x128xf32>
      %mul3A_69 = arith.mulf %sub3A_68, %tanh3A : vector<128x128xf32>
      %mul3A_70 = arith.mulf %logistic3A_65, %while3A_27 : vector<128x128xf32>
      %add3A_71 = arith.addf %mul3A_69, %mul3A_70 : vector<128x128xf32>
      %get3A_72 = arith.constant 0 : index
      %get3A_73 = arith.constant 0 : index
      %get3A_74 = vector.load %arg7[%get3A_72, %get3A_73] : memref<127x381xf32, #tpu.memory_space<vmem>>, vector<127x381xf32>
      %get3A_75 = arith.constant 0 : index
      %get3A_76 = arith.constant 0 : index
      %get3A_77 = vector.load %arg8[%get3A_75, %get3A_76] : memref<127x381xf32, #tpu.memory_space<vmem>>, vector<127x381xf32>
      %get3A_78 = arith.constant 0 : index
      %get3A_79 = arith.constant 0 : index
      %get3A_80 = vector.load %arg9[%get3A_78, %get3A_79] : memref<1x381xf32, #tpu.memory_space<vmem>>, vector<1x381xf32>
      %get3A_81 = arith.constant 0 : index
      %get3A_82 = arith.constant 0 : index
      %get3A_83 = vector.load %arg10[%get3A_81, %get3A_82] : memref<1x381xf32, #tpu.memory_space<vmem>>, vector<1x381xf32>
      %dot_general3A_84 = arith.constant dense<0.000000e+00> : vector<128x381xf32>
      %dot_general3A_85 = tpu.matmul %while3A_28, %get3A_74, %dot_general3A_84 {dimension_numbers = #tpu.dot_dimension_numbers<[1], [0], [0], [1], [0, 0, 1, 1], [], []>, transpose_lhs_hint = false} : vector<128x127xf32>, vector<127x381xf32>, vector<128x381xf32> -> vector<128x381xf32>
      %add3A_86 = vector.broadcast %get3A_80 : vector<1x381xf32> to vector<128x381xf32>
      %add3A_87 = arith.addf %dot_general3A_85, %add3A_86 : vector<128x381xf32>
      %dot_general3A_88 = arith.constant dense<0.000000e+00> : vector<128x381xf32>
      %dot_general3A_89 = tpu.matmul %while3A_28, %get3A_77, %dot_general3A_88 {dimension_numbers = #tpu.dot_dimension_numbers<[1], [0], [0], [1], [0, 0, 1, 1], [], []>, transpose_lhs_hint = false} : vector<128x127xf32>, vector<127x381xf32>, vector<128x381xf32> -> vector<128x381xf32>
      %add3A_90 = vector.broadcast %get3A_83 : vector<1x381xf32> to vector<128x381xf32>
      %add3A_91 = arith.addf %dot_general3A_89, %add3A_90 : vector<128x381xf32>
      %slice3A_92 = vector.extract_strided_slice %add3A_87 {offsets = [0, 0], sizes = [128, 127], strides = [1, 1]} : vector<128x381xf32> to vector<128x127xf32>
      %slice3A_93 = vector.extract_strided_slice %add3A_87 {offsets = [0, 127], sizes = [128, 127], strides = [1, 1]} : vector<128x381xf32> to vector<128x127xf32>
      %slice3A_94 = vector.extract_strided_slice %add3A_87 {offsets = [0, 254], sizes = [128, 127], strides = [1, 1]} : vector<128x381xf32> to vector<128x127xf32>
      %slice3A_95 = vector.extract_strided_slice %add3A_91 {offsets = [0, 0], sizes = [128, 127], strides = [1, 1]} : vector<128x381xf32> to vector<128x127xf32>
      %slice3A_96 = vector.extract_strided_slice %add3A_91 {offsets = [0, 127], sizes = [128, 127], strides = [1, 1]} : vector<128x381xf32> to vector<128x127xf32>
      %slice3A_97 = vector.extract_strided_slice %add3A_91 {offsets = [0, 254], sizes = [128, 127], strides = [1, 1]} : vector<128x381xf32> to vector<128x127xf32>
      %add3A_98 = arith.addf %slice3A_92, %slice3A_95 : vector<128x127xf32>
      %logistic3A_99 = arith.negf %add3A_98 : vector<128x127xf32>
      %logistic3A_100 = math.exp %logistic3A_99 : vector<128x127xf32>
      %logistic3A_101 = arith.constant 1.000000e+00 : f32
      %logistic3A_102 = vector.broadcast %logistic3A_101 : f32 to vector<128x127xf32>
      %logistic3A_103 = arith.addf %logistic3A_102, %logistic3A_100 : vector<128x127xf32>
      %logistic3A_104 = arith.divf %logistic3A_102, %logistic3A_103 : vector<128x127xf32>
      %add3A_105 = arith.addf %slice3A_93, %slice3A_96 : vector<128x127xf32>
      %logistic3A_106 = arith.negf %add3A_105 : vector<128x127xf32>
      %logistic3A_107 = math.exp %logistic3A_106 : vector<128x127xf32>
      %logistic3A_108 = arith.constant 1.000000e+00 : f32
      %logistic3A_109 = vector.broadcast %logistic3A_108 : f32 to vector<128x127xf32>
      %logistic3A_110 = arith.addf %logistic3A_109, %logistic3A_107 : vector<128x127xf32>
      %logistic3A_111 = arith.divf %logistic3A_109, %logistic3A_110 : vector<128x127xf32>
      %mul3A_112 = arith.mulf %logistic3A_104, %slice3A_97 : vector<128x127xf32>
      %add3A_113 = arith.addf %slice3A_94, %mul3A_112 : vector<128x127xf32>
      %tanh3A_114 = math.tanh %add3A_113 : vector<128x127xf32>
      %sub3A_115 = arith.constant 1.000000e+00 : f32
      %sub3A_116 = vector.broadcast %sub3A_115 : f32 to vector<128x127xf32>
      %sub3A_117 = arith.subf %sub3A_116, %logistic3A_111 : vector<128x127xf32>
      %mul3A_118 = arith.mulf %sub3A_117, %tanh3A_114 : vector<128x127xf32>
      %mul3A_119 = arith.mulf %logistic3A_111, %while3A_28 : vector<128x127xf32>
      %add3A_120 = arith.addf %mul3A_118, %mul3A_119 : vector<128x127xf32>
      scf.yield %add3A_71, %add3A_120 : vector<128x128xf32>, vector<128x127xf32>
    }
    %swap3A = arith.constant 0 : index
    %swap3A_17 = arith.constant 0 : index
    %swap3A_18 = vector.load %arg12[%swap3A, %swap3A_17] : memref<128x128xf32, #tpu.memory_space<vmem>>, vector<128x128xf32>
    tpu.vector_store %arg12[%swap3A, %swap3A_17], %while3A_16#0 {strides = array<i32>} : memref<128x128xf32, #tpu.memory_space<vmem>>, vector<128x128xf32>,
    %get3A_19 = arith.constant 0 : index
    %get3A_20 = arith.constant 0 : index
    %get3A_21 = vector.load %arg11[%get3A_19, %get3A_20] : memref<127x64xf32, #tpu.memory_space<vmem>>, vector<127x64xf32>
    %dot_general3A = arith.constant dense<0.000000e+00> : vector<128x64xf32>
    %dot_general3A_22 = tpu.matmul %while3A_16#1, %get3A_21, %dot_general3A {dimension_numbers = #tpu.dot_dimension_numbers<[1], [0], [0], [1], [0, 0, 1, 1], [], []>, transpose_lhs_hint = false} : vector<128x127xf32>, vector<127x64xf32>, vector<128x64xf32> -> vector<128x64xf32>
    %swap3A_23 = arith.constant 0 : index
    %swap3A_24 = arith.constant 0 : index
    %swap3A_25 = vector.load %arg13[%swap3A_23, %swap3A_24] : memref<128x64xf32, #tpu.memory_space<vmem>>, vector<128x64xf32>
    tpu.vector_store %arg13[%swap3A_23, %swap3A_24], %dot_general3A_22 {strides = array<i32>} : memref<128x64xf32, #tpu.memory_space<vmem>>, vector<128x64xf32>,
    return
  }
}

module attributes {stable_mosaic.version = 14 : i64} {
  func.func @_mid_body(%arg0: memref<10240x128xf32, #tpu.memory_space<vmem>>, %arg1: memref<10240x128xf32, #tpu.memory_space<vmem>>, %arg2: memref<10240x1xf32, #tpu.memory_space<vmem>>, %arg3: memref<128x128xf32, #tpu.memory_space<vmem>>, %arg4: memref<10240x128xf32, #tpu.memory_space<vmem>>) attributes {dimension_semantics = [], scalar_prefetch = 0 : i64, scratch_operands = 0 : i64, tpu.core_type = #tpu.core_type<tc>} {
    %get3A = arith.constant 0 : index
    %get3A_0 = arith.constant 0 : index
    %get3A_1 = vector.load %arg2[%get3A, %get3A_0] : memref<10240x1xf32, #tpu.memory_space<vmem>>, vector<10240x1xf32>
    %get3A_2 = arith.constant 0 : index
    %get3A_3 = arith.constant 0 : index
    %get3A_4 = vector.load %arg0[%get3A_2, %get3A_3] : memref<10240x128xf32, #tpu.memory_space<vmem>>, vector<10240x128xf32>
    %get3A_5 = arith.constant 0 : index
    %get3A_6 = arith.constant 0 : index
    %get3A_7 = vector.load %arg1[%get3A_5, %get3A_6] : memref<10240x128xf32, #tpu.memory_space<vmem>>, vector<10240x128xf32>
    %add3A = arith.addf %get3A_4, %get3A_7 : vector<10240x128xf32>
    %mul3A = vector.broadcast %get3A_1 : vector<10240x1xf32> to vector<10240x128xf32>
    %mul3A_8 = arith.mulf %add3A, %mul3A : vector<10240x128xf32>
    %get3A_9 = arith.constant 0 : index
    %get3A_10 = arith.constant 0 : index
    %get3A_11 = vector.load %arg3[%get3A_9, %get3A_10] : memref<128x128xf32, #tpu.memory_space<vmem>>, vector<128x128xf32>
    %dot_general3A = arith.constant dense<0.000000e+00> : vector<10240x128xf32>
    %dot_general3A_12 = tpu.matmul %mul3A_8, %get3A_11, %dot_general3A {dimension_numbers = #tpu.dot_dimension_numbers<[1], [0], [0], [1], [0, 0, 1, 1], [], []>, transpose_lhs_hint = false} : vector<10240x128xf32>, vector<128x128xf32>, vector<10240x128xf32> -> vector<10240x128xf32>
    %ge3A = arith.constant 0.000000e+00 : f32
    %ge3A_13 = vector.broadcast %ge3A : f32 to vector<10240x128xf32>
    %ge3A_14 = arith.cmpf oge, %dot_general3A_12, %ge3A_13 : vector<10240x128xf32>
    %mul3A_15 = arith.constant 0.229166672 : f32
    %mul3A_16 = vector.broadcast %mul3A_15 : f32 to vector<10240x128xf32>
    %mul3A_17 = arith.mulf %mul3A_16, %dot_general3A_12 : vector<10240x128xf32>
    %select_n3A = arith.select %ge3A_14, %dot_general3A_12, %mul3A_17 : vector<10240x128xi1>, vector<10240x128xf32>
    %mul3A_18 = vector.broadcast %get3A_1 : vector<10240x1xf32> to vector<10240x128xf32>
    %mul3A_19 = arith.mulf %select_n3A, %mul3A_18 : vector<10240x128xf32>
    %swap3A = arith.constant 0 : index
    %swap3A_20 = arith.constant 0 : index
    %swap3A_21 = vector.load %arg4[%swap3A, %swap3A_20] : memref<10240x128xf32, #tpu.memory_space<vmem>>, vector<10240x128xf32>
    tpu.vector_store %arg4[%swap3A, %swap3A_20], %mul3A_19 {strides = array<i32>} : memref<10240x128xf32, #tpu.memory_space<vmem>>, vector<10240x128xf32>,
    return
  }
}

module attributes {stable_mosaic.version = 14 : i64} {
  func.func @_final_body(%arg0: memref<10240x128xf32, #tpu.memory_space<vmem>>, %arg1: memref<10240x128xf32, #tpu.memory_space<vmem>>, %arg2: memref<10240x1xf32, #tpu.memory_space<vmem>>, %arg3: memref<128x64xf32, #tpu.memory_space<vmem>>, %arg4: memref<1x64xf32, #tpu.memory_space<vmem>>, %arg5: memref<64x16xf32, #tpu.memory_space<vmem>>, %arg6: memref<1x16xf32, #tpu.memory_space<vmem>>, %arg7: memref<10240x16xf32, #tpu.memory_space<vmem>>) attributes {dimension_semantics = [], scalar_prefetch = 0 : i64, scratch_operands = 0 : i64, tpu.core_type = #tpu.core_type<tc>} {
    %get3A = arith.constant 0 : index
    %get3A_0 = arith.constant 0 : index
    %get3A_1 = vector.load %arg0[%get3A, %get3A_0] : memref<10240x128xf32, #tpu.memory_space<vmem>>, vector<10240x128xf32>
    %get3A_2 = arith.constant 0 : index
    %get3A_3 = arith.constant 0 : index
    %get3A_4 = vector.load %arg1[%get3A_2, %get3A_3] : memref<10240x128xf32, #tpu.memory_space<vmem>>, vector<10240x128xf32>
    %add3A = arith.addf %get3A_1, %get3A_4 : vector<10240x128xf32>
    %get3A_5 = arith.constant 0 : index
    %get3A_6 = arith.constant 0 : index
    %get3A_7 = vector.load %arg2[%get3A_5, %get3A_6] : memref<10240x1xf32, #tpu.memory_space<vmem>>, vector<10240x1xf32>
    %mul3A = vector.broadcast %get3A_7 : vector<10240x1xf32> to vector<10240x128xf32>
    %mul3A_8 = arith.mulf %add3A, %mul3A : vector<10240x128xf32>
    %get3A_9 = arith.constant 0 : index
    %get3A_10 = arith.constant 0 : index
    %get3A_11 = vector.load %arg3[%get3A_9, %get3A_10] : memref<128x64xf32, #tpu.memory_space<vmem>>, vector<128x64xf32>
    %dot_general3A = arith.constant dense<0.000000e+00> : vector<10240x64xf32>
    %dot_general3A_12 = tpu.matmul %mul3A_8, %get3A_11, %dot_general3A {dimension_numbers = #tpu.dot_dimension_numbers<[1], [0], [0], [1], [0, 0, 1, 1], [], []>, transpose_lhs_hint = false} : vector<10240x128xf32>, vector<128x64xf32>, vector<10240x64xf32> -> vector<10240x64xf32>
    %get3A_13 = arith.constant 0 : index
    %get3A_14 = arith.constant 0 : index
    %get3A_15 = vector.load %arg4[%get3A_13, %get3A_14] : memref<1x64xf32, #tpu.memory_space<vmem>>, vector<1x64xf32>
    %add3A_16 = vector.broadcast %get3A_15 : vector<1x64xf32> to vector<10240x64xf32>
    %add3A_17 = arith.addf %dot_general3A_12, %add3A_16 : vector<10240x64xf32>
    %max3A = arith.constant 0.000000e+00 : f32
    %max3A_18 = vector.broadcast %max3A : f32 to vector<10240x64xf32>
    %max3A_19 = arith.maximumf %add3A_17, %max3A_18 : vector<10240x64xf32>
    %get3A_20 = arith.constant 0 : index
    %get3A_21 = arith.constant 0 : index
    %get3A_22 = vector.load %arg5[%get3A_20, %get3A_21] : memref<64x16xf32, #tpu.memory_space<vmem>>, vector<64x16xf32>
    %dot_general3A_23 = arith.constant dense<0.000000e+00> : vector<10240x16xf32>
    %dot_general3A_24 = tpu.matmul %max3A_19, %get3A_22, %dot_general3A_23 {dimension_numbers = #tpu.dot_dimension_numbers<[1], [0], [0], [1], [0, 0, 1, 1], [], []>, transpose_lhs_hint = false} : vector<10240x64xf32>, vector<64x16xf32>, vector<10240x16xf32> -> vector<10240x16xf32>
    %get3A_25 = arith.constant 0 : index
    %get3A_26 = arith.constant 0 : index
    %get3A_27 = vector.load %arg6[%get3A_25, %get3A_26] : memref<1x16xf32, #tpu.memory_space<vmem>>, vector<1x16xf32>
    %add3A_28 = vector.broadcast %get3A_27 : vector<1x16xf32> to vector<10240x16xf32>
    %add3A_29 = arith.addf %dot_general3A_24, %add3A_28 : vector<10240x16xf32>
    %swap3A = arith.constant 0 : index
    %swap3A_30 = arith.constant 0 : index
    %swap3A_31 = vector.load %arg7[%swap3A, %swap3A_30] : memref<10240x16xf32, #tpu.memory_space<vmem>>, vector<10240x16xf32>
    tpu.vector_store %arg7[%swap3A, %swap3A_30], %add3A_29 {strides = array<i32>} : memref<10240x16xf32, #tpu.memory_space<vmem>>, vector<10240x16xf32>,
    return
  }
}

</mosaic_0001>

<sc_bundles>
// kernel: kernel.12.cloned.1.call-start
scs
__scs_entry_jumppad:
0x0: {  	(pc) =	sbr.rel $0x88, $3  }
0x1: {  	(tag) =	ssettag $0x0;
	lr =	simm.s32 $0x1  }
0x2: {  	[smem:$0x3F90] =	sst lr;
	_ =	strace $0xD0000000  }
0x3: {  	_ = 	snop  }
0x4: {  	_ = 	snop  }
0x5: {  	_ = 	snop  }
0x6: {  	_ = 	snop  }
0x7: {  	_ = 	snop  }
__scs_overlays_trampoline_lowered:
0x8: {  	[smem:$0x3F9F] =	sst s0  }
0x9: {  	[smem:$0x3FA0] =	sst s1  }
0xa: {  	[smem:$0x3FA1] =	sst s2  }
0xb: {  	[smem:$0x3FA2] =	sst s3  }
0xc: {  	[smem:$0x3FA3] =	sst s4  }
0xd: {  	[smem:$0x3FA4] =	sst s5  }
0xe: {  	[smem:$0x3FA5] =	sst s6  }
0xf: {  	[smem:$0x3FA6] =	sst s7  }
0x10: {  	[smem:$0x3FA7] =	sst s8  }
0x11: {  	[smem:$0x3FA8] =	sst s9;
	s0 =	simm.s32 @!p0 $0x0  }
0x12: {  	s1 =	sld [smem:$0x3F8E];
	s0 =	simm.s32 @p0 $0x1  }
0x13: {  	[smem:$0x3FA9] =	sst s0;
	s0 =	simm.s32 @!p1 $0x0  }
0x14: {  	s2 =	sld [smem:$0x3F8D];
	s0 =	simm.s32 @p1 $0x1  }
0x15: {  	[smem:$0x3FAA] =	sst s0;
	s0 =	simm.s32 @!p2 $0x0  }
0x16: {  	s3 =	sld [smem:$0x3FDB];
	s0 =	simm.s32 @p2 $0x1  }
0x17: {  	s4 =	simm.s32 $0x1BF5;
	[smem:$0x3FAC] =	sst s0  }
0x18: {  	s0 =	sld [smem:$0x3F8F];
	_ =	swait.ge [sflag:s4], $0x0  }
0x19: {  	s7 =	sld [smem:$0x3F90]  }
0x1a: {  	s8 =	sadd.s32 $0xFFFFE003, lr  }
0x1b: {  	s9 =	sadd.s32 $0xFFFFFEF7, lr;
	s5 =	simm.s32 $0xFFFFFFFF;
	p2 =	slt.u32 s8, $0xFFFFF086  }
0x1c: {  	p1 =	slt.u32 s9, $0xF7A;
	s5 =	simm.s32 @!p2 $0x0  }
0x1d: {  	s5 =	simm.s32 @p1 $0x1;
	p0 =	seq.s32 s7, s2  }
0x1e: {  	s7 =	smul.u32 @!p0 $0xF7A, s2;
	p2 =	seq.s32 @!p0 s5, $0x0  }
0x1f: {  	s9 =	smul.u32 $0xF7A, s1;
	s8 =	simm.s32 @!p0 $0x1BF5;
	p2 =	por !p2, p0  }
0x20: {  	[sflag:s8] =	ssyncset.s32 @!p0 $0xFFFFF086;
	s6 =	sadd.s32 @!p0 s3, s7;
	s7 =	simm.s32 @!p0 $0x108  }
0x21: {  	s3 =	sadd.s32 s3, s9;
	s6 =	sadd.s32 @!p0 $0x88, s6;
	s7 =	simm.s32 @p2 $0x1082  }
0x22: {  	[simem:s7], [sflag:s8] =	dma.local @!p0 [hbm:s6], $0xF7A  }
0x23: {  	s9 =	sor.u32 $0xD0000000, s2;
	s6 =	simm.s32 $0x108;
	_ =	swait.ge @!p0 [sflag:s8], $0x0  }
0x24: {  	s3 =	sadd.s32 $0x88, s3;
	s6 =	simm.s32 @!p1 $0x1082;
	[sflag:s4] =	ssyncset.s32 $0xFFFFF086  }
0x25: {  	[simem:s6], [sflag:s4] =	dma.local [hbm:s3], $0xF7A  }
0x26: {  	[smem:$0x3F90] =	sst s1;
	(tag) =	ssettag s2;
	_ =	strace s9  }
0x27: {  	s1 =	sld [smem:$0x3FA0]  }
0x28: {  	s2 =	sld [smem:$0x3FA1]  }
0x29: {  	s4 =	sld [smem:$0x3FA3]  }
0x2a: {  	p0 =	seq.s32 s5, $0x0;
	s5 =	sld [smem:$0x3FA4]  }
0x2b: {  	s6 =	sld [smem:$0x3FA5]  }
0x2c: {  	s7 =	sld [smem:$0x3FA6]  }
0x2d: {  	s3 =	simm.s32 $0x108;
	s8 =	sld [smem:$0x3FA7]  }
0x2e: {  	s3 =	simm.s32 @!p0 $0x1082;
	s9 =	sld [smem:$0x3FA8]  }
0x2f: {  	lr =	sadd.s32 s0, s3;
	s0 =	sld [smem:$0x3F9F]  }
0x30: {  	s3 =	sld [smem:$0x3FA2]  }
0x31: {  	[smem:$0x3FAB] =	sst s10  }
0x32: {  	s10 =	sld [smem:$0x3FA9];
	_ =	sdelay $0x3  }
0x33: {  	p0 =	seq.s32 s10, $0x1;
	s10 =	sld [smem:$0x3FAB];
	_ =	sdelay $0x3  }
0x34: {  	[smem:$0x3FAB] =	sst s10  }
0x35: {  	s10 =	sld [smem:$0x3FAA];
	_ =	sdelay $0x3  }
0x36: {  	p1 =	seq.s32 s10, $0x1;
	s10 =	sld [smem:$0x3FAB];
	_ =	sdelay $0x3  }
0x37: {  	[smem:$0x3FAB] =	sst s10  }
0x38: {  	s10 =	sld [smem:$0x3FAC]  }
0x39: {  	_ = 	snop;
	(pc) =	sbr.ind lr, $3  }
0x3a: {  	_ = 	snop  }
0x3b: {  	_ = 	snop  }
0x3c: {  	p2 =	seq.s32 s10, $0x1;
	s10 =	sld [smem:$0x3FAB]  }
0x3d: {  	_ =	shalt  }
0x3e: {  	_ =	shalt  }
0x3f: {  	_ =	shalt  }
0x40: {  	_ =	shalt  }
0x41: {  	_ =	shalt  }
0x42: {  	_ =	shalt  }
0x43: {  	_ =	shalt  }
0x44: {  	_ =	shalt  }
0x45: {  	_ =	shalt  }
0x46: {  	_ =	shalt  }
0x47: {  	_ =	shalt  }
0x48: {  	_ =	shalt  }
0x49: {  	_ =	shalt  }
0x4a: {  	_ =	shalt  }
0x4b: {  	_ =	shalt  }
0x4c: {  	_ =	shalt  }
0x4d: {  	_ =	shalt  }
0x4e: {  	_ =	shalt  }
0x4f: {  	_ =	shalt  }
0x50: {  	_ =	shalt  }
0x51: {  	_ =	shalt  }
0x52: {  	_ =	shalt  }
0x53: {  	_ =	shalt  }
0x54: {  	_ =	shalt  }
0x55: {  	_ =	shalt  }
0x56: {  	_ =	shalt  }
0x57: {  	_ =	shalt  }
0x58: {  	_ =	shalt  }
0x59: {  	_ =	shalt  }
0x5a: {  	_ =	shalt  }
0x5b: {  	_ =	shalt  }
0x5c: {  	_ =	shalt  }
0x5d: {  	_ =	shalt  }
0x5e: {  	_ =	shalt  }
0x5f: {  	_ =	shalt  }
0x60: {  	_ =	shalt  }
0x61: {  	_ =	shalt  }
0x62: {  	_ =	shalt  }
0x63: {  	_ =	shalt  }
0x64: {  	_ =	shalt  }
0x65: {  	_ =	shalt  }
0x66: {  	_ =	shalt  }
0x67: {  	_ =	shalt  }
0x68: {  	_ =	shalt  }
0x69: {  	_ =	shalt  }
0x6a: {  	_ =	shalt  }
0x6b: {  	_ =	shalt  }
0x6c: {  	_ =	shalt  }
0x6d: {  	_ =	shalt  }
0x6e: {  	_ =	shalt  }
0x6f: {  	_ =	shalt  }
0x70: {  	_ =	shalt  }
0x71: {  	_ =	shalt  }
0x72: {  	_ =	shalt  }
0x73: {  	_ =	shalt  }
0x74: {  	_ =	shalt  }
0x75: {  	_ =	shalt  }
0x76: {  	_ =	shalt  }
0x77: {  	_ =	shalt  }
0x78: {  	_ =	shalt  }
0x79: {  	_ =	shalt  }
0x7a: {  	_ =	shalt  }
0x7b: {  	_ =	shalt  }
0x7c: {  	_ =	shalt  }
0x7d: {  	_ =	shalt  }
0x7e: {  	_ =	shalt  }
0x7f: {  	_ =	shalt  }
0x80: {  	_ =	shalt  }
0x81: {  	_ =	shalt  }
0x82: {  	_ =	shalt  }
0x83: {  	_ =	shalt  }
0x84: {  	_ =	shalt  }
0x85: {  	_ =	shalt  }
0x86: {  	_ =	shalt  }
0x87: {  	_ =	shalt  }
.Lfunc_end0:
.L_simem_size_0:
called_computation.1_lowered:
.L_overlay_start_0:
0x88: {  	s2 =	sld [smem:$0x3FD9]  }
0x89: {  	s3 =	sld [smem:$0x3FFE];
	_ =	sdelay $0x1  }
0x8a: {  	s1 =	srdreg.scid  }
0x8b: {  	s0 =	sand.u32 $0x1, s1  }
0x8c: {  	s16 =	sshll.u32 s0, $0xA;
	s2 =	sadd.s32 s3, s2  }
0x8d: {  	s2 =	sadd.s32 s2, s16  }
0x8e: {  	[smem:$0x3FB7] =	sst s2  }
0x8f: {  	_ = 	snop  }
0x90: {  	(tm) =	ssettm $0x1  }
0x91: {  	s17 =	sld [smem:$0x3FFB];
	_ =	sdelay $0x3  }
0x92: {  	_ =	strace s17  }
0x93: {  	s2 =	sld [smem:$0x3FFC];
	_ =	sdelay $0x3  }
0x94: {  	_ =	strace s2  }
0x95: {  	s2 =	sld [smem:$0x3FFD];
	_ =	sdelay $0x3  }
0x96: {  	_ =	strace s2  }
0x97: {  	_ =	strace $0x8FFFFFFF  }
0x98: {  	s18 =	sld [smem:$0x3FDB];
	_ =	sdelay $0x1  }
0x99: {  	s19 =	simm.s32 $_scs_section_size  }
0x9a: {  	s4 =	simm.s32 $_size__tile_overlayer_lowered;
	s5 =	simm.s32 $_tile_overlayer_lowered  }
0x9b: {  	s22 =	simm.s32 $0x1BFF;
	s21 =	sshll.u32 s5, $0x1;
	s2 =	sadd.s32 s19, s18  }
0x9c: {  	s6 =	simm.s32 $0x0;
	s20 =	sshll.u32 s4, $0x1;
	s4 =	sadd.s32 s21, s2  }
0x9d: {  	[timem:s6], [sflag:s22] =	dma.local [hbm:s4], s20  }
0x9e: {  	_ =	swait.ge [sflag:s22], s20  }
0x9f: {  	s3 =	ssub.s32 $0x0, s20;
	[sflag:s22] =	ssyncset.done $0x0  }
0xa0: {  	[sflag:s22] =	ssyncadd.s32 s3;
	_ =	sdelay $0x1  }
0xa1: {  	s23 =	simm.s32 $0x1B8B  }
0xa2: {  	_ =	swait.ge [sflag:s23], $0x1  }
0xa3: {  	[sflag:s23] =	ssyncset.done $0x0  }
0xa4: {  	s25 =	simm.s32 $0x1B8E;
	s24 =	sld [smem:$0x3FFE];
	[sflag:s23] =	ssyncadd.s32 $0xFFFFFFFF  }
0xa5: {  	s26 =	simm.s32 $execute0_lowered;
	[smem:$0x3FD2] =	sst s25  }
0xa6: {  	s4 =	sshll.u32 s26, $0x1;
	_ =	strace $0x80000049;
	[dreg:$0x1] =	wrdreg $0xFFFFFFFF  }
0xa7: {  	s28 =	simm.s32 $_size_execute0_lowered;
	s2 =	sadd.s32 s2, s4;
	[dreg:$0x0] =	wrdreg $0x0  }
0xa8: {  	s4 =	sshll.u32 s28, $0x1;
	[dreg:$0x2] =	wrdreg s2  }
0xa9: {  	[dreg:$0x3] =	wrdreg s4  }
0xaa: {  	[dreg:$0x4] =	wrdreg $0xC0  }
0xab: {  	_ =	task [dreg:s6], $0x5FFFF  }
0xac: {  	[dreg:$0x1] =	wrdreg $0xFFFFFFFF  }
0xad: {  	[dreg:$0x0] =	wrdreg $0x60  }
0xae: {  	[dreg:$0x2] =	wrdreg s24  }
0xaf: {  	[dreg:$0x3] =	wrdreg $0xB3000  }
0xb0: {  	[dreg:$0x4] =	wrdreg $0x9  }
0xb1: {  	_ =	task.clear_ibuf [dreg:s6], $0x5FFFF;
	_ =	strace $0x90000049  }
0xb2: {  	s29 =	simm.s32 $0x9;
	_ =	strace $0x8000004B  }
0xb3: {  	_ =	swait.ge [sflag:s29], $0x1  }
0xb4: {  	[sflag:s29] =	ssyncadd.s32 $0xFFFFFFFF  }
0xb5: {  	_ =	strace $0x9000004B  }
0xb6: {  	_ =	sfence  }
0xb7: {  	s30 =	sld [smem:$0x0];
	_ =	sdelay $0x2  }
0xb8: {  	s31 =	sshll.u32 s1, $0xD;
	s1 =	sshrl.u32 s1, $0x2  }
0xb9: {  	s3 =	sand.u32 $0x4000, s31;
	s1 =	sadd.s32 s1, s30  }
0xba: {  	s0 =	sor.u32 s3, s0;
	s1 =	sshll.u32 s1, $0x11  }
0xbb: {  	s0 =	sor.u32 s1, s0  }
0xbc: {  	s0 =	sadd.s32 $0x8F2B, s0  }
0xbd: {  	[sflag:s0] =	ssyncadd.remote.s32 $0x1  }
0xbe: {  	_ =	sfence.sel $0xFFFF  }
0xbf: {  	[dreg:$0x0] =	wrdreg $0xFFFFFFFF;
	(pc) =	sbr.abs _section_cstart, $3  }
0xc0: {  	[dreg:$0x1] =	wrdreg $0xFFFFFFFF  }
0xc1: {  	_ =	task.clear_ibuf [dreg:s6], $0x2FFFF;
	_ =	strace $0x9FFFFFFF  }
0xc2: {  	(tm) =	ssettm $0x7FFFFFFF  }
0xc3: {  	_ =	shalt  }
tec
execute0_lowered:
.L_overlay_start_1:
0x0: {  	(tag) =	ssettag $0x1  }
0x1: {  	s0 =	srdreg.scid  }
0x2: {  	s13 =	stileid.u32;
	s3 =	rddreg [dreg:$0x0]  }
0x3: {  	s2 =	rddreg [dreg:$0x1];
	s6 =	simm.s32 $0x0;
	s10 =	simm.s32 $0x80  }
0x4: {  	s11 =	simm.s32 $0x400;
	s12 =	simm.s32 $0xB;
	s16 =	simm.s32 $0x28  }
0x5: {  	s17 =	simm.s32 $0x4F00;
	s18 =	simm.s32 $0x6300;
	s20 =	simm.s32 $0x7700  }
0x6: {  	s28 =	simm.s32 $0x3;
	s29 =	simm.s32 $0x4;
	s30 =	simm.s32 $0x5  }
0x7: {  	s31 =	simm.s32 $0x6;
	s19 =	simm.s32 $0xA;
	s0 =	sand.u32 $0x1, s0  }
0x8: {  	s4 =	sshll.u32 s13, $0x7;
	s5 =	smul.u32 $0x14000, s13;
	[smem:$0x7FF] =	sst s6  }
0x9: {  	s8 =	smul.u32 $0x50000, s13;
	s26 =	sshll.u32 s13, $0x6;
	s1 =	sshll.u32 s0, $0x4  }
0xa: {  	s4 =	sand.u32 $0x380, s4;
	s22 =	smul.u32 $0x140000, s0;
	_ =	strace $0x8000004A  }
0xb: {  	s0 =	ssub.s32 $0x2, s0;
	s14 =	sor.u32 $0x1C0B, s26;
	s26 =	simm.s32 $0x2  }
0xc: {  	s1 =	sor.u32 s13, s1;
	s7 =	sshrl.u32 s5, $0x3;
	s23 =	sshrl.u32 s0, $0x1  }
0xd: {  	s25 =	sshrl.u32 s8, $0x2;
	s13 =	simm.s32 $0x9;
	s1 =	sshrl.u32 s1, $0x3  }
0xe: {  	s5 =	sadd.s32 s5, s22;
	s7 =	sadd.s32 s7, s3;
	s1 =	smul.u32 $0x13C00, s1  }
0xf: {  	s0 =	ssub.s32 s0, s23;
	s22 =	simm.s32 $0x8B00;
	s23 =	simm.s32 $0x0  }
0x10: {  	s5 =	sshrl.u32 s5, $0x3;
	s7 =	sadd.s32 $0xCC00, s7;
	s1 =	sor.u32 s4, s1  }
0x11: {  	s9 =	smax.u32 s0, $0x1;
	s0 =	simm.s32 $0x8;
	s1 =	sshrl.u32 s1, $0x3  }
0x12: {  	s4 =	sadd.s32 $0x84E00, s3;
	s1 =	sadd.s32 s1, s3;
	s3 =	sadd.s32 s5, s3  }
0x13: {  	s24 =	sadd.s32 $0xACE00, s1;
	s6 =	sadd.s32 $0x2E00, s1;
	s1 =	sadd.s32 s25, s2  }
0x14: {  	s8 =	sadd.s32 $0x34C00, s3;
	s25 =	simm.s32 $0x1;
	[dreg:$0x3] =	wrdreg s24  }
0x15: {  	s15 =	sshrl.u32 s1, $0x3;
	s24 =	simm.s32 $0x9F00;
	s1 =	simm.s32 $0x7  }
.LBB2_1:
0x16: {  	s3 =	simm.s32 $0x0;
	s5 =	rddreg [dreg:$0x3]  }
0x17: {  	[tilespmem:s3], [sflag:$0xB] =	stream.strided.gather [hbm4b:s5+s10], $0x2780, s11, s10, $0x38;
	[tilespmem:$0x1F300] =	vst v63  }
0x18: {  	_ =	swait.ge [sflag:s12], $0x2780  }
0x19: {  	[sflag:s12] =	ssyncset.done $0x0  }
0x1a: {  	s21 =	simm.s32 $0x2780;
	[sflag:s12] =	ssyncadd.s32 $0xFFFFD880  }
0x1b: {  	[tilespmem:s21], [sflag:$0xB] =	stream.strided.gather [hbm4b:s6+s10], $0x2780, s11, s10, $0x38;
	[tilespmem:$0x1F300] =	vst v63  }
0x1c: {  	_ =	swait.ge [sflag:s12], $0x2780  }
0x1d: {  	[sflag:s12] =	ssyncset.done $0x0  }
0x1e: {  	[sflag:s12] =	ssyncadd.s32 $0xFFFFD880  }
0x1f: {  	[spmem:s15], [sflag:s14] =	dma.local [hbm:s7], $0x2800  }
0x20: {  	_ =	swait.ge [sflag:s12], $0x2800  }
0x21: {  	[sflag:s12] =	ssyncset.done $0x0  }
0x22: {  	[sflag:s12] =	ssyncadd.s32 $0xFFFFD800  }
0x23: {  	[bflag:$0x0] =	sbarrier.arrive $0xFFFF  }
0x24: {  	[tilespmem:s17], [sflag:$0x1] =	stream.indirect.gather [hbm4b:s4+s16], $0x80, s3, s16, $0xb8;
	[tilespmem:$0x1F300] =	vst v63  }
0x25: {  	_ = 	snop  }
0x26: {  	[tilespmem:s18], [sflag:$0x2] =	stream.indirect.gather [hbm4b:s4+s16], $0x80, s16, s16, $0xb8;
	[tilespmem:$0x1F300] =	vst v63  }
0x27: {  	s5 =	simm.s32 $0x50  }
0x28: {  	[tilespmem:s20], [sflag:$0x3] =	stream.indirect.gather [hbm4b:s4+s16], $0x80, s5, s16, $0xb8;
	[tilespmem:$0x1F300] =	vst v63  }
0x29: {  	s21 =	simm.s32 $0x78  }
0x2a: {  	[tilespmem:s22], [sflag:$0x4] =	stream.indirect.gather [hbm4b:s4+s16], $0x80, s21, s16, $0xb8;
	[tilespmem:$0x1F300] =	vst v63  }
0x2b: {  	s5 =	simm.s32 $0xA0  }
0x2c: {  	[tilespmem:s24], [sflag:$0x5] =	stream.indirect.gather [hbm4b:s4+s16], $0x80, s5, s16, $0xb8;
	[tilespmem:$0x1F300] =	vst v63  }
0x2d: {  	_ =	swait.ge [sflag:s25], $0x1400  }
0x2e: {  	[sflag:s25] =	ssyncset.done $0x0  }
0x2f: {  	s21 =	simm.s32 $0x2780;
	[sflag:s25] =	ssyncadd.s32 $0xFFFFEC00  }
0x30: {  	[spmem:s2] =	stream.indirect.scatter.add.f32 [tilespmem:s17], [sflag:$0x6], $0x80, s21, s16, $0xb8;
	[tilespmem:$0x1F300] =	vst v63  }
0x31: {  	_ =	swait.ge [sflag:s26], $0x1400  }
0x32: {  	[sflag:s26] =	ssyncset.done $0x0  }
0x33: {  	s5 =	simm.s32 $0x27A8;
	[sflag:s26] =	ssyncadd.s32 $0xFFFFEC00  }
0x34: {  	[spmem:s2] =	stream.indirect.scatter.add.f32 [tilespmem:s18], [sflag:$0x7], $0x80, s5, s16, $0xb8;
	[tilespmem:$0x1F300] =	vst v63  }
0x35: {  	_ =	swait.ge [sflag:s28], $0x1400  }
0x36: {  	[sflag:s28] =	ssyncset.done $0x0  }
0x37: {  	s21 =	simm.s32 $0x27D0;
	[sflag:s28] =	ssyncadd.s32 $0xFFFFEC00  }
0x38: {  	[spmem:s2] =	stream.indirect.scatter.add.f32 [tilespmem:s20], [sflag:$0x8], $0x80, s21, s16, $0xb8;
	[tilespmem:$0x1F300] =	vst v63  }
0x39: {  	_ =	swait.ge [sflag:s29], $0x1400  }
0x3a: {  	[sflag:s29] =	ssyncset.done $0x0  }
0x3b: {  	s5 =	simm.s32 $0x27F8;
	[sflag:s29] =	ssyncadd.s32 $0xFFFFEC00  }
0x3c: {  	[spmem:s2] =	stream.indirect.scatter.add.f32 [tilespmem:s22], [sflag:$0x9], $0x80, s5, s16, $0xb8;
	[tilespmem:$0x1F300] =	vst v63  }
0x3d: {  	_ =	swait.ge [sflag:s30], $0x1400  }
0x3e: {  	[sflag:s30] =	ssyncset.done $0x0  }
0x3f: {  	s21 =	simm.s32 $0x2820;
	[sflag:s30] =	ssyncadd.s32 $0xFFFFEC00  }
0x40: {  	[spmem:s2] =	stream.indirect.scatter.add.f32 [tilespmem:s24], [sflag:$0xA], $0x80, s21, s16, $0xb8;
	[tilespmem:$0x1F300] =	vst v63  }
0x41: {  	_ =	swait.ge [sflag:s31], $0x1400  }
0x42: {  	[sflag:s31] =	ssyncset.done $0x0  }
0x43: {  	s5 =	simm.s32 $0xC8;
	[sflag:s31] =	ssyncadd.s32 $0xFFFFEC00  }
0x44: {  	[tilespmem:s17], [sflag:$0x1] =	stream.indirect.gather [hbm4b:s4+s16], $0x80, s5, s16, $0xb8;
	[tilespmem:$0x1F300] =	vst v63  }
0x45: {  	_ =	swait.ge [sflag:s1], $0x1400  }
0x46: {  	[sflag:s1] =	ssyncset.done $0x0  }
0x47: {  	s21 =	simm.s32 $0xF0;
	[sflag:s1] =	ssyncadd.s32 $0xFFFFEC00  }
0x48: {  	[tilespmem:s18], [sflag:$0x2] =	stream.indirect.gather [hbm4b:s4+s16], $0x80, s21, s16, $0xb8;
	[tilespmem:$0x1F300] =	vst v63  }
0x49: {  	_ =	swait.ge [sflag:s0], $0x1400  }
0x4a: {  	[sflag:s0] =	ssyncset.done $0x0  }
0x4b: {  	s5 =	simm.s32 $0x118;
	[sflag:s0] =	ssyncadd.s32 $0xFFFFEC00  }
0x4c: {  	[tilespmem:s20], [sflag:$0x3] =	stream.indirect.gather [hbm4b:s4+s16], $0x80, s5, s16, $0xb8;
	[tilespmem:$0x1F300] =	vst v63  }
0x4d: {  	_ =	swait.ge [sflag:s13], $0x1400  }
0x4e: {  	[sflag:s13] =	ssyncset.done $0x0  }
0x4f: {  	s21 =	simm.s32 $0x140;
	[sflag:s13] =	ssyncadd.s32 $0xFFFFEC00  }
0x50: {  	[tilespmem:s22], [sflag:$0x4] =	stream.indirect.gather [hbm4b:s4+s16], $0x80, s21, s16, $0xb8;
	[tilespmem:$0x1F300] =	vst v63  }
0x51: {  	_ =	swait.ge [sflag:s19], $0x1400  }
0x52: {  	[sflag:s19] =	ssyncset.done $0x0  }
0x53: {  	s3 =	simm.s32 $0x168;
	s21 =	simm.s32 $0x320;
	[sflag:s19] =	ssyncadd.s32 $0xFFFFEC00  }
.LBB2_2:
0x54: {  	[tilespmem:s24], [sflag:$0x5] =	stream.indirect.gather [hbm4b:s4+s16], $0x80, s3, s16, $0xb8;
	[tilespmem:$0x1F300] =	vst v63  }
0x55: {  	s3 =	smov.u32 s21  }
0x56: {  	p0 =	sne.s32 s21, $0x9600;
	s21 =	sadd.s32 $0x320, s21;
	_ =	swait.ge [sflag:s25], $0x1400  }
0x57: {  	s3 =	sshra.s32 s3, $0x2;
	[sflag:s25] =	ssyncset.done $0x0  }
0x58: {  	s5 =	sadd.s32 $0x2780, s3;
	[sflag:s25] =	ssyncadd.s32 $0xFFFFEC00  }
0x59: {  	[spmem:s2] =	stream.indirect.scatter.add.f32 [tilespmem:s17], [sflag:$0x6], $0x80, s5, s16, $0xb8;
	[tilespmem:$0x1F300] =	vst v63  }
0x5a: {  	_ =	swait.ge [sflag:s26], $0x1400  }
0x5b: {  	[sflag:s26] =	ssyncset.done $0x0  }
0x5c: {  	s5 =	sadd.s32 $0x27A8, s3;
	[sflag:s26] =	ssyncadd.s32 $0xFFFFEC00  }
0x5d: {  	[spmem:s2] =	stream.indirect.scatter.add.f32 [tilespmem:s18], [sflag:$0x7], $0x80, s5, s16, $0xb8;
	[tilespmem:$0x1F300] =	vst v63  }
0x5e: {  	_ =	swait.ge [sflag:s28], $0x1400  }
0x5f: {  	[sflag:s28] =	ssyncset.done $0x0  }
0x60: {  	s5 =	sadd.s32 $0x27D0, s3;
	[sflag:s28] =	ssyncadd.s32 $0xFFFFEC00  }
0x61: {  	[spmem:s2] =	stream.indirect.scatter.add.f32 [tilespmem:s20], [sflag:$0x8], $0x80, s5, s16, $0xb8;
	[tilespmem:$0x1F300] =	vst v63  }
0x62: {  	_ =	swait.ge [sflag:s29], $0x1400  }
0x63: {  	[sflag:s29] =	ssyncset.done $0x0  }
0x64: {  	s5 =	sadd.s32 $0x27F8, s3;
	[sflag:s29] =	ssyncadd.s32 $0xFFFFEC00  }
0x65: {  	[spmem:s2] =	stream.indirect.scatter.add.f32 [tilespmem:s22], [sflag:$0x9], $0x80, s5, s16, $0xb8;
	[tilespmem:$0x1F300] =	vst v63  }
0x66: {  	_ =	swait.ge [sflag:s30], $0x1400  }
0x67: {  	[sflag:s30] =	ssyncset.done $0x0  }
0x68: {  	s5 =	sadd.s32 $0x2820, s3;
	[sflag:s30] =	ssyncadd.s32 $0xFFFFEC00  }
0x69: {  	[spmem:s2] =	stream.indirect.scatter.add.f32 [tilespmem:s24], [sflag:$0xA], $0x80, s5, s16, $0xb8;
	[tilespmem:$0x1F300] =	vst v63  }
0x6a: {  	_ =	swait.ge [sflag:s31], $0x1400  }
0x6b: {  	[sflag:s31] =	ssyncset.done $0x0  }
0x6c: {  	s5 =	sadd.s32 $0xC8, s3;
	[sflag:s31] =	ssyncadd.s32 $0xFFFFEC00  }
0x6d: {  	[tilespmem:s17], [sflag:$0x1] =	stream.indirect.gather [hbm4b:s4+s16], $0x80, s5, s16, $0xb8;
	[tilespmem:$0x1F300] =	vst v63  }
0x6e: {  	_ =	swait.ge [sflag:s1], $0x1400  }
0x6f: {  	[sflag:s1] =	ssyncset.done $0x0  }
0x70: {  	s5 =	sadd.s32 $0xF0, s3;
	[sflag:s1] =	ssyncadd.s32 $0xFFFFEC00  }
0x71: {  	[tilespmem:s18], [sflag:$0x2] =	stream.indirect.gather [hbm4b:s4+s16], $0x80, s5, s16, $0xb8;
	[tilespmem:$0x1F300] =	vst v63  }
0x72: {  	_ =	swait.ge [sflag:s0], $0x1400  }
0x73: {  	[sflag:s0] =	ssyncset.done $0x0  }
0x74: {  	s5 =	sadd.s32 $0x118, s3;
	[sflag:s0] =	ssyncadd.s32 $0xFFFFEC00  }
0x75: {  	[tilespmem:s20], [sflag:$0x3] =	stream.indirect.gather [hbm4b:s4+s16], $0x80, s5, s16, $0xb8;
	[tilespmem:$0x1F300] =	vst v63  }
0x76: {  	_ =	swait.ge [sflag:s13], $0x1400  }
0x77: {  	[sflag:s13] =	ssyncset.done $0x0  }
.Ltmp0:
0x78: {  	s5 =	sadd.s32 $0x140, s3;
	[sflag:s13] =	ssyncadd.s32 $0xFFFFEC00;
	(pc) =	sbr.rel @p0 .LBB2_2-.Ltmp0, $4  }
0x79: {  	[tilespmem:s22], [sflag:$0x4] =	stream.indirect.gather [hbm4b:s4+s16], $0x80, s5, s16, $0xb8;
	[tilespmem:$0x1F300] =	vst v63  }
0x7a: {  	_ =	swait.ge [sflag:s19], $0x1400  }
0x7b: {  	[sflag:s19] =	ssyncset.done $0x0  }
0x7c: {  	s3 =	sadd.s32 $0x168, s3;
	[sflag:s19] =	ssyncadd.s32 $0xFFFFEC00  }
0x7d: {  	[tilespmem:s24], [sflag:$0x5] =	stream.indirect.gather [hbm4b:s4+s16], $0x80, s3, s16, $0xb8;
	[tilespmem:$0x1F300] =	vst v63  }
0x7e: {  	_ =	swait.ge [sflag:s25], $0x1400  }
0x7f: {  	[sflag:s25] =	ssyncset.done $0x0  }
0x80: {  	s21 =	simm.s32 $0x4DC8;
	[sflag:s25] =	ssyncadd.s32 $0xFFFFEC00  }
0x81: {  	[spmem:s2] =	stream.indirect.scatter.add.f32 [tilespmem:s17], [sflag:$0x6], $0x80, s21, s16, $0xb8;
	[tilespmem:$0x1F300] =	vst v63  }
0x82: {  	_ =	swait.ge [sflag:s26], $0x1400  }
0x83: {  	[sflag:s26] =	ssyncset.done $0x0  }
0x84: {  	s5 =	simm.s32 $0x4DF0;
	[sflag:s26] =	ssyncadd.s32 $0xFFFFEC00  }
0x85: {  	[spmem:s2] =	stream.indirect.scatter.add.f32 [tilespmem:s18], [sflag:$0x7], $0x80, s5, s16, $0xb8;
	[tilespmem:$0x1F300] =	vst v63  }
0x86: {  	_ =	swait.ge [sflag:s28], $0x1400  }
0x87: {  	[sflag:s28] =	ssyncset.done $0x0  }
0x88: {  	s21 =	simm.s32 $0x4E18;
	[sflag:s28] =	ssyncadd.s32 $0xFFFFEC00  }
0x89: {  	[spmem:s2] =	stream.indirect.scatter.add.f32 [tilespmem:s20], [sflag:$0x8], $0x80, s21, s16, $0xb8;
	[tilespmem:$0x1F300] =	vst v63  }
0x8a: {  	_ =	swait.ge [sflag:s29], $0x1400  }
0x8b: {  	[sflag:s29] =	ssyncset.done $0x0  }
0x8c: {  	s5 =	simm.s32 $0x4E40;
	[sflag:s29] =	ssyncadd.s32 $0xFFFFEC00  }
0x8d: {  	[spmem:s2] =	stream.indirect.scatter.add.f32 [tilespmem:s22], [sflag:$0x9], $0x80, s5, s16, $0xb8;
	[tilespmem:$0x1F300] =	vst v63  }
0x8e: {  	_ =	swait.ge [sflag:s30], $0x1400  }
0x8f: {  	[sflag:s30] =	ssyncset.done $0x0  }
0x90: {  	s21 =	simm.s32 $0x4E68;
	[sflag:s30] =	ssyncadd.s32 $0xFFFFEC00  }
0x91: {  	[spmem:s2] =	stream.indirect.scatter.add.f32 [tilespmem:s24], [sflag:$0xA], $0x80, s21, s16, $0xb8;
	[tilespmem:$0x1F300] =	vst v63  }
0x92: {  	_ =	swait.ge [sflag:s31], $0x1400  }
0x93: {  	[sflag:s31] =	ssyncset.done $0x0  }
0x94: {  	[sflag:s31] =	ssyncadd.s32 $0xFFFFEC00  }
0x95: {  	_ =	swait.ge [sflag:s1], $0x1400  }
0x96: {  	[sflag:s1] =	ssyncset.done $0x0  }
0x97: {  	[sflag:s1] =	ssyncadd.s32 $0xFFFFEC00  }
0x98: {  	_ =	swait.ge [sflag:s0], $0x1400  }
0x99: {  	[sflag:s0] =	ssyncset.done $0x0  }
0x9a: {  	[sflag:s0] =	ssyncadd.s32 $0xFFFFEC00  }
0x9b: {  	_ =	swait.ge [sflag:s13], $0x1400  }
0x9c: {  	[sflag:s13] =	ssyncset.done $0x0  }
0x9d: {  	[sflag:s13] =	ssyncadd.s32 $0xFFFFEC00  }
0x9e: {  	_ =	swait.ge [sflag:s19], $0x1400  }
0x9f: {  	s23 =	sadd.s32 $0x1, s23;
	[sflag:s19] =	ssyncset.done $0x0  }
0xa0: {  	p0 =	sne.s32 s23, s9;
	[sflag:s19] =	ssyncadd.s32 $0xFFFFEC00  }
.Ltmp1:
0xa1: {  	[bflag:$0x0] =	sbarrier.arrive $0xFFFF;
	(pc) =	sbr.rel @p0 .LBB2_1-.Ltmp1, $4  }
0xa2: {  	[hbm:s8], [sflag:s14] =	dma.local [spmem:s15], $0x2800  }
0xa3: {  	_ =	swait.ge [sflag:s12], $0x2800  }
0xa4: {  	[sflag:s12] =	ssyncset.done $0x0  }
0xa5: {  	[sflag:s12] =	ssyncadd.s32 $0xFFFFD800  }
0xa6: {  	_ =	sfence.sel $0x180000  }
0xa7: {  	[bflag:$0x0] =	sbarrier.arrive $0xFFFF  }
0xa8: {  	_ =	strace $0x9000004A  }
0xa9: {  	s0 =	stileid.u32;
	[bflag:$0x2] =	sbarrier.arrive $0xFFFF  }
0xaa: {  	p0 =	sne.s32 s0, $0x0;
	s0 =	rddreg [dreg:$0x2]  }
0xab: {  	s0 =	sadd.s32 @!p0 $0x100000, s0  }
0xac: {  	[sflag:s0] =	ssyncadd.tile.s32 @!p0 $0x1;
	_ =	shalt  }
.Lfunc_end2:
_tile_overlayer_lowered:
.L_overlay_start_2:
0xad: {  	(tag) =	ssettag $0x2  }
0xae: {  	s0 =	rddreg [dreg:$0x0];
	s2 =	stileid.u32  }
0xaf: {  	s1 =	rddreg [dreg:$0x1];
	p0 =	sne.s32 s2, $0x0  }
0xb0: {  	s3 =	rddreg [dreg:$0x2];
	[bflag:$0x3] =	sbarrier.arrive $0xFFFF;
	s2 =	simm.s32 @!p0 $0x1C0B  }
0xb1: {  	[timem:s3], [sflag:s2] =	dma.local @!p0 [hbm:s0], s1  }
0xb2: {  	s0 =	simm.s32 @!p0 $0xB  }
0xb3: {  	_ =	swait.ge @!p0 [sflag:s0], s1  }
0xb4: {  	s1 =	ssub.s32 @!p0 $0x0, s1;
	[sflag:s0] =	ssyncset.done @!p0 $0x0  }
0xb5: {  	[sflag:s0] =	ssyncadd.s32 @!p0 s1  }
0xb6: {  	[bflag:$0x3] =	sbarrier.arrive $0xFFFF  }
0xb7: {  	_ =	shalt  }

// kernel: kernel.15.cloned.1.call-start
scs
__scs_entry_jumppad:
0x0: {  	(pc) =	sbr.rel $0x88, $3  }
0x1: {  	(tag) =	ssettag $0x0;
	lr =	simm.s32 $0x1  }
0x2: {  	[smem:$0x3F90] =	sst lr;
	_ =	strace $0xD0000000  }
0x3: {  	_ = 	snop  }
0x4: {  	_ = 	snop  }
0x5: {  	_ = 	snop  }
0x6: {  	_ = 	snop  }
0x7: {  	_ = 	snop  }
__scs_overlays_trampoline_lowered:
0x8: {  	[smem:$0x3F9F] =	sst s0  }
0x9: {  	[smem:$0x3FA0] =	sst s1  }
0xa: {  	[smem:$0x3FA1] =	sst s2  }
0xb: {  	[smem:$0x3FA2] =	sst s3  }
0xc: {  	[smem:$0x3FA3] =	sst s4  }
0xd: {  	[smem:$0x3FA4] =	sst s5  }
0xe: {  	[smem:$0x3FA5] =	sst s6  }
0xf: {  	[smem:$0x3FA6] =	sst s7  }
0x10: {  	[smem:$0x3FA7] =	sst s8  }
0x11: {  	[smem:$0x3FA8] =	sst s9;
	s0 =	simm.s32 @!p0 $0x0  }
0x12: {  	s1 =	sld [smem:$0x3F8E];
	s0 =	simm.s32 @p0 $0x1  }
0x13: {  	[smem:$0x3FA9] =	sst s0;
	s0 =	simm.s32 @!p1 $0x0  }
0x14: {  	s2 =	sld [smem:$0x3F8D];
	s0 =	simm.s32 @p1 $0x1  }
0x15: {  	[smem:$0x3FAA] =	sst s0;
	s0 =	simm.s32 @!p2 $0x0  }
0x16: {  	s3 =	sld [smem:$0x3FDB];
	s0 =	simm.s32 @p2 $0x1  }
0x17: {  	s4 =	simm.s32 $0x1BF5;
	[smem:$0x3FAC] =	sst s0  }
0x18: {  	s0 =	sld [smem:$0x3F8F];
	_ =	swait.ge [sflag:s4], $0x0  }
0x19: {  	s7 =	sld [smem:$0x3F90]  }
0x1a: {  	s8 =	sadd.s32 $0xFFFFE003, lr  }
0x1b: {  	s9 =	sadd.s32 $0xFFFFFEF7, lr;
	s5 =	simm.s32 $0xFFFFFFFF;
	p2 =	slt.u32 s8, $0xFFFFF086  }
0x1c: {  	p1 =	slt.u32 s9, $0xF7A;
	s5 =	simm.s32 @!p2 $0x0  }
0x1d: {  	s5 =	simm.s32 @p1 $0x1;
	p0 =	seq.s32 s7, s2  }
0x1e: {  	s7 =	smul.u32 @!p0 $0xF7A, s2;
	p2 =	seq.s32 @!p0 s5, $0x0  }
0x1f: {  	s9 =	smul.u32 $0xF7A, s1;
	s8 =	simm.s32 @!p0 $0x1BF5;
	p2 =	por !p2, p0  }
0x20: {  	[sflag:s8] =	ssyncset.s32 @!p0 $0xFFFFF086;
	s6 =	sadd.s32 @!p0 s3, s7;
	s7 =	simm.s32 @!p0 $0x108  }
0x21: {  	s3 =	sadd.s32 s3, s9;
	s6 =	sadd.s32 @!p0 $0x88, s6;
	s7 =	simm.s32 @p2 $0x1082  }
0x22: {  	[simem:s7], [sflag:s8] =	dma.local @!p0 [hbm:s6], $0xF7A  }
0x23: {  	s9 =	sor.u32 $0xD0000000, s2;
	s6 =	simm.s32 $0x108;
	_ =	swait.ge @!p0 [sflag:s8], $0x0  }
0x24: {  	s3 =	sadd.s32 $0x88, s3;
	s6 =	simm.s32 @!p1 $0x1082;
	[sflag:s4] =	ssyncset.s32 $0xFFFFF086  }
0x25: {  	[simem:s6], [sflag:s4] =	dma.local [hbm:s3], $0xF7A  }
0x26: {  	[smem:$0x3F90] =	sst s1;
	(tag) =	ssettag s2;
	_ =	strace s9  }
0x27: {  	s1 =	sld [smem:$0x3FA0]  }
0x28: {  	s2 =	sld [smem:$0x3FA1]  }
0x29: {  	s4 =	sld [smem:$0x3FA3]  }
0x2a: {  	p0 =	seq.s32 s5, $0x0;
	s5 =	sld [smem:$0x3FA4]  }
0x2b: {  	s6 =	sld [smem:$0x3FA5]  }
0x2c: {  	s7 =	sld [smem:$0x3FA6]  }
0x2d: {  	s3 =	simm.s32 $0x108;
	s8 =	sld [smem:$0x3FA7]  }
0x2e: {  	s3 =	simm.s32 @!p0 $0x1082;
	s9 =	sld [smem:$0x3FA8]  }
0x2f: {  	lr =	sadd.s32 s0, s3;
	s0 =	sld [smem:$0x3F9F]  }
0x30: {  	s3 =	sld [smem:$0x3FA2]  }
0x31: {  	[smem:$0x3FAB] =	sst s10  }
0x32: {  	s10 =	sld [smem:$0x3FA9];
	_ =	sdelay $0x3  }
0x33: {  	p0 =	seq.s32 s10, $0x1;
	s10 =	sld [smem:$0x3FAB];
	_ =	sdelay $0x3  }
0x34: {  	[smem:$0x3FAB] =	sst s10  }
0x35: {  	s10 =	sld [smem:$0x3FAA];
	_ =	sdelay $0x3  }
0x36: {  	p1 =	seq.s32 s10, $0x1;
	s10 =	sld [smem:$0x3FAB];
	_ =	sdelay $0x3  }
0x37: {  	[smem:$0x3FAB] =	sst s10  }
0x38: {  	s10 =	sld [smem:$0x3FAC]  }
0x39: {  	_ = 	snop;
	(pc) =	sbr.ind lr, $3  }
0x3a: {  	_ = 	snop  }
0x3b: {  	_ = 	snop  }
0x3c: {  	p2 =	seq.s32 s10, $0x1;
	s10 =	sld [smem:$0x3FAB]  }
0x3d: {  	_ =	shalt  }
0x3e: {  	_ =	shalt  }
0x3f: {  	_ =	shalt  }
0x40: {  	_ =	shalt  }
0x41: {  	_ =	shalt  }
0x42: {  	_ =	shalt  }
0x43: {  	_ =	shalt  }
0x44: {  	_ =	shalt  }
0x45: {  	_ =	shalt  }
0x46: {  	_ =	shalt  }
0x47: {  	_ =	shalt  }
0x48: {  	_ =	shalt  }
0x49: {  	_ =	shalt  }
0x4a: {  	_ =	shalt  }
0x4b: {  	_ =	shalt  }
0x4c: {  	_ =	shalt  }
0x4d: {  	_ =	shalt  }
0x4e: {  	_ =	shalt  }
0x4f: {  	_ =	shalt  }
0x50: {  	_ =	shalt  }
0x51: {  	_ =	shalt  }
0x52: {  	_ =	shalt  }
0x53: {  	_ =	shalt  }
0x54: {  	_ =	shalt  }
0x55: {  	_ =	shalt  }
0x56: {  	_ =	shalt  }
0x57: {  	_ =	shalt  }
0x58: {  	_ =	shalt  }
0x59: {  	_ =	shalt  }
0x5a: {  	_ =	shalt  }
0x5b: {  	_ =	shalt  }
0x5c: {  	_ =	shalt  }
0x5d: {  	_ =	shalt  }
0x5e: {  	_ =	shalt  }
0x5f: {  	_ =	shalt  }
0x60: {  	_ =	shalt  }
0x61: {  	_ =	shalt  }
0x62: {  	_ =	shalt  }
0x63: {  	_ =	shalt  }
0x64: {  	_ =	shalt  }
0x65: {  	_ =	shalt  }
0x66: {  	_ =	shalt  }
0x67: {  	_ =	shalt  }
0x68: {  	_ =	shalt  }
0x69: {  	_ =	shalt  }
0x6a: {  	_ =	shalt  }
0x6b: {  	_ =	shalt  }
0x6c: {  	_ =	shalt  }
0x6d: {  	_ =	shalt  }
0x6e: {  	_ =	shalt  }
0x6f: {  	_ =	shalt  }
0x70: {  	_ =	shalt  }
0x71: {  	_ =	shalt  }
0x72: {  	_ =	shalt  }
0x73: {  	_ =	shalt  }
0x74: {  	_ =	shalt  }
0x75: {  	_ =	shalt  }
0x76: {  	_ =	shalt  }
0x77: {  	_ =	shalt  }
0x78: {  	_ =	shalt  }
0x79: {  	_ =	shalt  }
0x7a: {  	_ =	shalt  }
0x7b: {  	_ =	shalt  }
0x7c: {  	_ =	shalt  }
0x7d: {  	_ =	shalt  }
0x7e: {  	_ =	shalt  }
0x7f: {  	_ =	shalt  }
0x80: {  	_ =	shalt  }
0x81: {  	_ =	shalt  }
0x82: {  	_ =	shalt  }
0x83: {  	_ =	shalt  }
0x84: {  	_ =	shalt  }
0x85: {  	_ =	shalt  }
0x86: {  	_ =	shalt  }
0x87: {  	_ =	shalt  }
.Lfunc_end0:
.L_simem_size_0:
called_computation.2_lowered:
.L_overlay_start_0:
0x88: {  	s2 =	sld [smem:$0x3FD9]  }
0x89: {  	s3 =	sld [smem:$0x3FFE];
	_ =	sdelay $0x1  }
0x8a: {  	s1 =	srdreg.scid  }
0x8b: {  	s0 =	sand.u32 $0x1, s1  }
0x8c: {  	s16 =	sshll.u32 s0, $0xA;
	s2 =	sadd.s32 s3, s2  }
0x8d: {  	s2 =	sadd.s32 s2, s16  }
0x8e: {  	[smem:$0x3FB7] =	sst s2  }
0x8f: {  	_ = 	snop  }
0x90: {  	(tm) =	ssettm $0x1  }
0x91: {  	s17 =	sld [smem:$0x3FFB];
	_ =	sdelay $0x3  }
0x92: {  	_ =	strace s17  }
0x93: {  	s2 =	sld [smem:$0x3FFC];
	_ =	sdelay $0x3  }
0x94: {  	_ =	strace s2  }
0x95: {  	s2 =	sld [smem:$0x3FFD];
	_ =	sdelay $0x3  }
0x96: {  	_ =	strace s2  }
0x97: {  	_ =	strace $0x8FFFFFFF  }
0x98: {  	s18 =	sld [smem:$0x3FDB];
	_ =	sdelay $0x1  }
0x99: {  	s19 =	simm.s32 $_scs_section_size  }
0x9a: {  	s4 =	simm.s32 $_size__tile_overlayer_lowered;
	s5 =	simm.s32 $_tile_overlayer_lowered  }
0x9b: {  	s22 =	simm.s32 $0x1BFF;
	s21 =	sshll.u32 s5, $0x1;
	s2 =	sadd.s32 s19, s18  }
0x9c: {  	s6 =	simm.s32 $0x0;
	s20 =	sshll.u32 s4, $0x1;
	s4 =	sadd.s32 s21, s2  }
0x9d: {  	[timem:s6], [sflag:s22] =	dma.local [hbm:s4], s20  }
0x9e: {  	_ =	swait.ge [sflag:s22], s20  }
0x9f: {  	s3 =	ssub.s32 $0x0, s20;
	[sflag:s22] =	ssyncset.done $0x0  }
0xa0: {  	[sflag:s22] =	ssyncadd.s32 s3;
	_ =	sdelay $0x1  }
0xa1: {  	s23 =	simm.s32 $0x1B8B  }
0xa2: {  	_ =	swait.ge [sflag:s23], $0x1  }
0xa3: {  	[sflag:s23] =	ssyncset.done $0x0  }
0xa4: {  	s25 =	simm.s32 $0x1B8E;
	s24 =	sld [smem:$0x3FFE];
	[sflag:s23] =	ssyncadd.s32 $0xFFFFFFFF  }
0xa5: {  	s26 =	simm.s32 $execute0_lowered;
	[smem:$0x3FD2] =	sst s25  }
0xa6: {  	s4 =	sshll.u32 s26, $0x1;
	_ =	strace $0x8000004C;
	[dreg:$0x1] =	wrdreg $0xFFFFFFFF  }
0xa7: {  	s28 =	simm.s32 $_size_execute0_lowered;
	s2 =	sadd.s32 s2, s4;
	[dreg:$0x0] =	wrdreg $0x0  }
0xa8: {  	s4 =	sshll.u32 s28, $0x1;
	[dreg:$0x2] =	wrdreg s2  }
0xa9: {  	[dreg:$0x3] =	wrdreg s4  }
0xaa: {  	[dreg:$0x4] =	wrdreg $0xC0  }
0xab: {  	_ =	task [dreg:s6], $0x5FFFF  }
0xac: {  	[dreg:$0x1] =	wrdreg $0xFFFFFFFF  }
0xad: {  	[dreg:$0x0] =	wrdreg $0x60  }
0xae: {  	[dreg:$0x2] =	wrdreg s24  }
0xaf: {  	[dreg:$0x3] =	wrdreg $0xB3000  }
0xb0: {  	[dreg:$0x4] =	wrdreg $0x9  }
0xb1: {  	_ =	task.clear_ibuf [dreg:s6], $0x5FFFF;
	_ =	strace $0x9000004C  }
0xb2: {  	s29 =	simm.s32 $0x9;
	_ =	strace $0x8000004E  }
0xb3: {  	_ =	swait.ge [sflag:s29], $0x1  }
0xb4: {  	[sflag:s29] =	ssyncadd.s32 $0xFFFFFFFF  }
0xb5: {  	_ =	strace $0x9000004E  }
0xb6: {  	_ =	sfence  }
0xb7: {  	s30 =	sld [smem:$0x0];
	_ =	sdelay $0x2  }
0xb8: {  	s31 =	sshll.u32 s1, $0xD;
	s1 =	sshrl.u32 s1, $0x2  }
0xb9: {  	s3 =	sand.u32 $0x4000, s31;
	s1 =	sadd.s32 s1, s30  }
0xba: {  	s0 =	sor.u32 s3, s0;
	s1 =	sshll.u32 s1, $0x11  }
0xbb: {  	s0 =	sor.u32 s1, s0  }
0xbc: {  	s0 =	sadd.s32 $0x8F2B, s0  }
0xbd: {  	[sflag:s0] =	ssyncadd.remote.s32 $0x1  }
0xbe: {  	_ =	sfence.sel $0xFFFF  }
0xbf: {  	[dreg:$0x0] =	wrdreg $0xFFFFFFFF;
	(pc) =	sbr.abs _section_cstart, $3  }
0xc0: {  	[dreg:$0x1] =	wrdreg $0xFFFFFFFF  }
0xc1: {  	_ =	task.clear_ibuf [dreg:s6], $0x2FFFF;
	_ =	strace $0x9FFFFFFF  }
0xc2: {  	(tm) =	ssettm $0x7FFFFFFF  }
0xc3: {  	_ =	shalt  }
tec
execute0_lowered:
.L_overlay_start_1:
0x0: {  	(tag) =	ssettag $0x1  }
0x1: {  	s0 =	srdreg.scid  }
0x2: {  	s13 =	stileid.u32;
	s3 =	rddreg [dreg:$0x0]  }
0x3: {  	s2 =	rddreg [dreg:$0x1];
	s6 =	simm.s32 $0x0;
	s10 =	simm.s32 $0x80  }
0x4: {  	s11 =	simm.s32 $0x400;
	s12 =	simm.s32 $0xB;
	s16 =	simm.s32 $0x28  }
0x5: {  	s17 =	simm.s32 $0x4F00;
	s18 =	simm.s32 $0x6300;
	s20 =	simm.s32 $0x7700  }
0x6: {  	s28 =	simm.s32 $0x3;
	s29 =	simm.s32 $0x4;
	s30 =	simm.s32 $0x5  }
0x7: {  	s31 =	simm.s32 $0x6;
	s19 =	simm.s32 $0xA;
	s0 =	sand.u32 $0x1, s0  }
0x8: {  	s4 =	sshll.u32 s13, $0x7;
	s5 =	smul.u32 $0x14000, s13;
	[smem:$0x7FF] =	sst s6  }
0x9: {  	s8 =	smul.u32 $0x50000, s13;
	s26 =	sshll.u32 s13, $0x6;
	s1 =	sshll.u32 s0, $0x4  }
0xa: {  	s4 =	sand.u32 $0x380, s4;
	s22 =	smul.u32 $0x140000, s0;
	_ =	strace $0x8000004D  }
0xb: {  	s0 =	ssub.s32 $0x2, s0;
	s14 =	sor.u32 $0x1C0B, s26;
	s26 =	simm.s32 $0x2  }
0xc: {  	s1 =	sor.u32 s13, s1;
	s7 =	sshrl.u32 s5, $0x3;
	s23 =	sshrl.u32 s0, $0x1  }
0xd: {  	s25 =	sshrl.u32 s8, $0x2;
	s13 =	simm.s32 $0x9;
	s1 =	sshrl.u32 s1, $0x3  }
0xe: {  	s5 =	sadd.s32 s5, s22;
	s7 =	sadd.s32 s7, s3;
	s1 =	smul.u32 $0x13C00, s1  }
0xf: {  	s0 =	ssub.s32 s0, s23;
	s22 =	simm.s32 $0x8B00;
	s23 =	simm.s32 $0x0  }
0x10: {  	s5 =	sshrl.u32 s5, $0x3;
	s7 =	sadd.s32 $0xCC00, s7;
	s1 =	sor.u32 s4, s1  }
0x11: {  	s9 =	smax.u32 s0, $0x1;
	s0 =	simm.s32 $0x8;
	s1 =	sshrl.u32 s1, $0x3  }
0x12: {  	s4 =	sadd.s32 $0x34C00, s3;
	s1 =	sadd.s32 s1, s3;
	s3 =	sadd.s32 s5, s3  }
0x13: {  	s24 =	sadd.s32 $0xACE00, s1;
	s6 =	sadd.s32 $0x2E00, s1;
	s1 =	sadd.s32 s25, s2  }
0x14: {  	s8 =	sadd.s32 $0x5CC00, s3;
	s25 =	simm.s32 $0x1;
	[dreg:$0x3] =	wrdreg s24  }
0x15: {  	s15 =	sshrl.u32 s1, $0x3;
	s24 =	simm.s32 $0x9F00;
	s1 =	simm.s32 $0x7  }
.LBB2_1:
0x16: {  	s3 =	simm.s32 $0x0;
	s5 =	rddreg [dreg:$0x3]  }
0x17: {  	[tilespmem:s3], [sflag:$0xB] =	stream.strided.gather [hbm4b:s5+s10], $0x2780, s11, s10, $0x38;
	[tilespmem:$0x1F300] =	vst v63  }
0x18: {  	_ =	swait.ge [sflag:s12], $0x2780  }
0x19: {  	[sflag:s12] =	ssyncset.done $0x0  }
0x1a: {  	s21 =	simm.s32 $0x2780;
	[sflag:s12] =	ssyncadd.s32 $0xFFFFD880  }
0x1b: {  	[tilespmem:s21], [sflag:$0xB] =	stream.strided.gather [hbm4b:s6+s10], $0x2780, s11, s10, $0x38;
	[tilespmem:$0x1F300] =	vst v63  }
0x1c: {  	_ =	swait.ge [sflag:s12], $0x2780  }
0x1d: {  	[sflag:s12] =	ssyncset.done $0x0  }
0x1e: {  	[sflag:s12] =	ssyncadd.s32 $0xFFFFD880  }
0x1f: {  	[spmem:s15], [sflag:s14] =	dma.local [hbm:s7], $0x2800  }
0x20: {  	_ =	swait.ge [sflag:s12], $0x2800  }
0x21: {  	[sflag:s12] =	ssyncset.done $0x0  }
0x22: {  	[sflag:s12] =	ssyncadd.s32 $0xFFFFD800  }
0x23: {  	[bflag:$0x0] =	sbarrier.arrive $0xFFFF  }
0x24: {  	[tilespmem:s17], [sflag:$0x1] =	stream.indirect.gather [hbm4b:s4+s16], $0x80, s3, s16, $0xb8;
	[tilespmem:$0x1F300] =	vst v63  }
0x25: {  	_ = 	snop  }
0x26: {  	[tilespmem:s18], [sflag:$0x2] =	stream.indirect.gather [hbm4b:s4+s16], $0x80, s16, s16, $0xb8;
	[tilespmem:$0x1F300] =	vst v63  }
0x27: {  	s5 =	simm.s32 $0x50  }
0x28: {  	[tilespmem:s20], [sflag:$0x3] =	stream.indirect.gather [hbm4b:s4+s16], $0x80, s5, s16, $0xb8;
	[tilespmem:$0x1F300] =	vst v63  }
0x29: {  	s21 =	simm.s32 $0x78  }
0x2a: {  	[tilespmem:s22], [sflag:$0x4] =	stream.indirect.gather [hbm4b:s4+s16], $0x80, s21, s16, $0xb8;
	[tilespmem:$0x1F300] =	vst v63  }
0x2b: {  	s5 =	simm.s32 $0xA0  }
0x2c: {  	[tilespmem:s24], [sflag:$0x5] =	stream.indirect.gather [hbm4b:s4+s16], $0x80, s5, s16, $0xb8;
	[tilespmem:$0x1F300] =	vst v63  }
0x2d: {  	_ =	swait.ge [sflag:s25], $0x1400  }
0x2e: {  	[sflag:s25] =	ssyncset.done $0x0  }
0x2f: {  	s21 =	simm.s32 $0x2780;
	[sflag:s25] =	ssyncadd.s32 $0xFFFFEC00  }
0x30: {  	[spmem:s2] =	stream.indirect.scatter.add.f32 [tilespmem:s17], [sflag:$0x6], $0x80, s21, s16, $0xb8;
	[tilespmem:$0x1F300] =	vst v63  }
0x31: {  	_ =	swait.ge [sflag:s26], $0x1400  }
0x32: {  	[sflag:s26] =	ssyncset.done $0x0  }
0x33: {  	s5 =	simm.s32 $0x27A8;
	[sflag:s26] =	ssyncadd.s32 $0xFFFFEC00  }
0x34: {  	[spmem:s2] =	stream.indirect.scatter.add.f32 [tilespmem:s18], [sflag:$0x7], $0x80, s5, s16, $0xb8;
	[tilespmem:$0x1F300] =	vst v63  }
0x35: {  	_ =	swait.ge [sflag:s28], $0x1400  }
0x36: {  	[sflag:s28] =	ssyncset.done $0x0  }
0x37: {  	s21 =	simm.s32 $0x27D0;
	[sflag:s28] =	ssyncadd.s32 $0xFFFFEC00  }
0x38: {  	[spmem:s2] =	stream.indirect.scatter.add.f32 [tilespmem:s20], [sflag:$0x8], $0x80, s21, s16, $0xb8;
	[tilespmem:$0x1F300] =	vst v63  }
0x39: {  	_ =	swait.ge [sflag:s29], $0x1400  }
0x3a: {  	[sflag:s29] =	ssyncset.done $0x0  }
0x3b: {  	s5 =	simm.s32 $0x27F8;
	[sflag:s29] =	ssyncadd.s32 $0xFFFFEC00  }
0x3c: {  	[spmem:s2] =	stream.indirect.scatter.add.f32 [tilespmem:s22], [sflag:$0x9], $0x80, s5, s16, $0xb8;
	[tilespmem:$0x1F300] =	vst v63  }
0x3d: {  	_ =	swait.ge [sflag:s30], $0x1400  }
0x3e: {  	[sflag:s30] =	ssyncset.done $0x0  }
0x3f: {  	s21 =	simm.s32 $0x2820;
	[sflag:s30] =	ssyncadd.s32 $0xFFFFEC00  }
0x40: {  	[spmem:s2] =	stream.indirect.scatter.add.f32 [tilespmem:s24], [sflag:$0xA], $0x80, s21, s16, $0xb8;
	[tilespmem:$0x1F300] =	vst v63  }
0x41: {  	_ =	swait.ge [sflag:s31], $0x1400  }
0x42: {  	[sflag:s31] =	ssyncset.done $0x0  }
0x43: {  	s5 =	simm.s32 $0xC8;
	[sflag:s31] =	ssyncadd.s32 $0xFFFFEC00  }
0x44: {  	[tilespmem:s17], [sflag:$0x1] =	stream.indirect.gather [hbm4b:s4+s16], $0x80, s5, s16, $0xb8;
	[tilespmem:$0x1F300] =	vst v63  }
0x45: {  	_ =	swait.ge [sflag:s1], $0x1400  }
0x46: {  	[sflag:s1] =	ssyncset.done $0x0  }
0x47: {  	s21 =	simm.s32 $0xF0;
	[sflag:s1] =	ssyncadd.s32 $0xFFFFEC00  }
0x48: {  	[tilespmem:s18], [sflag:$0x2] =	stream.indirect.gather [hbm4b:s4+s16], $0x80, s21, s16, $0xb8;
	[tilespmem:$0x1F300] =	vst v63  }
0x49: {  	_ =	swait.ge [sflag:s0], $0x1400  }
0x4a: {  	[sflag:s0] =	ssyncset.done $0x0  }
0x4b: {  	s5 =	simm.s32 $0x118;
	[sflag:s0] =	ssyncadd.s32 $0xFFFFEC00  }
0x4c: {  	[tilespmem:s20], [sflag:$0x3] =	stream.indirect.gather [hbm4b:s4+s16], $0x80, s5, s16, $0xb8;
	[tilespmem:$0x1F300] =	vst v63  }
0x4d: {  	_ =	swait.ge [sflag:s13], $0x1400  }
0x4e: {  	[sflag:s13] =	ssyncset.done $0x0  }
0x4f: {  	s21 =	simm.s32 $0x140;
	[sflag:s13] =	ssyncadd.s32 $0xFFFFEC00  }
0x50: {  	[tilespmem:s22], [sflag:$0x4] =	stream.indirect.gather [hbm4b:s4+s16], $0x80, s21, s16, $0xb8;
	[tilespmem:$0x1F300] =	vst v63  }
0x51: {  	_ =	swait.ge [sflag:s19], $0x1400  }
0x52: {  	[sflag:s19] =	ssyncset.done $0x0  }
0x53: {  	s3 =	simm.s32 $0x168;
	s21 =	simm.s32 $0x320;
	[sflag:s19] =	ssyncadd.s32 $0xFFFFEC00  }
.LBB2_2:
0x54: {  	[tilespmem:s24], [sflag:$0x5] =	stream.indirect.gather [hbm4b:s4+s16], $0x80, s3, s16, $0xb8;
	[tilespmem:$0x1F300] =	vst v63  }
0x55: {  	s3 =	smov.u32 s21  }
0x56: {  	p0 =	sne.s32 s21, $0x9600;
	s21 =	sadd.s32 $0x320, s21;
	_ =	swait.ge [sflag:s25], $0x1400  }
0x57: {  	s3 =	sshra.s32 s3, $0x2;
	[sflag:s25] =	ssyncset.done $0x0  }
0x58: {  	s5 =	sadd.s32 $0x2780, s3;
	[sflag:s25] =	ssyncadd.s32 $0xFFFFEC00  }
0x59: {  	[spmem:s2] =	stream.indirect.scatter.add.f32 [tilespmem:s17], [sflag:$0x6], $0x80, s5, s16, $0xb8;
	[tilespmem:$0x1F300] =	vst v63  }
0x5a: {  	_ =	swait.ge [sflag:s26], $0x1400  }
0x5b: {  	[sflag:s26] =	ssyncset.done $0x0  }
0x5c: {  	s5 =	sadd.s32 $0x27A8, s3;
	[sflag:s26] =	ssyncadd.s32 $0xFFFFEC00  }
0x5d: {  	[spmem:s2] =	stream.indirect.scatter.add.f32 [tilespmem:s18], [sflag:$0x7], $0x80, s5, s16, $0xb8;
	[tilespmem:$0x1F300] =	vst v63  }
0x5e: {  	_ =	swait.ge [sflag:s28], $0x1400  }
0x5f: {  	[sflag:s28] =	ssyncset.done $0x0  }
0x60: {  	s5 =	sadd.s32 $0x27D0, s3;
	[sflag:s28] =	ssyncadd.s32 $0xFFFFEC00  }
0x61: {  	[spmem:s2] =	stream.indirect.scatter.add.f32 [tilespmem:s20], [sflag:$0x8], $0x80, s5, s16, $0xb8;
	[tilespmem:$0x1F300] =	vst v63  }
0x62: {  	_ =	swait.ge [sflag:s29], $0x1400  }
0x63: {  	[sflag:s29] =	ssyncset.done $0x0  }
0x64: {  	s5 =	sadd.s32 $0x27F8, s3;
	[sflag:s29] =	ssyncadd.s32 $0xFFFFEC00  }
0x65: {  	[spmem:s2] =	stream.indirect.scatter.add.f32 [tilespmem:s22], [sflag:$0x9], $0x80, s5, s16, $0xb8;
	[tilespmem:$0x1F300] =	vst v63  }
0x66: {  	_ =	swait.ge [sflag:s30], $0x1400  }
0x67: {  	[sflag:s30] =	ssyncset.done $0x0  }
0x68: {  	s5 =	sadd.s32 $0x2820, s3;
	[sflag:s30] =	ssyncadd.s32 $0xFFFFEC00  }
0x69: {  	[spmem:s2] =	stream.indirect.scatter.add.f32 [tilespmem:s24], [sflag:$0xA], $0x80, s5, s16, $0xb8;
	[tilespmem:$0x1F300] =	vst v63  }
0x6a: {  	_ =	swait.ge [sflag:s31], $0x1400  }
0x6b: {  	[sflag:s31] =	ssyncset.done $0x0  }
0x6c: {  	s5 =	sadd.s32 $0xC8, s3;
	[sflag:s31] =	ssyncadd.s32 $0xFFFFEC00  }
0x6d: {  	[tilespmem:s17], [sflag:$0x1] =	stream.indirect.gather [hbm4b:s4+s16], $0x80, s5, s16, $0xb8;
	[tilespmem:$0x1F300] =	vst v63  }
0x6e: {  	_ =	swait.ge [sflag:s1], $0x1400  }
0x6f: {  	[sflag:s1] =	ssyncset.done $0x0  }
0x70: {  	s5 =	sadd.s32 $0xF0, s3;
	[sflag:s1] =	ssyncadd.s32 $0xFFFFEC00  }
0x71: {  	[tilespmem:s18], [sflag:$0x2] =	stream.indirect.gather [hbm4b:s4+s16], $0x80, s5, s16, $0xb8;
	[tilespmem:$0x1F300] =	vst v63  }
0x72: {  	_ =	swait.ge [sflag:s0], $0x1400  }
0x73: {  	[sflag:s0] =	ssyncset.done $0x0  }
0x74: {  	s5 =	sadd.s32 $0x118, s3;
	[sflag:s0] =	ssyncadd.s32 $0xFFFFEC00  }
0x75: {  	[tilespmem:s20], [sflag:$0x3] =	stream.indirect.gather [hbm4b:s4+s16], $0x80, s5, s16, $0xb8;
	[tilespmem:$0x1F300] =	vst v63  }
0x76: {  	_ =	swait.ge [sflag:s13], $0x1400  }
0x77: {  	[sflag:s13] =	ssyncset.done $0x0  }
.Ltmp0:
0x78: {  	s5 =	sadd.s32 $0x140, s3;
	[sflag:s13] =	ssyncadd.s32 $0xFFFFEC00;
	(pc) =	sbr.rel @p0 .LBB2_2-.Ltmp0, $4  }
0x79: {  	[tilespmem:s22], [sflag:$0x4] =	stream.indirect.gather [hbm4b:s4+s16], $0x80, s5, s16, $0xb8;
	[tilespmem:$0x1F300] =	vst v63  }
0x7a: {  	_ =	swait.ge [sflag:s19], $0x1400  }
0x7b: {  	[sflag:s19] =	ssyncset.done $0x0  }
0x7c: {  	s3 =	sadd.s32 $0x168, s3;
	[sflag:s19] =	ssyncadd.s32 $0xFFFFEC00  }
0x7d: {  	[tilespmem:s24], [sflag:$0x5] =	stream.indirect.gather [hbm4b:s4+s16], $0x80, s3, s16, $0xb8;
	[tilespmem:$0x1F300] =	vst v63  }
0x7e: {  	_ =	swait.ge [sflag:s25], $0x1400  }
0x7f: {  	[sflag:s25] =	ssyncset.done $0x0  }
0x80: {  	s21 =	simm.s32 $0x4DC8;
	[sflag:s25] =	ssyncadd.s32 $0xFFFFEC00  }
0x81: {  	[spmem:s2] =	stream.indirect.scatter.add.f32 [tilespmem:s17], [sflag:$0x6], $0x80, s21, s16, $0xb8;
	[tilespmem:$0x1F300] =	vst v63  }
0x82: {  	_ =	swait.ge [sflag:s26], $0x1400  }
0x83: {  	[sflag:s26] =	ssyncset.done $0x0  }
0x84: {  	s5 =	simm.s32 $0x4DF0;
	[sflag:s26] =	ssyncadd.s32 $0xFFFFEC00  }
0x85: {  	[spmem:s2] =	stream.indirect.scatter.add.f32 [tilespmem:s18], [sflag:$0x7], $0x80, s5, s16, $0xb8;
	[tilespmem:$0x1F300] =	vst v63  }
0x86: {  	_ =	swait.ge [sflag:s28], $0x1400  }
0x87: {  	[sflag:s28] =	ssyncset.done $0x0  }
0x88: {  	s21 =	simm.s32 $0x4E18;
	[sflag:s28] =	ssyncadd.s32 $0xFFFFEC00  }
0x89: {  	[spmem:s2] =	stream.indirect.scatter.add.f32 [tilespmem:s20], [sflag:$0x8], $0x80, s21, s16, $0xb8;
	[tilespmem:$0x1F300] =	vst v63  }
0x8a: {  	_ =	swait.ge [sflag:s29], $0x1400  }
0x8b: {  	[sflag:s29] =	ssyncset.done $0x0  }
0x8c: {  	s5 =	simm.s32 $0x4E40;
	[sflag:s29] =	ssyncadd.s32 $0xFFFFEC00  }
0x8d: {  	[spmem:s2] =	stream.indirect.scatter.add.f32 [tilespmem:s22], [sflag:$0x9], $0x80, s5, s16, $0xb8;
	[tilespmem:$0x1F300] =	vst v63  }
0x8e: {  	_ =	swait.ge [sflag:s30], $0x1400  }
0x8f: {  	[sflag:s30] =	ssyncset.done $0x0  }
0x90: {  	s21 =	simm.s32 $0x4E68;
	[sflag:s30] =	ssyncadd.s32 $0xFFFFEC00  }
0x91: {  	[spmem:s2] =	stream.indirect.scatter.add.f32 [tilespmem:s24], [sflag:$0xA], $0x80, s21, s16, $0xb8;
	[tilespmem:$0x1F300] =	vst v63  }
0x92: {  	_ =	swait.ge [sflag:s31], $0x1400  }
0x93: {  	[sflag:s31] =	ssyncset.done $0x0  }
0x94: {  	[sflag:s31] =	ssyncadd.s32 $0xFFFFEC00  }
0x95: {  	_ =	swait.ge [sflag:s1], $0x1400  }
0x96: {  	[sflag:s1] =	ssyncset.done $0x0  }
0x97: {  	[sflag:s1] =	ssyncadd.s32 $0xFFFFEC00  }
0x98: {  	_ =	swait.ge [sflag:s0], $0x1400  }
0x99: {  	[sflag:s0] =	ssyncset.done $0x0  }
0x9a: {  	[sflag:s0] =	ssyncadd.s32 $0xFFFFEC00  }
0x9b: {  	_ =	swait.ge [sflag:s13], $0x1400  }
0x9c: {  	[sflag:s13] =	ssyncset.done $0x0  }
0x9d: {  	[sflag:s13] =	ssyncadd.s32 $0xFFFFEC00  }
0x9e: {  	_ =	swait.ge [sflag:s19], $0x1400  }
0x9f: {  	s23 =	sadd.s32 $0x1, s23;
	[sflag:s19] =	ssyncset.done $0x0  }
0xa0: {  	p0 =	sne.s32 s23, s9;
	[sflag:s19] =	ssyncadd.s32 $0xFFFFEC00  }
.Ltmp1:
0xa1: {  	[bflag:$0x0] =	sbarrier.arrive $0xFFFF;
	(pc) =	sbr.rel @p0 .LBB2_1-.Ltmp1, $4  }
0xa2: {  	[hbm:s8], [sflag:s14] =	dma.local [spmem:s15], $0x2800  }
0xa3: {  	_ =	swait.ge [sflag:s12], $0x2800  }
0xa4: {  	[sflag:s12] =	ssyncset.done $0x0  }
0xa5: {  	[sflag:s12] =	ssyncadd.s32 $0xFFFFD800  }
0xa6: {  	_ =	sfence.sel $0x180000  }
0xa7: {  	[bflag:$0x0] =	sbarrier.arrive $0xFFFF  }
0xa8: {  	_ =	strace $0x9000004D  }
0xa9: {  	s0 =	stileid.u32;
	[bflag:$0x2] =	sbarrier.arrive $0xFFFF  }
0xaa: {  	p0 =	sne.s32 s0, $0x0;
	s0 =	rddreg [dreg:$0x2]  }
0xab: {  	s0 =	sadd.s32 @!p0 $0x100000, s0  }
0xac: {  	[sflag:s0] =	ssyncadd.tile.s32 @!p0 $0x1;
	_ =	shalt  }
.Lfunc_end2:
_tile_overlayer_lowered:
.L_overlay_start_2:
0xad: {  	(tag) =	ssettag $0x2  }
0xae: {  	s0 =	rddreg [dreg:$0x0];
	s2 =	stileid.u32  }
0xaf: {  	s1 =	rddreg [dreg:$0x1];
	p0 =	sne.s32 s2, $0x0  }
0xb0: {  	s3 =	rddreg [dreg:$0x2];
	[bflag:$0x3] =	sbarrier.arrive $0xFFFF;
	s2 =	simm.s32 @!p0 $0x1C0B  }
0xb1: {  	[timem:s3], [sflag:s2] =	dma.local @!p0 [hbm:s0], s1  }
0xb2: {  	s0 =	simm.s32 @!p0 $0xB  }
0xb3: {  	_ =	swait.ge @!p0 [sflag:s0], s1  }
0xb4: {  	s1 =	ssub.s32 @!p0 $0x0, s1;
	[sflag:s0] =	ssyncset.done @!p0 $0x0  }
0xb5: {  	[sflag:s0] =	ssyncadd.s32 @!p0 s1  }
0xb6: {  	[bflag:$0x3] =	sbarrier.arrive $0xFFFF  }
0xb7: {  	_ =	shalt  }

// kernel: kernel.9.cloned.1.call-start
scs
__scs_entry_jumppad:
0x0: {  	(pc) =	sbr.rel $0x88, $3  }
0x1: {  	(tag) =	ssettag $0x0;
	lr =	simm.s32 $0x1  }
0x2: {  	[smem:$0x3F90] =	sst lr;
	_ =	strace $0xD0000000  }
0x3: {  	_ = 	snop  }
0x4: {  	_ = 	snop  }
0x5: {  	_ = 	snop  }
0x6: {  	_ = 	snop  }
0x7: {  	_ = 	snop  }
__scs_overlays_trampoline_lowered:
0x8: {  	[smem:$0x3F9F] =	sst s0  }
0x9: {  	[smem:$0x3FA0] =	sst s1  }
0xa: {  	[smem:$0x3FA1] =	sst s2  }
0xb: {  	[smem:$0x3FA2] =	sst s3  }
0xc: {  	[smem:$0x3FA3] =	sst s4  }
0xd: {  	[smem:$0x3FA4] =	sst s5  }
0xe: {  	[smem:$0x3FA5] =	sst s6  }
0xf: {  	[smem:$0x3FA6] =	sst s7  }
0x10: {  	[smem:$0x3FA7] =	sst s8  }
0x11: {  	[smem:$0x3FA8] =	sst s9;
	s0 =	simm.s32 @!p0 $0x0  }
0x12: {  	s1 =	sld [smem:$0x3F8E];
	s0 =	simm.s32 @p0 $0x1  }
0x13: {  	[smem:$0x3FA9] =	sst s0;
	s0 =	simm.s32 @!p1 $0x0  }
0x14: {  	s2 =	sld [smem:$0x3F8D];
	s0 =	simm.s32 @p1 $0x1  }
0x15: {  	[smem:$0x3FAA] =	sst s0;
	s0 =	simm.s32 @!p2 $0x0  }
0x16: {  	s3 =	sld [smem:$0x3FDB];
	s0 =	simm.s32 @p2 $0x1  }
0x17: {  	s4 =	simm.s32 $0x1BF5;
	[smem:$0x3FAC] =	sst s0  }
0x18: {  	s0 =	sld [smem:$0x3F8F];
	_ =	swait.ge [sflag:s4], $0x0  }
0x19: {  	s7 =	sld [smem:$0x3F90]  }
0x1a: {  	s8 =	sadd.s32 $0xFFFFE003, lr  }
0x1b: {  	s9 =	sadd.s32 $0xFFFFFEF7, lr;
	s5 =	simm.s32 $0xFFFFFFFF;
	p2 =	slt.u32 s8, $0xFFFFF086  }
0x1c: {  	p1 =	slt.u32 s9, $0xF7A;
	s5 =	simm.s32 @!p2 $0x0  }
0x1d: {  	s5 =	simm.s32 @p1 $0x1;
	p0 =	seq.s32 s7, s2  }
0x1e: {  	s7 =	smul.u32 @!p0 $0xF7A, s2;
	p2 =	seq.s32 @!p0 s5, $0x0  }
0x1f: {  	s9 =	smul.u32 $0xF7A, s1;
	s8 =	simm.s32 @!p0 $0x1BF5;
	p2 =	por !p2, p0  }
0x20: {  	[sflag:s8] =	ssyncset.s32 @!p0 $0xFFFFF086;
	s6 =	sadd.s32 @!p0 s3, s7;
	s7 =	simm.s32 @!p0 $0x108  }
0x21: {  	s3 =	sadd.s32 s3, s9;
	s6 =	sadd.s32 @!p0 $0x88, s6;
	s7 =	simm.s32 @p2 $0x1082  }
0x22: {  	[simem:s7], [sflag:s8] =	dma.local @!p0 [hbm:s6], $0xF7A  }
0x23: {  	s9 =	sor.u32 $0xD0000000, s2;
	s6 =	simm.s32 $0x108;
	_ =	swait.ge @!p0 [sflag:s8], $0x0  }
0x24: {  	s3 =	sadd.s32 $0x88, s3;
	s6 =	simm.s32 @!p1 $0x1082;
	[sflag:s4] =	ssyncset.s32 $0xFFFFF086  }
0x25: {  	[simem:s6], [sflag:s4] =	dma.local [hbm:s3], $0xF7A  }
0x26: {  	[smem:$0x3F90] =	sst s1;
	(tag) =	ssettag s2;
	_ =	strace s9  }
0x27: {  	s1 =	sld [smem:$0x3FA0]  }
0x28: {  	s2 =	sld [smem:$0x3FA1]  }
0x29: {  	s4 =	sld [smem:$0x3FA3]  }
0x2a: {  	p0 =	seq.s32 s5, $0x0;
	s5 =	sld [smem:$0x3FA4]  }
0x2b: {  	s6 =	sld [smem:$0x3FA5]  }
0x2c: {  	s7 =	sld [smem:$0x3FA6]  }
0x2d: {  	s3 =	simm.s32 $0x108;
	s8 =	sld [smem:$0x3FA7]  }
0x2e: {  	s3 =	simm.s32 @!p0 $0x1082;
	s9 =	sld [smem:$0x3FA8]  }
0x2f: {  	lr =	sadd.s32 s0, s3;
	s0 =	sld [smem:$0x3F9F]  }
0x30: {  	s3 =	sld [smem:$0x3FA2]  }
0x31: {  	[smem:$0x3FAB] =	sst s10  }
0x32: {  	s10 =	sld [smem:$0x3FA9];
	_ =	sdelay $0x3  }
0x33: {  	p0 =	seq.s32 s10, $0x1;
	s10 =	sld [smem:$0x3FAB];
	_ =	sdelay $0x3  }
0x34: {  	[smem:$0x3FAB] =	sst s10  }
0x35: {  	s10 =	sld [smem:$0x3FAA];
	_ =	sdelay $0x3  }
0x36: {  	p1 =	seq.s32 s10, $0x1;
	s10 =	sld [smem:$0x3FAB];
	_ =	sdelay $0x3  }
0x37: {  	[smem:$0x3FAB] =	sst s10  }
0x38: {  	s10 =	sld [smem:$0x3FAC]  }
0x39: {  	_ = 	snop;
	(pc) =	sbr.ind lr, $3  }
0x3a: {  	_ = 	snop  }
0x3b: {  	_ = 	snop  }
0x3c: {  	p2 =	seq.s32 s10, $0x1;
	s10 =	sld [smem:$0x3FAB]  }
0x3d: {  	_ =	shalt  }
0x3e: {  	_ =	shalt  }
0x3f: {  	_ =	shalt  }
0x40: {  	_ =	shalt  }
0x41: {  	_ =	shalt  }
0x42: {  	_ =	shalt  }
0x43: {  	_ =	shalt  }
0x44: {  	_ =	shalt  }
0x45: {  	_ =	shalt  }
0x46: {  	_ =	shalt  }
0x47: {  	_ =	shalt  }
0x48: {  	_ =	shalt  }
0x49: {  	_ =	shalt  }
0x4a: {  	_ =	shalt  }
0x4b: {  	_ =	shalt  }
0x4c: {  	_ =	shalt  }
0x4d: {  	_ =	shalt  }
0x4e: {  	_ =	shalt  }
0x4f: {  	_ =	shalt  }
0x50: {  	_ =	shalt  }
0x51: {  	_ =	shalt  }
0x52: {  	_ =	shalt  }
0x53: {  	_ =	shalt  }
0x54: {  	_ =	shalt  }
0x55: {  	_ =	shalt  }
0x56: {  	_ =	shalt  }
0x57: {  	_ =	shalt  }
0x58: {  	_ =	shalt  }
0x59: {  	_ =	shalt  }
0x5a: {  	_ =	shalt  }
0x5b: {  	_ =	shalt  }
0x5c: {  	_ =	shalt  }
0x5d: {  	_ =	shalt  }
0x5e: {  	_ =	shalt  }
0x5f: {  	_ =	shalt  }
0x60: {  	_ =	shalt  }
0x61: {  	_ =	shalt  }
0x62: {  	_ =	shalt  }
0x63: {  	_ =	shalt  }
0x64: {  	_ =	shalt  }
0x65: {  	_ =	shalt  }
0x66: {  	_ =	shalt  }
0x67: {  	_ =	shalt  }
0x68: {  	_ =	shalt  }
0x69: {  	_ =	shalt  }
0x6a: {  	_ =	shalt  }
0x6b: {  	_ =	shalt  }
0x6c: {  	_ =	shalt  }
0x6d: {  	_ =	shalt  }
0x6e: {  	_ =	shalt  }
0x6f: {  	_ =	shalt  }
0x70: {  	_ =	shalt  }
0x71: {  	_ =	shalt  }
0x72: {  	_ =	shalt  }
0x73: {  	_ =	shalt  }
0x74: {  	_ =	shalt  }
0x75: {  	_ =	shalt  }
0x76: {  	_ =	shalt  }
0x77: {  	_ =	shalt  }
0x78: {  	_ =	shalt  }
0x79: {  	_ =	shalt  }
0x7a: {  	_ =	shalt  }
0x7b: {  	_ =	shalt  }
0x7c: {  	_ =	shalt  }
0x7d: {  	_ =	shalt  }
0x7e: {  	_ =	shalt  }
0x7f: {  	_ =	shalt  }
0x80: {  	_ =	shalt  }
0x81: {  	_ =	shalt  }
0x82: {  	_ =	shalt  }
0x83: {  	_ =	shalt  }
0x84: {  	_ =	shalt  }
0x85: {  	_ =	shalt  }
0x86: {  	_ =	shalt  }
0x87: {  	_ =	shalt  }
.Lfunc_end0:
.L_simem_size_0:
called_computation_lowered:
.L_overlay_start_0:
0x88: {  	s2 =	sld [smem:$0x3FD9]  }
0x89: {  	s3 =	sld [smem:$0x3FFE];
	_ =	sdelay $0x1  }
0x8a: {  	s1 =	srdreg.scid  }
0x8b: {  	s0 =	sand.u32 $0x1, s1  }
0x8c: {  	s17 =	sshll.u32 s0, $0xA;
	s2 =	sadd.s32 s3, s2  }
0x8d: {  	s2 =	sadd.s32 s2, s17  }
0x8e: {  	[smem:$0x3FB7] =	sst s2  }
0x8f: {  	_ = 	snop  }
0x90: {  	s2 =	sld [smem:$0x3FD0];
	(tm) =	ssettm $0x1  }
0x91: {  	s18 =	sld [smem:$0x3FFB];
	_ =	sdelay $0x3  }
0x92: {  	_ =	strace s18  }
0x93: {  	s3 =	sld [smem:$0x3FFC];
	_ =	sdelay $0x3  }
0x94: {  	_ =	strace s3  }
0x95: {  	s3 =	sld [smem:$0x3FFD];
	_ =	sdelay $0x3  }
0x96: {  	_ =	strace s3  }
0x97: {  	_ =	strace $0x8FFFFFFF  }
0x98: {  	s19 =	sld [smem:$0x3FDB];
	_ =	sdelay $0x1  }
0x99: {  	s4 =	simm.s32 $_scs_section_size  }
0x9a: {  	s5 =	simm.s32 $_size__tile_overlayer_lowered;
	s6 =	simm.s32 $_tile_overlayer_lowered  }
0x9b: {  	s22 =	simm.s32 $0x1BFF;
	s21 =	sshll.u32 s6, $0x1;
	s3 =	sadd.s32 s4, s19  }
0x9c: {  	s7 =	simm.s32 $0x0;
	s20 =	sshll.u32 s5, $0x1;
	s5 =	sadd.s32 s21, s3  }
0x9d: {  	[timem:s7], [sflag:s22] =	dma.local [hbm:s5], s20  }
0x9e: {  	_ =	swait.ge [sflag:s22], s20  }
0x9f: {  	s4 =	ssub.s32 $0x0, s20;
	[sflag:s22] =	ssyncset.done $0x0  }
0xa0: {  	[sflag:s22] =	ssyncadd.s32 s4;
	_ =	sdelay $0x1  }
0xa1: {  	s23 =	simm.s32 $0x1B8B  }
0xa2: {  	_ =	swait.ge [sflag:s23], $0x1  }
0xa3: {  	[sflag:s23] =	ssyncset.done $0x0  }
0xa4: {  	s25 =	simm.s32 $0x1B8E;
	s24 =	sld [smem:$0x3FFE];
	[sflag:s23] =	ssyncadd.s32 $0xFFFFFFFF  }
0xa5: {  	s26 =	simm.s32 $execute0_lowered;
	[smem:$0x3FD2] =	sst s25  }
0xa6: {  	s5 =	sshll.u32 s26, $0x1;
	_ =	strace $0x80000046;
	[dreg:$0x1] =	wrdreg $0xFFFFFFFF  }
0xa7: {  	s28 =	simm.s32 $_size_execute0_lowered;
	s3 =	sadd.s32 s3, s5;
	[dreg:$0x0] =	wrdreg $0x0  }
0xa8: {  	s5 =	sshll.u32 s28, $0x1;
	[dreg:$0x2] =	wrdreg s3  }
0xa9: {  	[dreg:$0x3] =	wrdreg s5  }
0xaa: {  	[dreg:$0x4] =	wrdreg $0xC0  }
0xab: {  	_ =	task [dreg:s7], $0x5FFFF  }
0xac: {  	[dreg:$0x1] =	wrdreg $0xFFFFFFFF  }
0xad: {  	[dreg:$0x0] =	wrdreg $0x60  }
0xae: {  	[dreg:$0x2] =	wrdreg s24  }
0xaf: {  	[dreg:$0x3] =	wrdreg s2  }
0xb0: {  	[dreg:$0x4] =	wrdreg $0x3B800  }
0xb1: {  	[dreg:$0x5] =	wrdreg $0x9  }
0xb2: {  	_ =	task.clear_ibuf [dreg:s7], $0x6FFFF;
	_ =	strace $0x90000046  }
0xb3: {  	s29 =	simm.s32 $0x9;
	_ =	strace $0x80000048  }
0xb4: {  	_ =	swait.ge [sflag:s29], $0x1  }
0xb5: {  	[sflag:s29] =	ssyncadd.s32 $0xFFFFFFFF  }
0xb6: {  	_ =	strace $0x90000048  }
0xb7: {  	_ =	sfence  }
0xb8: {  	s30 =	sld [smem:$0x0];
	_ =	sdelay $0x2  }
0xb9: {  	s31 =	sshll.u32 s1, $0xD;
	s1 =	sshrl.u32 s1, $0x2  }
0xba: {  	s3 =	sand.u32 $0x4000, s31;
	s1 =	sadd.s32 s1, s30  }
0xbb: {  	s0 =	sor.u32 s3, s0;
	s1 =	sshll.u32 s1, $0x11  }
0xbc: {  	s0 =	sor.u32 s1, s0  }
0xbd: {  	s0 =	sadd.s32 $0x8F2B, s0  }
0xbe: {  	[sflag:s0] =	ssyncadd.remote.s32 $0x1  }
0xbf: {  	_ =	sfence.sel $0xFFFF  }
0xc0: {  	[dreg:$0x0] =	wrdreg $0xFFFFFFFF;
	(pc) =	sbr.abs _section_cstart, $3  }
0xc1: {  	[dreg:$0x1] =	wrdreg $0xFFFFFFFF  }
0xc2: {  	_ =	task.clear_ibuf [dreg:s7], $0x2FFFF;
	_ =	strace $0x9FFFFFFF  }
0xc3: {  	(tm) =	ssettm $0x7FFFFFFF  }
tec
execute0_lowered:
.L_overlay_start_1:
0x0: {  	(tag) =	ssettag $0x1  }
0x1: {  	s6 =	rddreg [dreg:$0x0]  }
0x2: {  	s2 =	rddreg [dreg:$0x1]  }
0x3: {  	s0 =	srdreg.scid;
	s3 =	rddreg [dreg:$0x2];
	s12 =	simm.s32 $0x2780  }
0x4: {  	s15 =	simm.s32 $0x28;
	s16 =	simm.s32 $0x50;
	s17 =	simm.s32 $0x78  }
0x5: {  	s18 =	simm.s32 $0xA0;
	s19 =	simm.s32 $0x1;
	s20 =	simm.s32 $0x2  }
0x6: {  	s21 =	simm.s32 $0x3;
	s5 =	sand.u32 $0x1, s0;
	s0 =	stileid.u32  }
0x7: {  	s22 =	simm.s32 $0x4;
	s23 =	simm.s32 $0x5;
	s9 =	smul.u32 $0x14000, s0  }
0x8: {  	s24 =	simm.s32 $0x0;
	s1 =	sshll.u32 s5, $0x4;
	s28 =	smul.u32 $0x140000, s5  }
0x9: {  	s8 =	sshll.u32 s0, $0x7;
	s5 =	ssub.s32 $0x2, s5;
	s29 =	smul.u32 $0x50000, s0  }
0xa: {  	s13 =	sshll.u32 s0, $0x6;
	s1 =	sor.u32 s0, s1;
	s8 =	sand.u32 $0x380, s8  }
0xb: {  	s30 =	sshrl.u32 s5, $0x1;
	s13 =	sor.u32 $0x1C06, s13;
	s4 =	sshrl.u32 s1, $0x3  }
0xc: {  	s1 =	rddreg [dreg:$0x3];
	s10 =	sshrl.u32 s9, $0x3;
	s11 =	ssub.s32 s5, s30  }
0xd: {  	s31 =	sshrl.u32 s29, $0x2;
	s7 =	smul.u32 $0x13C00, s4;
	s4 =	simm.s32 $0x0  }
0xe: {  	s10 =	sadd.s32 s10, s6;
	s14 =	sadd.s32 s31, s3;
	[smem:$0x7FF] =	sst s4  }
0xf: {  	s14 =	sshrl.u32 s14, $0x3;
	s7 =	sor.u32 s8, s7;
	s8 =	sadd.s32 s9, s28  }
0x10: {  	_ =	strace $0x80000047;
	s7 =	sshrl.u32 s7, $0x3;
	s8 =	sshrl.u32 s8, $0x3  }
0x11: {  	s9 =	simm.s32 $0x80;
	s7 =	sadd.s32 s7, s6;
	s8 =	sadd.s32 s8, s6  }
0x12: {  	s6 =	sadd.s32 $0xCC00, s10;
	s10 =	simm.s32 $0x400;
	s5 =	sadd.s32 $0x2E00, s7  }
0x13: {  	s7 =	sadd.s32 $0x34C00, s8;
	s8 =	smax.u32 s11, $0x1;
	s11 =	simm.s32 $0x6  }
.LBB2_1:
0x14: {  	[tilespmem:s4], [sflag:$0x6] =	stream.strided.gather [hbm4b:s5+s9], $0x2780, s10, s9, $0x38;
	[tilespmem:$0x17B80] =	vst v63  }
0x15: {  	_ =	swait.ge [sflag:s11], $0x2780  }
0x16: {  	[sflag:s11] =	ssyncset.done $0x0  }
0x17: {  	[sflag:s11] =	ssyncadd.s32 $0xFFFFD880  }
0x18: {  	[tilespmem:s12], [sflag:$0x6] =	stream.linear.gather [hbm4b:s2+s4], $0x1400, $0x38;
	[tilespmem:$0x17B80] =	vst v63  }
0x19: {  	_ =	swait.ge [sflag:s11], $0x1400  }
0x1a: {  	[sflag:s11] =	ssyncset.done $0x0  }
0x1b: {  	[sflag:s11] =	ssyncadd.s32 $0xFFFFEC00  }
0x1c: {  	[spmem:s14], [sflag:s13] =	dma.local [hbm:s6], $0x2800  }
0x1d: {  	_ =	swait.ge [sflag:s11], $0x2800  }
0x1e: {  	[sflag:s11] =	ssyncset.done $0x0  }
0x1f: {  	[sflag:s11] =	ssyncadd.s32 $0xFFFFD800  }
0x20: {  	[bflag:$0x0] =	sbarrier.arrive $0xFFFF  }
0x21: {  	[spmem:s3] =	stream.indirect.scatter.add.f32 [tilespmem:s12], [sflag:$0x1], $0x80, s4, s15, $0xb8;
	[tilespmem:$0x17B80] =	vst v63  }
0x22: {  	_ = 	snop  }
0x23: {  	[spmem:s3] =	stream.indirect.scatter.add.f32 [tilespmem:s12], [sflag:$0x2], $0x80, s15, s15, $0xb8;
	[tilespmem:$0x17B80] =	vst v63  }
0x24: {  	_ = 	snop  }
0x25: {  	[spmem:s3] =	stream.indirect.scatter.add.f32 [tilespmem:s12], [sflag:$0x3], $0x80, s16, s15, $0xb8;
	[tilespmem:$0x17B80] =	vst v63  }
0x26: {  	_ = 	snop  }
0x27: {  	[spmem:s3] =	stream.indirect.scatter.add.f32 [tilespmem:s12], [sflag:$0x4], $0x80, s17, s15, $0xb8;
	[tilespmem:$0x17B80] =	vst v63  }
0x28: {  	_ = 	snop  }
0x29: {  	[spmem:s3] =	stream.indirect.scatter.add.f32 [tilespmem:s12], [sflag:$0x5], $0x80, s18, s15, $0xb8;
	[tilespmem:$0x17B80] =	vst v63  }
0x2a: {  	_ =	swait.ge [sflag:s19], $0x1400  }
0x2b: {  	[sflag:s19] =	ssyncset.done $0x0  }
0x2c: {  	s25 =	simm.s32 $0xC8;
	[sflag:s19] =	ssyncadd.s32 $0xFFFFEC00  }
0x2d: {  	[spmem:s3] =	stream.indirect.scatter.add.f32 [tilespmem:s12], [sflag:$0x1], $0x80, s25, s15, $0xb8;
	[tilespmem:$0x17B80] =	vst v63  }
0x2e: {  	_ =	swait.ge [sflag:s20], $0x1400  }
0x2f: {  	[sflag:s20] =	ssyncset.done $0x0  }
0x30: {  	s29 =	simm.s32 $0xF0;
	[sflag:s20] =	ssyncadd.s32 $0xFFFFEC00  }
0x31: {  	[spmem:s3] =	stream.indirect.scatter.add.f32 [tilespmem:s12], [sflag:$0x2], $0x80, s29, s15, $0xb8;
	[tilespmem:$0x17B80] =	vst v63  }
0x32: {  	_ =	swait.ge [sflag:s21], $0x1400  }
0x33: {  	[sflag:s21] =	ssyncset.done $0x0  }
0x34: {  	s30 =	simm.s32 $0x118;
	[sflag:s21] =	ssyncadd.s32 $0xFFFFEC00  }
0x35: {  	[spmem:s3] =	stream.indirect.scatter.add.f32 [tilespmem:s12], [sflag:$0x3], $0x80, s30, s15, $0xb8;
	[tilespmem:$0x17B80] =	vst v63  }
0x36: {  	_ =	swait.ge [sflag:s22], $0x1400  }
0x37: {  	[sflag:s22] =	ssyncset.done $0x0  }
0x38: {  	s31 =	simm.s32 $0x140;
	[sflag:s22] =	ssyncadd.s32 $0xFFFFEC00  }
0x39: {  	[spmem:s3] =	stream.indirect.scatter.add.f32 [tilespmem:s12], [sflag:$0x4], $0x80, s31, s15, $0xb8;
	[tilespmem:$0x17B80] =	vst v63  }
0x3a: {  	_ =	swait.ge [sflag:s23], $0x1400  }
0x3b: {  	[sflag:s23] =	ssyncset.done $0x0  }
0x3c: {  	s26 =	simm.s32 $0x168;
	s25 =	simm.s32 $0xFFFF6A00;
	[sflag:s23] =	ssyncadd.s32 $0xFFFFEC00  }
.LBB2_2:
0x3d: {  	[spmem:s3] =	stream.indirect.scatter.add.f32 [tilespmem:s12], [sflag:$0x5], $0x80, s26, s15, $0xb8;
	[tilespmem:$0x17B80] =	vst v63  }
0x3e: {  	s26 =	smov.u32 s25  }
0x3f: {  	p0 =	sne.s32 s25, $0xFFFFFCE0;
	s25 =	sadd.s32 $0x320, s25;
	_ =	swait.ge [sflag:s19], $0x1400  }
0x40: {  	s26 =	sshra.s32 s26, $0x2;
	[sflag:s19] =	ssyncset.done $0x0  }
0x41: {  	s28 =	sadd.s32 $0x2710, s26;
	[sflag:s19] =	ssyncadd.s32 $0xFFFFEC00  }
0x42: {  	[spmem:s3] =	stream.indirect.scatter.add.f32 [tilespmem:s12], [sflag:$0x1], $0x80, s28, s15, $0xb8;
	[tilespmem:$0x17B80] =	vst v63  }
0x43: {  	_ =	swait.ge [sflag:s20], $0x1400  }
0x44: {  	[sflag:s20] =	ssyncset.done $0x0  }
0x45: {  	s28 =	sadd.s32 $0x2738, s26;
	[sflag:s20] =	ssyncadd.s32 $0xFFFFEC00  }
0x46: {  	[spmem:s3] =	stream.indirect.scatter.add.f32 [tilespmem:s12], [sflag:$0x2], $0x80, s28, s15, $0xb8;
	[tilespmem:$0x17B80] =	vst v63  }
0x47: {  	_ =	swait.ge [sflag:s21], $0x1400  }
0x48: {  	[sflag:s21] =	ssyncset.done $0x0  }
0x49: {  	s28 =	sadd.s32 $0x2760, s26;
	[sflag:s21] =	ssyncadd.s32 $0xFFFFEC00  }
0x4a: {  	[spmem:s3] =	stream.indirect.scatter.add.f32 [tilespmem:s12], [sflag:$0x3], $0x80, s28, s15, $0xb8;
	[tilespmem:$0x17B80] =	vst v63  }
0x4b: {  	_ =	swait.ge [sflag:s22], $0x1400  }
0x4c: {  	[sflag:s22] =	ssyncset.done $0x0  }
.Ltmp0:
0x4d: {  	s28 =	sadd.s32 $0x2788, s26;
	[sflag:s22] =	ssyncadd.s32 $0xFFFFEC00;
	(pc) =	sbr.rel @p0 .LBB2_2-.Ltmp0, $4  }
0x4e: {  	[spmem:s3] =	stream.indirect.scatter.add.f32 [tilespmem:s12], [sflag:$0x4], $0x80, s28, s15, $0xb8;
	[tilespmem:$0x17B80] =	vst v63  }
0x4f: {  	_ =	swait.ge [sflag:s23], $0x1400  }
0x50: {  	[sflag:s23] =	ssyncset.done $0x0  }
0x51: {  	s26 =	sadd.s32 $0x27B0, s26;
	[sflag:s23] =	ssyncadd.s32 $0xFFFFEC00  }
0x52: {  	[spmem:s3] =	stream.indirect.scatter.add.f32 [tilespmem:s12], [sflag:$0x5], $0x80, s26, s15, $0xb8;
	[tilespmem:$0x17B80] =	vst v63  }
0x53: {  	_ =	swait.ge [sflag:s19], $0x1400  }
0x54: {  	[sflag:s19] =	ssyncset.done $0x0  }
0x55: {  	[sflag:s19] =	ssyncadd.s32 $0xFFFFEC00  }
0x56: {  	_ =	swait.ge [sflag:s20], $0x1400  }
0x57: {  	[sflag:s20] =	ssyncset.done $0x0  }
0x58: {  	[sflag:s20] =	ssyncadd.s32 $0xFFFFEC00  }
0x59: {  	_ =	swait.ge [sflag:s21], $0x1400  }
0x5a: {  	[sflag:s21] =	ssyncset.done $0x0  }
0x5b: {  	[sflag:s21] =	ssyncadd.s32 $0xFFFFEC00  }
0x5c: {  	_ =	swait.ge [sflag:s22], $0x1400  }
0x5d: {  	[sflag:s22] =	ssyncset.done $0x0  }
0x5e: {  	[sflag:s22] =	ssyncadd.s32 $0xFFFFEC00  }
0x5f: {  	_ =	swait.ge [sflag:s23], $0x1400  }
0x60: {  	s24 =	sadd.s32 $0x1, s24;
	[sflag:s23] =	ssyncset.done $0x0  }
0x61: {  	p0 =	sne.s32 s24, s8;
	[sflag:s23] =	ssyncadd.s32 $0xFFFFEC00  }
.Ltmp1:
0x62: {  	[bflag:$0x0] =	sbarrier.arrive $0xFFFF;
	(pc) =	sbr.rel @p0 .LBB2_1-.Ltmp1, $4  }
0x63: {  	[hbm:s7], [sflag:s13] =	dma.local [spmem:s14], $0x2800  }
0x64: {  	_ =	swait.ge [sflag:s11], $0x2800  }
0x65: {  	[sflag:s11] =	ssyncset.done $0x0  }
0x66: {  	[sflag:s11] =	ssyncadd.s32 $0xFFFFD800  }
0x67: {  	_ =	sfence.sel $0x180000  }
0x68: {  	[bflag:$0x0] =	sbarrier.arrive $0xFFFF  }
0x69: {  	p0 =	sne.s32 s0, $0x0;
	_ =	strace $0x90000047  }
0x6a: {  	s0 =	sadd.s32 @!p0 $0x100000, s1;
	[bflag:$0x2] =	sbarrier.arrive $0xFFFF  }
0x6b: {  	[sflag:s0] =	ssyncadd.tile.s32 @!p0 $0x1;
	_ =	shalt  }
.Lfunc_end2:
_tile_overlayer_lowered:
.L_overlay_start_2:
0x6c: {  	(tag) =	ssettag $0x2  }
0x6d: {  	s0 =	rddreg [dreg:$0x0];
	s2 =	stileid.u32  }
0x6e: {  	s1 =	rddreg [dreg:$0x1];
	p0 =	sne.s32 s2, $0x0  }
0x6f: {  	s3 =	rddreg [dreg:$0x2];
	[bflag:$0x3] =	sbarrier.arrive $0xFFFF;
	s2 =	simm.s32 @!p0 $0x1C06  }
0x70: {  	[timem:s3], [sflag:s2] =	dma.local @!p0 [hbm:s0], s1  }
0x71: {  	s0 =	simm.s32 @!p0 $0x6  }
0x72: {  	_ =	swait.ge @!p0 [sflag:s0], s1  }
0x73: {  	s1 =	ssub.s32 @!p0 $0x0, s1;
	[sflag:s0] =	ssyncset.done @!p0 $0x0  }
0x74: {  	[sflag:s0] =	ssyncadd.s32 @!p0 s1  }
0x75: {  	[bflag:$0x3] =	sbarrier.arrive $0xFFFF  }
0x76: {  	_ =	shalt  }

</sc_bundles>
